<compile_context>
chip_gen: v7x
topology: tpu7x:2x2x1
jax: 0.10.2.dev20260603
libtpu: 0.0.44.dev20260713+nightly
codegen_flags: <defaults>
</compile_context>

<pallas_src>
import functools

import jax
import jax.numpy as jnp
from jax import lax
from jax.experimental import pallas as pl
from jax.experimental.pallas import tpu as pltpu
from jax.experimental.pallas import tpu_sc as plsc

_N = 10000
_E = 320000
_NC = 2
_NS = 16
_NW = _NC * _NS
_EPW = _E // _NW
_C = 400
_NCH = _EPW // _C
_C1 = 200
_NCH1 = _E // _NS // _C1
_R1 = 632
_R2 = _N - 15 * _R1

_f32 = jnp.float32


def _sc_mesh():
    return plsc.VectorSubcoreMesh(core_axis_name="c", subcore_axis_name="s")


_SC_PARAMS = pltpu.CompilerParams(use_tc_tiling_on_sc=False,
                                  needs_layout_passes=False)


def _tile_rows_copy(sid, copy_fn):

    @pl.when(sid < 15)
    def _():
        copy_fn(pl.multiple_of(sid * _R1, 8), _R1)

    @pl.when(sid == 15)
    def _():
        copy_fn(15 * _R1, _R2)


def _sc_deg_seg(g1a, g1b, src_s, dst_s, z_acc, z_deg, ones_blk):
    d = g1a.shape[1]

    @functools.partial(
        pl.kernel,
        out_type=(
            jax.ShapeDtypeStruct((_NC, _N, d), _f32),
            jax.ShapeDtypeStruct((_N, 16), _f32),
        ),
        mesh=_sc_mesh(),
        compiler_params=_SC_PARAMS,
        scratch_types=[
            pltpu.VMEM((_NCH1, _C1), jnp.int32),
            pltpu.VMEM((_NCH1, _C1), jnp.int32),
            pltpu.VMEM((_C1, d), _f32),
            pltpu.VMEM((_C1, 16), _f32),
            pltpu.VMEM_SHARED((_N, d), _f32),
            pltpu.VMEM_SHARED((_N, 16), _f32),
            pltpu.SemaphoreType.DMA,
        ],
    )
    def k(ga_hbm, gb_hbm, src_hbm, dst_hbm, zacc_hbm, zdeg_hbm, ones_hbm,
          acc_out, deg_out, src_v, dst_v, r_v, ones_v, acc, dacc, sem):
        cid = lax.axis_index("c")
        sid = lax.axis_index("s")
        pltpu.sync_copy(src_hbm.at[sid], src_v)
        pltpu.sync_copy(dst_hbm.at[sid], dst_v)
        pltpu.sync_copy(ones_hbm, ones_v)

        def zero_rows(r0, nr):
            pltpu.sync_copy(zacc_hbm.at[pl.ds(r0, nr)], acc.at[pl.ds(r0, nr)])
            pltpu.sync_copy(zdeg_hbm.at[pl.ds(r0, nr)], dacc.at[pl.ds(r0, nr)])

        _tile_rows_copy(sid, zero_rows)
        plsc.subcore_barrier()

        @pl.when(cid == 0)
        def _():
            def step(j, carry):
                sj = src_v.at[j]
                dj = dst_v.at[j]
                pltpu.async_copy(ga_hbm.at[sj], r_v, sem).wait()
                pltpu.sync_copy(r_v, acc.at[dj], add=True)
                pltpu.sync_copy(ones_v, dacc.at[dj], add=True)
                return carry

            lax.fori_loop(0, _NCH1, step, 0)

        @pl.when(cid == 1)
        def _():
            def step(j, carry):
                sj = src_v.at[j]
                dj = dst_v.at[j]
                pltpu.async_copy(gb_hbm.at[sj], r_v, sem).wait()
                pltpu.sync_copy(r_v, acc.at[dj], add=True)
                return carry

            lax.fori_loop(0, _NCH1, step, 0)

        plsc.subcore_barrier()

        def write_rows(r0, nr):
            pltpu.sync_copy(acc.at[pl.ds(r0, nr)],
                            acc_out.at[cid, pl.ds(r0, nr)])

        _tile_rows_copy(sid, write_rows)

        @pl.when(cid == 0)
        def _():
            def write_deg(r0, nr):
                pltpu.sync_copy(dacc.at[pl.ds(r0, nr)],
                                deg_out.at[pl.ds(r0, nr)])

            _tile_rows_copy(sid, write_deg)

    return k(g1a, g1b, src_s, dst_s, z_acc, z_deg, ones_blk)


def _sc_cond_seg(p, g, src_t, dst_t, z_acc):
    d = p.shape[1]

    @functools.partial(
        pl.kernel,
        out_type=(
            jax.ShapeDtypeStruct((_E, d), _f32),
            jax.ShapeDtypeStruct((_E, d), _f32),
            jax.ShapeDtypeStruct((_NC, _N, d), _f32),
        ),
        mesh=_sc_mesh(),
        compiler_params=_SC_PARAMS,
        scratch_types=[
            pltpu.VMEM((_NCH, _C), jnp.int32),
            pltpu.VMEM((_NCH, _C), jnp.int32),
            pltpu.VMEM((_C, d), _f32),
            pltpu.VMEM((_C, d), _f32),
            pltpu.VMEM_SHARED((_N, d), _f32),
            pltpu.SemaphoreType.DMA,
        ],
    )
    def k(p_hbm, g_hbm, src_hbm, dst_hbm, zacc_hbm,
          es_out, ed_out, acc_out, src_v, dst_v, e_v, r_v, acc, sem):
        cid = lax.axis_index("c")
        sid = lax.axis_index("s")
        wid = sid * _NC + cid
        pltpu.sync_copy(src_hbm.at[wid], src_v)
        pltpu.sync_copy(dst_hbm.at[wid], dst_v)

        def zero_rows(r0, nr):
            pltpu.sync_copy(zacc_hbm.at[pl.ds(r0, nr)], acc.at[pl.ds(r0, nr)])

        _tile_rows_copy(sid, zero_rows)
        plsc.subcore_barrier()

        def step(j, carry):
            sj = src_v.at[j]
            dj = dst_v.at[j]
            base = pl.multiple_of(wid * _EPW + j * _C, 16)
            pltpu.async_copy(p_hbm.at[sj], e_v, sem).wait()
            pltpu.sync_copy(e_v, es_out.at[pl.ds(base, _C)])
            pltpu.async_copy(p_hbm.at[dj], e_v, sem).wait()
            pltpu.sync_copy(e_v, ed_out.at[pl.ds(base, _C)])
            pltpu.async_copy(g_hbm.at[sj], r_v, sem).wait()
            pltpu.sync_copy(r_v, acc.at[dj], add=True)
            return carry

        lax.fori_loop(0, _NCH, step, 0)
        plsc.subcore_barrier()

        def write_rows(r0, nr):
            pltpu.sync_copy(acc.at[pl.ds(r0, nr)],
                            acc_out.at[cid, pl.ds(r0, nr)])

        _tile_rows_copy(sid, write_rows)

    return k(p, g, src_t, dst_t, z_acc)


def _sc_final(p3, t2, src_f, dst_f):

    @functools.partial(
        pl.kernel,
        out_type=jax.ShapeDtypeStruct((_E,), _f32),
        mesh=_sc_mesh(),
        compiler_params=_SC_PARAMS,
        scratch_types=[
            pltpu.VMEM((_N,), _f32),
            pltpu.VMEM((_EPW,), _f32),
            pltpu.VMEM((_EPW,), jnp.int32),
            pltpu.VMEM((_EPW,), jnp.int32),
            pltpu.VMEM((_EPW,), _f32),
        ],
    )
    def k(p3_hbm, t2_hbm, src_hbm, dst_hbm, out_hbm, p3_v, t_v, s_v, d_v, o_v):
        cid = lax.axis_index("c")
        sid = lax.axis_index("s")
        wid = sid * _NC + cid
        e0 = pl.multiple_of(wid * _EPW, 8)
        pltpu.sync_copy(p3_hbm, p3_v)
        pltpu.sync_copy(t2_hbm.at[pl.ds(e0, _EPW)], t_v)
        pltpu.sync_copy(src_hbm.at[pl.ds(e0, _EPW)], s_v)
        pltpu.sync_copy(dst_hbm.at[pl.ds(e0, _EPW)], d_v)

        def step(kk, carry):
            off = pl.multiple_of(kk * 16, 16)
            s16 = s_v[pl.ds(off, 16)]
            d16 = d_v[pl.ds(off, 16)]
            a = plsc.load_gather(p3_v, [s16])
            b = plsc.load_gather(p3_v, [d16])
            z = t_v[pl.ds(off, 16)] + jnp.maximum(a + b, 0.0)
            o_v[pl.ds(off, 16)] = 1.0 / (1.0 + jnp.exp(-z))
            return carry

        lax.fori_loop(0, _EPW // 16, step, 0)
        pltpu.sync_copy(o_v, out_hbm.at[pl.ds(e0, _EPW)])

    return k(p3, t2, src_f, dst_f)


def _tc_mm(x, w, br=1000):
    n, _ = x.shape
    dout = w.shape[1]

    def body(x_ref, w_ref, o_ref):
        o_ref[...] = jnp.dot(x_ref[...], w_ref[...],
                             preferred_element_type=_f32)

    return pl.pallas_call(
        body,
        grid=(n // br,),
        in_specs=[
            pl.BlockSpec((br, x.shape[1]), lambda i: (i, 0)),
            pl.BlockSpec(w.shape, lambda i: (0, 0)),
        ],
        out_specs=pl.BlockSpec((br, dout), lambda i: (i, 0)),
        out_shape=jax.ShapeDtypeStruct((n, dout), _f32),
    )(x, w)


def _tc_node1(ga, gb, aa, ab, cdeg, ba, bb, wpa, wpb, wga, wgb):
    br = 1000
    d = ga.shape[1]

    def body(ga_ref, gb_ref, aa_ref, ab_ref, c_ref, ba_ref, bb_ref,
             wpa_ref, wpb_ref, wga_ref, wgb_ref, p_ref, gn_ref, dinv_ref):
        cnt = c_ref[:, 0:1]
        dinv = 1.0 / jnp.maximum(cnt, 1.0)
        ha = jnp.maximum(ga_ref[...] + aa_ref[...] * dinv + ba_ref[...], 0.0)
        hb = jnp.maximum(gb_ref[...] + ab_ref[...] * dinv + bb_ref[...], 0.0)
        p_ref[...] = (jnp.dot(ha, wpa_ref[...], preferred_element_type=_f32)
                      + jnp.dot(hb, wpb_ref[...], preferred_element_type=_f32))
        gn_ref[...] = (jnp.dot(ha, wga_ref[...], preferred_element_type=_f32)
                       + jnp.dot(hb, wgb_ref[...], preferred_element_type=_f32))
        dinv_ref[...] = dinv

    return pl.pallas_call(
        body,
        grid=(_N // br,),
        in_specs=[
            pl.BlockSpec((br, d), lambda i: (i, 0)),
            pl.BlockSpec((br, d), lambda i: (i, 0)),
            pl.BlockSpec((br, d), lambda i: (i, 0)),
            pl.BlockSpec((br, d), lambda i: (i, 0)),
            pl.BlockSpec((br, 16), lambda i: (i, 0)),
            pl.BlockSpec((1, d), lambda i: (0, 0)),
            pl.BlockSpec((1, d), lambda i: (0, 0)),
            pl.BlockSpec(wpa.shape, lambda i: (0, 0)),
            pl.BlockSpec(wpb.shape, lambda i: (0, 0)),
            pl.BlockSpec(wga.shape, lambda i: (0, 0)),
            pl.BlockSpec(wgb.shape, lambda i: (0, 0)),
        ],
        out_specs=[
            pl.BlockSpec((br, wpa.shape[1]), lambda i: (i, 0)),
            pl.BlockSpec((br, wga.shape[1]), lambda i: (i, 0)),
            pl.BlockSpec((br, 1), lambda i: (i, 0)),
        ],
        out_shape=[
            jax.ShapeDtypeStruct((_N, wpa.shape[1]), _f32),
            jax.ShapeDtypeStruct((_N, wga.shape[1]), _f32),
            jax.ShapeDtypeStruct((_N, 1), _f32),
        ],
    )(ga, gb, aa, ab, cdeg, ba, bb, wpa, wpb, wga, wgb)


def _tc_node(g, a0, a1, dinv, b, wp, wg):
    br = 1000
    d = g.shape[1]

    def body(g_ref, a0_ref, a1_ref, dinv_ref, b_ref, wp_ref, wg_ref,
             p_ref, gn_ref):
        h = jnp.maximum(
            g_ref[...] + (a0_ref[...] + a1_ref[...]) * dinv_ref[...]
            + b_ref[...], 0.0)
        p_ref[...] = jnp.dot(h, wp_ref[...], preferred_element_type=_f32)
        gn_ref[...] = jnp.dot(h, wg_ref[...], preferred_element_type=_f32)

    return pl.pallas_call(
        body,
        grid=(_N // br,),
        in_specs=[
            pl.BlockSpec((br, d), lambda i: (i, 0)),
            pl.BlockSpec((br, d), lambda i: (i, 0)),
            pl.BlockSpec((br, d), lambda i: (i, 0)),
            pl.BlockSpec((br, 1), lambda i: (i, 0)),
            pl.BlockSpec((1, d), lambda i: (0, 0)),
            pl.BlockSpec(wp.shape, lambda i: (0, 0)),
            pl.BlockSpec(wg.shape, lambda i: (0, 0)),
        ],
        out_specs=[
            pl.BlockSpec((br, wp.shape[1]), lambda i: (i, 0)),
            pl.BlockSpec((br, wg.shape[1]), lambda i: (i, 0)),
        ],
        out_shape=[
            jax.ShapeDtypeStruct((_N, wp.shape[1]), _f32),
            jax.ShapeDtypeStruct((_N, wg.shape[1]), _f32),
        ],
    )(g, a0, a1, dinv, b, wp, wg)


def _tc_node_last(g, a0, a1, dinv, b, wp, shift):
    br = 1000
    d = g.shape[1]

    def body(g_ref, a0_ref, a1_ref, dinv_ref, b_ref, wp_ref, s_ref, p_ref):
        h = jnp.maximum(
            g_ref[...] + (a0_ref[...] + a1_ref[...]) * dinv_ref[...]
            + b_ref[...], 0.0)
        p_ref[...] = jnp.dot(h, wp_ref[...],
                             preferred_element_type=_f32) + s_ref[...]

    return pl.pallas_call(
        body,
        grid=(_N // br,),
        in_specs=[
            pl.BlockSpec((br, d), lambda i: (i, 0)),
            pl.BlockSpec((br, d), lambda i: (i, 0)),
            pl.BlockSpec((br, d), lambda i: (i, 0)),
            pl.BlockSpec((br, 1), lambda i: (i, 0)),
            pl.BlockSpec((1, d), lambda i: (0, 0)),
            pl.BlockSpec(wp.shape, lambda i: (0, 0)),
            pl.BlockSpec((1, 1), lambda i: (0, 0)),
        ],
        out_specs=pl.BlockSpec((br, 1), lambda i: (i, 0)),
        out_shape=jax.ShapeDtypeStruct((_N, 1), _f32),
    )(g, a0, a1, dinv, b, wp, shift)


def _tc_edge1(es, ed, bc, wf, br=8000):
    d = es.shape[1]

    def body(es_ref, ed_ref, bc_ref, wf_ref, t_ref):
        ce = jnp.maximum(es_ref[...] + ed_ref[...] + bc_ref[...], 0.0)
        t_ref[...] = jnp.dot(ce, wf_ref[...], preferred_element_type=_f32)

    return pl.pallas_call(
        body,
        grid=(_E // br,),
        in_specs=[
            pl.BlockSpec((br, d), lambda i: (i, 0)),
            pl.BlockSpec((br, d), lambda i: (i, 0)),
            pl.BlockSpec((1, d), lambda i: (0, 0)),
            pl.BlockSpec(wf.shape, lambda i: (0, 0)),
        ],
        out_specs=pl.BlockSpec((br, wf.shape[1]), lambda i: (i, 0)),
        out_shape=jax.ShapeDtypeStruct((_E, wf.shape[1]), _f32),
    )(es, ed, bc, wf)


def _tc_edge2(t1, e2s, e2d, bc2, bf1, wf2, bf2, br=8000):
    d = t1.shape[1]

    def body(t1_ref, es_ref, ed_ref, bc2_ref, bf1_ref, wf2_ref, bf2_ref,
             o_ref):
        ce2 = jnp.maximum(es_ref[...] + ed_ref[...] + bc2_ref[...], 0.0)
        z = t1_ref[...] + bf1_ref[...] + ce2
        f1 = 1.0 / (1.0 + jnp.exp(-z))
        o_ref[...] = jnp.dot(f1, wf2_ref[...],
                             preferred_element_type=_f32) + bf2_ref[...]

    return pl.pallas_call(
        body,
        grid=(_E // br,),
        in_specs=[
            pl.BlockSpec((br, d), lambda i: (i, 0)),
            pl.BlockSpec((br, d), lambda i: (i, 0)),
            pl.BlockSpec((br, d), lambda i: (i, 0)),
            pl.BlockSpec((1, d), lambda i: (0, 0)),
            pl.BlockSpec((1, d), lambda i: (0, 0)),
            pl.BlockSpec(wf2.shape, lambda i: (0, 0)),
            pl.BlockSpec((1, 1), lambda i: (0, 0)),
        ],
        out_specs=pl.BlockSpec((br, 1), lambda i: (i, 0)),
        out_shape=jax.ShapeDtypeStruct((_E, 1), _f32),
    )(t1, e2s, e2d, bc2, bf1, wf2, bf2)


def kernel(x, edge_index, W1, b1, Wc1, bc1, W2, b2, Wc2, bc2, W3, b3,
           Wc3, bc3, Wf1, bf1, Wf2, bf2):
    src = edge_index[0]
    dst = edge_index[1]
    src_t = src.reshape(_NW, _NCH, _C)
    dst_t = dst.reshape(_NW, _NCH, _C)
    src_s = src.reshape(_NS, _NCH1, _C1)
    dst_s = dst.reshape(_NS, _NCH1, _C1)
    z64 = jnp.zeros((_N, 64), _f32)
    z32 = jnp.zeros((_N, 32), _f32)
    z16 = jnp.zeros((_N, 16), _f32)
    ones16 = jnp.ones((_C1, 16), _f32)

    g1a = _tc_mm(x, W1[:, :64])
    g1b = _tc_mm(x, W1[:, 64:])
    a1p, deg = _sc_deg_seg(g1a, g1b, src_s, dst_s, z64, z16, ones16)
    p1, g2, dinv = _tc_node1(g1a, g1b, a1p[0], a1p[1], deg,
                             b1[:64].reshape(1, -1), b1[64:].reshape(1, -1),
                             Wc1[:64], Wc1[64:], W2[:64], W2[64:])
    e1s, e1d, a2p = _sc_cond_seg(p1, g2, src_t, dst_t, z64)
    p2, g3 = _tc_node(g2, a2p[0], a2p[1], dinv,
                      b2.reshape(1, -1), Wc2, W3)
    t1 = _tc_edge1(e1s, e1d, bc1.reshape(1, -1), Wf1)
    e2s, e2d, a3p = _sc_cond_seg(p2, g3, src_t, dst_t, z32)
    p3b = _tc_node_last(g3, a3p[0], a3p[1], dinv, b3.reshape(1, -1),
                        Wc3, (0.5 * bc3).reshape(1, 1))
    t2 = _tc_edge2(t1, e2s, e2d, bc2.reshape(1, -1), bf1.reshape(1, -1),
                   Wf2, bf2.reshape(1, 1))
    out = _sc_final(p3b.reshape(_N), t2.reshape(_E), src, dst)
    return out.reshape(_E, 1)

# --- scband reference (transcript-rebuilt; emitter-appended) ---
"""Pipeline reference for scband-conduit-gnn-41489384079773 (READ-ONLY COPY).

The authoritative reference and input builder live on the scoring server;
editing this copy changes nothing except your own understanding.
"""

import jax, jax.numpy as jnp
import numpy as np

N = 10000
E = 320000
D_IN = 128
S1 = 128
S2 = 64
S3 = 32


def _w(key, fan_in, fan_out):
    return jax.random.normal(key, (fan_in, fan_out), dtype=jnp.float32) * (1.0 / np.sqrt(fan_in))


def setup_inputs(seed: int = 0) -> dict:
    key = jax.random.key(seed)
    ks = jax.random.split(key, 12)
    x = jax.random.normal(ks[0], (N, D_IN), dtype=jnp.float32)
    edge_index = jax.random.randint(ks[1], (2, E), 0, N, dtype=jnp.int32)
    params = {
        'W1': _w(ks[2], D_IN, S1), 'b1': jnp.zeros((S1,), jnp.float32),
        'Wc1': _w(ks[3], S1, S2), 'bc1': jnp.zeros((S2,), jnp.float32),
        'W2': _w(ks[4], S1, S2), 'b2': jnp.zeros((S2,), jnp.float32),
        'Wc2': _w(ks[5], S2, S3), 'bc2': jnp.zeros((S3,), jnp.float32),
        'W3': _w(ks[6], S2, S3), 'b3': jnp.zeros((S3,), jnp.float32),
        'Wc3': _w(ks[7], S3, 1), 'bc3': jnp.zeros((1,), jnp.float32),
        'Wf1': _w(ks[8], S2, S3), 'bf1': jnp.zeros((S3,), jnp.float32),
        'Wf2': _w(ks[9], S3, 1), 'bf2': jnp.zeros((1,), jnp.float32),
    }
    return dict(x=x, edge_index=edge_index, **params)


def reference(x, edge_index, W1, b1, Wc1, bc1, W2, b2, Wc2, bc2, W3, b3, Wc3, bc3, Wf1, bf1, Wf2, bf2):
    src = edge_index[0]
    dst = edge_index[1]
    deg = jnp.clip(jax.ops.segment_sum(jnp.ones((E,), jnp.float32), dst, num_segments=N), 1.0, None)

    def node_layer(h, W, b):
        agg = jax.ops.segment_sum(h[src], dst, num_segments=N) / deg[:, None]
        return jax.nn.relu((h + agg) @ W + b)

    def conduit_layer(h, W, b):
        return jax.nn.relu((h[src] + h[dst]) @ W + b)

    h1 = node_layer(x, W1, b1)
    ce1 = conduit_layer(h1, Wc1, bc1)
    h2 = node_layer(h1, W2, b2)
    ce2 = conduit_layer(h2, Wc2, bc2)
    fused1 = jax.nn.sigmoid(ce1 @ Wf1 + bf1 + ce2)
    h3 = node_layer(h2, W3, b3)
    ce3 = conduit_layer(h3, Wc3, bc3)
    fused2 = jax.nn.sigmoid(fused1 @ Wf2 + bf2 + ce3)
    output = jnp.zeros((E, 1), jnp.float32) + fused2
    return output

if __name__ == "__main__":
    import jax
    _d = setup_inputs()
    print(jax.jit(kernel)(*tuple(_d.values())))

</pallas_src>

<mosaic_0001>
#map = affine_map<(d0, d1) -> (0)>
module attributes {stable_mosaic.version = 14 : i64} {
  func.func @k(%arg0: i32, %arg1: i32, %arg2: memref<10000xf32, #tpu.memory_space<hbm>>, %arg3: memref<320000xf32, #tpu.memory_space<hbm>>, %arg4: memref<320000xi32, #tpu.memory_space<hbm>>, %arg5: memref<320000xi32, #tpu.memory_space<hbm>>, %arg6: memref<320000xf32, #tpu.memory_space<hbm>>, %arg7: memref<10000xf32, #tpu.memory_space<vmem>>, %arg8: memref<10000xf32, #tpu.memory_space<vmem>>, %arg9: memref<10000xi32, #tpu.memory_space<vmem>>, %arg10: memref<10000xi32, #tpu.memory_space<vmem>>, %arg11: memref<10000xf32, #tpu.memory_space<vmem>>) attributes {dimension_semantics = [#tpu.dimension_semantics<core_parallel>, #tpu.dimension_semantics<subcore_parallel>], iteration_bounds = array<i64: 2, 16>, scalar_prefetch = 0 : i64, scratch_operands = 5 : i64, tpu.core_type = #tpu.core_type<sc_vector_subcore>, window_params = [{transform_indices = #map}, {transform_indices = #map}, {transform_indices = #map}, {transform_indices = #map}, {transform_indices = #map}]} {
    %mul3A = arith.constant 2 : i32
    %mul3A_0 = arith.muli %arg1, %mul3A : i32
    %add3A = arith.addi %mul3A_0, %arg0 : i32
    %mul3A_1 = arith.constant 10000 : i32
    %mul3A_2 = arith.muli %add3A, %mul3A_1 : i32
    %multiple_of3A = tpu.assume_multiple %mul3A_2, 8 : i32
    "tpu.region"() ({
      %run_scoped3A = tpu.sem_alloc : memref<!tpu.dma_semaphore, #tpu.memory_space<semaphore_mem>>
      tpu.enqueue_dma source(%arg2 : memref<10000xf32, #tpu.memory_space<hbm>>) target(%arg7 : memref<10000xf32, #tpu.memory_space<vmem>>) target_semaphore(%run_scoped3A : memref<!tpu.dma_semaphore, #tpu.memory_space<semaphore_mem>>)
      tpu.wait_dma2 semaphore(%run_scoped3A : memref<!tpu.dma_semaphore, #tpu.memory_space<semaphore_mem>>) src(%arg2 : memref<10000xf32, #tpu.memory_space<hbm>>) dst(%arg7 : memref<10000xf32, #tpu.memory_space<vmem>>)
      tpu.yield
    }) : () -> ()
    "tpu.region"() ({
      %run_scoped3A = tpu.sem_alloc : memref<!tpu.dma_semaphore, #tpu.memory_space<semaphore_mem>>
      %dma_start3A = tpu.memref_slice %arg3[%multiple_of3A] : memref<320000xf32, #tpu.memory_space<hbm>> -> memref<10000xf32, #tpu.memory_space<hbm>>
      %dma_start3A_8 = tpu.memref_slice %arg3[%multiple_of3A] : memref<320000xf32, #tpu.memory_space<hbm>> -> memref<10000xf32, #tpu.memory_space<hbm>>
      tpu.enqueue_dma source(%dma_start3A_8 : memref<10000xf32, #tpu.memory_space<hbm>>) target(%arg8 : memref<10000xf32, #tpu.memory_space<vmem>>) target_semaphore(%run_scoped3A : memref<!tpu.dma_semaphore, #tpu.memory_space<semaphore_mem>>)
      %dma_wait3A = tpu.memref_slice %arg3[%multiple_of3A] : memref<320000xf32, #tpu.memory_space<hbm>> -> memref<10000xf32, #tpu.memory_space<hbm>>
      %dma_wait3A_9 = tpu.memref_slice %arg3[%multiple_of3A] : memref<320000xf32, #tpu.memory_space<hbm>> -> memref<10000xf32, #tpu.memory_space<hbm>>
      tpu.wait_dma2 semaphore(%run_scoped3A : memref<!tpu.dma_semaphore, #tpu.memory_space<semaphore_mem>>) src(%dma_wait3A_9 : memref<10000xf32, #tpu.memory_space<hbm>>) dst(%arg8 : memref<10000xf32, #tpu.memory_space<vmem>>)
      tpu.yield
    }) : () -> ()
    "tpu.region"() ({
      %run_scoped3A = tpu.sem_alloc : memref<!tpu.dma_semaphore, #tpu.memory_space<semaphore_mem>>
      %dma_start3A = tpu.memref_slice %arg4[%multiple_of3A] : memref<320000xi32, #tpu.memory_space<hbm>> -> memref<10000xi32, #tpu.memory_space<hbm>>
      %dma_start3A_8 = tpu.memref_slice %arg4[%multiple_of3A] : memref<320000xi32, #tpu.memory_space<hbm>> -> memref<10000xi32, #tpu.memory_space<hbm>>
      tpu.enqueue_dma source(%dma_start3A_8 : memref<10000xi32, #tpu.memory_space<hbm>>) target(%arg9 : memref<10000xi32, #tpu.memory_space<vmem>>) target_semaphore(%run_scoped3A : memref<!tpu.dma_semaphore, #tpu.memory_space<semaphore_mem>>)
      %dma_wait3A = tpu.memref_slice %arg4[%multiple_of3A] : memref<320000xi32, #tpu.memory_space<hbm>> -> memref<10000xi32, #tpu.memory_space<hbm>>
      %dma_wait3A_9 = tpu.memref_slice %arg4[%multiple_of3A] : memref<320000xi32, #tpu.memory_space<hbm>> -> memref<10000xi32, #tpu.memory_space<hbm>>
      tpu.wait_dma2 semaphore(%run_scoped3A : memref<!tpu.dma_semaphore, #tpu.memory_space<semaphore_mem>>) src(%dma_wait3A_9 : memref<10000xi32, #tpu.memory_space<hbm>>) dst(%arg9 : memref<10000xi32, #tpu.memory_space<vmem>>)
      tpu.yield
    }) : () -> ()
    "tpu.region"() ({
      %run_scoped3A = tpu.sem_alloc : memref<!tpu.dma_semaphore, #tpu.memory_space<semaphore_mem>>
      %dma_start3A = tpu.memref_slice %arg5[%multiple_of3A] : memref<320000xi32, #tpu.memory_space<hbm>> -> memref<10000xi32, #tpu.memory_space<hbm>>
      %dma_start3A_8 = tpu.memref_slice %arg5[%multiple_of3A] : memref<320000xi32, #tpu.memory_space<hbm>> -> memref<10000xi32, #tpu.memory_space<hbm>>
      tpu.enqueue_dma source(%dma_start3A_8 : memref<10000xi32, #tpu.memory_space<hbm>>) target(%arg10 : memref<10000xi32, #tpu.memory_space<vmem>>) target_semaphore(%run_scoped3A : memref<!tpu.dma_semaphore, #tpu.memory_space<semaphore_mem>>)
      %dma_wait3A = tpu.memref_slice %arg5[%multiple_of3A] : memref<320000xi32, #tpu.memory_space<hbm>> -> memref<10000xi32, #tpu.memory_space<hbm>>
      %dma_wait3A_9 = tpu.memref_slice %arg5[%multiple_of3A] : memref<320000xi32, #tpu.memory_space<hbm>> -> memref<10000xi32, #tpu.memory_space<hbm>>
      tpu.wait_dma2 semaphore(%run_scoped3A : memref<!tpu.dma_semaphore, #tpu.memory_space<semaphore_mem>>) src(%dma_wait3A_9 : memref<10000xi32, #tpu.memory_space<hbm>>) dst(%arg10 : memref<10000xi32, #tpu.memory_space<vmem>>)
      tpu.yield
    }) : () -> ()
    %scan3A = arith.constant 0 : i32
    %scan3A_3 = arith.constant 0 : i32
    %scan3A_4 = arith.constant 625 : i32
    %scan3A_5 = arith.addi %scan3A_3, %scan3A_4 : i32
    %scan3A_6 = arith.constant 1 : i32
    scf.for %scan3A_8 = %scan3A_3 to %scan3A_5 step %scan3A_6  : i32 {
      %mul3A_9 = arith.constant 16 : i32
      %mul3A_10 = arith.muli %scan3A_8, %mul3A_9 : i32
      %multiple_of3A_11 = tpu.assume_multiple %mul3A_10, 16 : i32
      %get3A = arith.index_cast %multiple_of3A_11 : i32 to index
      %get3A_12 = tpu.vector_load %arg9[%get3A] {strides = array<i32>} : memref<10000xi32, #tpu.memory_space<vmem>>, vector<16xi32>,
      %get3A_13 = arith.index_cast %multiple_of3A_11 : i32 to index
      %get3A_14 = tpu.vector_load %arg10[%get3A_13] {strides = array<i32>} : memref<10000xi32, #tpu.memory_space<vmem>>, vector<16xi32>,
      %gather3A = tpu.vector_load_idx %arg7[%get3A_12] : memref<10000xf32, #tpu.memory_space<vmem>>[vector<16xi32>], vector<16xf32>,
      %gather3A_15 = tpu.vector_load_idx %arg7[%get3A_14] : memref<10000xf32, #tpu.memory_space<vmem>>[vector<16xi32>], vector<16xf32>,
      %get3A_16 = arith.index_cast %multiple_of3A_11 : i32 to index
      %get3A_17 = tpu.vector_load %arg8[%get3A_16] {strides = array<i32>} : memref<10000xf32, #tpu.memory_space<vmem>>, vector<16xf32>,
      %add3A_18 = arith.addf %gather3A, %gather3A_15 : vector<16xf32>
      %max3A = arith.constant 0.000000e+00 : f32
      %max3A_19 = vector.broadcast %max3A : f32 to vector<16xf32>
      %max3A_20 = arith.maximumf %add3A_18, %max3A_19 : vector<16xf32>
      %add3A_21 = arith.addf %get3A_17, %max3A_20 : vector<16xf32>
      %neg3A = arith.constant 0.000000e+00 : f32
      %neg3A_22 = vector.broadcast %neg3A : f32 to vector<16xf32>
      %neg3A_23 = arith.subf %neg3A_22, %add3A_21 : vector<16xf32>
      %exp3A = math.exp %neg3A_23 : vector<16xf32>
      %add3A_24 = arith.constant 1.000000e+00 : f32
      %add3A_25 = vector.broadcast %add3A_24 : f32 to vector<16xf32>
      %add3A_26 = arith.addf %add3A_25, %exp3A : vector<16xf32>
      %div3A = arith.constant 1.000000e+00 : f32
      %div3A_27 = vector.broadcast %div3A : f32 to vector<16xf32>
      %div3A_28 = arith.divf %div3A_27, %add3A_26 : vector<16xf32>
      %swap3A = arith.index_cast %multiple_of3A_11 : i32 to index
      %swap3A_29 = tpu.vector_load %arg11[%swap3A] {strides = array<i32>} : memref<10000xf32, #tpu.memory_space<vmem>>, vector<16xf32>,
      tpu.vector_store %arg11[%swap3A], %div3A_28 {strides = array<i32>} : memref<10000xf32, #tpu.memory_space<vmem>>, vector<16xf32>,
    }
    %scan3A_7 = arith.constant 625 : i32
    "tpu.region"() ({
      %run_scoped3A = tpu.sem_alloc : memref<!tpu.dma_semaphore, #tpu.memory_space<semaphore_mem>>
      %dma_start3A = tpu.memref_slice %arg6[%multiple_of3A] : memref<320000xf32, #tpu.memory_space<hbm>> -> memref<10000xf32, #tpu.memory_space<hbm>>
      %dma_start3A_8 = tpu.memref_slice %arg6[%multiple_of3A] : memref<320000xf32, #tpu.memory_space<hbm>> -> memref<10000xf32, #tpu.memory_space<hbm>>
      tpu.enqueue_dma source(%arg11 : memref<10000xf32, #tpu.memory_space<vmem>>) target(%dma_start3A_8 : memref<10000xf32, #tpu.memory_space<hbm>>) target_semaphore(%run_scoped3A : memref<!tpu.dma_semaphore, #tpu.memory_space<semaphore_mem>>)
      %dma_wait3A = tpu.memref_slice %arg6[%multiple_of3A] : memref<320000xf32, #tpu.memory_space<hbm>> -> memref<10000xf32, #tpu.memory_space<hbm>>
      %dma_wait3A_9 = tpu.memref_slice %arg6[%multiple_of3A] : memref<320000xf32, #tpu.memory_space<hbm>> -> memref<10000xf32, #tpu.memory_space<hbm>>
      tpu.wait_dma2 semaphore(%run_scoped3A : memref<!tpu.dma_semaphore, #tpu.memory_space<semaphore_mem>>) src(%arg11 : memref<10000xf32, #tpu.memory_space<vmem>>) dst(%dma_wait3A_9 : memref<10000xf32, #tpu.memory_space<hbm>>)
      tpu.yield
    }) : () -> ()
    return
  }
}

#map = affine_map<(d0, d1) -> (0, 0)>
#map1 = affine_map<(d0, d1) -> (0, 0, 0)>
module attributes {stable_mosaic.version = 14 : i64} {
  func.func @k(%arg0: i32, %arg1: i32, %arg2: memref<10000x64xf32, #tpu.memory_space<hbm>>, %arg3: memref<10000x64xf32, #tpu.memory_space<hbm>>, %arg4: memref<16x100x200xi32, #tpu.memory_space<hbm>>, %arg5: memref<16x100x200xi32, #tpu.memory_space<hbm>>, %arg6: memref<10000x64xf32, #tpu.memory_space<hbm>>, %arg7: memref<10000x16xf32, #tpu.memory_space<hbm>>, %arg8: memref<200x16xf32, #tpu.memory_space<hbm>>, %arg9: memref<2x10000x64xf32, #tpu.memory_space<hbm>>, %arg10: memref<10000x16xf32, #tpu.memory_space<hbm>>, %arg11: memref<100x200xi32, #tpu.memory_space<vmem>>, %arg12: memref<100x200xi32, #tpu.memory_space<vmem>>, %arg13: memref<200x64xf32, #tpu.memory_space<vmem>>, %arg14: memref<200x16xf32, #tpu.memory_space<vmem>>, %arg15: memref<10000x64xf32, #tpu.memory_space<vmem_shared>>, %arg16: memref<10000x16xf32, #tpu.memory_space<vmem_shared>>, %arg17: memref<!tpu.dma_semaphore, #tpu.memory_space<semaphore_mem>>) attributes {dimension_semantics = [#tpu.dimension_semantics<core_parallel>, #tpu.dimension_semantics<subcore_parallel>], iteration_bounds = array<i64: 2, 16>, scalar_prefetch = 0 : i64, scratch_operands = 7 : i64, tpu.core_type = #tpu.core_type<sc_vector_subcore>, window_params = [{transform_indices = #map}, {transform_indices = #map}, {transform_indices = #map1}, {transform_indices = #map1}, {transform_indices = #map}, {transform_indices = #map}, {transform_indices = #map}, {transform_indices = #map1}, {transform_indices = #map}]} {
    "tpu.region"() ({
      %run_scoped3A = tpu.sem_alloc : memref<!tpu.dma_semaphore, #tpu.memory_space<semaphore_mem>>
      %dma_start3A = arith.constant 0 : i32
      %dma_start3A_32 = arith.constant 0 : i32
      %dma_start3A_33 = tpu.memref_slice %arg4[%arg1, %dma_start3A, %dma_start3A_32] : memref<16x100x200xi32, #tpu.memory_space<hbm>> -> memref<1x100x200xi32, #tpu.memory_space<hbm>>
      %dma_start3A_34 = tpu.memref_squeeze %dma_start3A_33 : memref<1x100x200xi32, #tpu.memory_space<hbm>> -> memref<100x200xi32, #tpu.memory_space<hbm>>
      %dma_start3A_35 = arith.constant 0 : i32
      %dma_start3A_36 = arith.constant 0 : i32
      %dma_start3A_37 = tpu.memref_slice %arg4[%arg1, %dma_start3A_35, %dma_start3A_36] : memref<16x100x200xi32, #tpu.memory_space<hbm>> -> memref<1x100x200xi32, #tpu.memory_space<hbm>>
      %dma_start3A_38 = tpu.memref_squeeze %dma_start3A_37 : memref<1x100x200xi32, #tpu.memory_space<hbm>> -> memref<100x200xi32, #tpu.memory_space<hbm>>
      tpu.enqueue_dma source(%dma_start3A_38 : memref<100x200xi32, #tpu.memory_space<hbm>>) target(%arg11 : memref<100x200xi32, #tpu.memory_space<vmem>>) target_semaphore(%run_scoped3A : memref<!tpu.dma_semaphore, #tpu.memory_space<semaphore_mem>>)
      %dma_wait3A = arith.constant 0 : i32
      %dma_wait3A_39 = arith.constant 0 : i32
      %dma_wait3A_40 = tpu.memref_slice %arg4[%arg1, %dma_wait3A, %dma_wait3A_39] : memref<16x100x200xi32, #tpu.memory_space<hbm>> -> memref<1x100x200xi32, #tpu.memory_space<hbm>>
      %dma_wait3A_41 = tpu.memref_squeeze %dma_wait3A_40 : memref<1x100x200xi32, #tpu.memory_space<hbm>> -> memref<100x200xi32, #tpu.memory_space<hbm>>
      %dma_wait3A_42 = arith.constant 0 : i32
      %dma_wait3A_43 = arith.constant 0 : i32
      %dma_wait3A_44 = tpu.memref_slice %arg4[%arg1, %dma_wait3A_42, %dma_wait3A_43] : memref<16x100x200xi32, #tpu.memory_space<hbm>> -> memref<1x100x200xi32, #tpu.memory_space<hbm>>
      %dma_wait3A_45 = tpu.memref_squeeze %dma_wait3A_44 : memref<1x100x200xi32, #tpu.memory_space<hbm>> -> memref<100x200xi32, #tpu.memory_space<hbm>>
      tpu.wait_dma2 semaphore(%run_scoped3A : memref<!tpu.dma_semaphore, #tpu.memory_space<semaphore_mem>>) src(%dma_wait3A_45 : memref<100x200xi32, #tpu.memory_space<hbm>>) dst(%arg11 : memref<100x200xi32, #tpu.memory_space<vmem>>)
      tpu.yield
    }) : () -> ()
    "tpu.region"() ({
      %run_scoped3A = tpu.sem_alloc : memref<!tpu.dma_semaphore, #tpu.memory_space<semaphore_mem>>
      %dma_start3A = arith.constant 0 : i32
      %dma_start3A_32 = arith.constant 0 : i32
      %dma_start3A_33 = tpu.memref_slice %arg5[%arg1, %dma_start3A, %dma_start3A_32] : memref<16x100x200xi32, #tpu.memory_space<hbm>> -> memref<1x100x200xi32, #tpu.memory_space<hbm>>
      %dma_start3A_34 = tpu.memref_squeeze %dma_start3A_33 : memref<1x100x200xi32, #tpu.memory_space<hbm>> -> memref<100x200xi32, #tpu.memory_space<hbm>>
      %dma_start3A_35 = arith.constant 0 : i32
      %dma_start3A_36 = arith.constant 0 : i32
      %dma_start3A_37 = tpu.memref_slice %arg5[%arg1, %dma_start3A_35, %dma_start3A_36] : memref<16x100x200xi32, #tpu.memory_space<hbm>> -> memref<1x100x200xi32, #tpu.memory_space<hbm>>
      %dma_start3A_38 = tpu.memref_squeeze %dma_start3A_37 : memref<1x100x200xi32, #tpu.memory_space<hbm>> -> memref<100x200xi32, #tpu.memory_space<hbm>>
      tpu.enqueue_dma source(%dma_start3A_38 : memref<100x200xi32, #tpu.memory_space<hbm>>) target(%arg12 : memref<100x200xi32, #tpu.memory_space<vmem>>) target_semaphore(%run_scoped3A : memref<!tpu.dma_semaphore, #tpu.memory_space<semaphore_mem>>)
      %dma_wait3A = arith.constant 0 : i32
      %dma_wait3A_39 = arith.constant 0 : i32
      %dma_wait3A_40 = tpu.memref_slice %arg5[%arg1, %dma_wait3A, %dma_wait3A_39] : memref<16x100x200xi32, #tpu.memory_space<hbm>> -> memref<1x100x200xi32, #tpu.memory_space<hbm>>
      %dma_wait3A_41 = tpu.memref_squeeze %dma_wait3A_40 : memref<1x100x200xi32, #tpu.memory_space<hbm>> -> memref<100x200xi32, #tpu.memory_space<hbm>>
      %dma_wait3A_42 = arith.constant 0 : i32
      %dma_wait3A_43 = arith.constant 0 : i32
      %dma_wait3A_44 = tpu.memref_slice %arg5[%arg1, %dma_wait3A_42, %dma_wait3A_43] : memref<16x100x200xi32, #tpu.memory_space<hbm>> -> memref<1x100x200xi32, #tpu.memory_space<hbm>>
      %dma_wait3A_45 = tpu.memref_squeeze %dma_wait3A_44 : memref<1x100x200xi32, #tpu.memory_space<hbm>> -> memref<100x200xi32, #tpu.memory_space<hbm>>
      tpu.wait_dma2 semaphore(%run_scoped3A : memref<!tpu.dma_semaphore, #tpu.memory_space<semaphore_mem>>) src(%dma_wait3A_45 : memref<100x200xi32, #tpu.memory_space<hbm>>) dst(%arg12 : memref<100x200xi32, #tpu.memory_space<vmem>>)
      tpu.yield
    }) : () -> ()
    "tpu.region"() ({
      %run_scoped3A = tpu.sem_alloc : memref<!tpu.dma_semaphore, #tpu.memory_space<semaphore_mem>>
      tpu.enqueue_dma source(%arg8 : memref<200x16xf32, #tpu.memory_space<hbm>>) target(%arg14 : memref<200x16xf32, #tpu.memory_space<vmem>>) target_semaphore(%run_scoped3A : memref<!tpu.dma_semaphore, #tpu.memory_space<semaphore_mem>>)
      tpu.wait_dma2 semaphore(%run_scoped3A : memref<!tpu.dma_semaphore, #tpu.memory_space<semaphore_mem>>) src(%arg8 : memref<200x16xf32, #tpu.memory_space<hbm>>) dst(%arg14 : memref<200x16xf32, #tpu.memory_space<vmem>>)
      tpu.yield
    }) : () -> ()
    %lt3A = arith.constant 15 : i32
    %lt3A_0 = arith.cmpi slt, %arg1, %lt3A : i32
    %convert_element_type3A = arith.extui %lt3A_0 : i1 to i32
    %cond3A = arith.constant 0 : i32
    %cond3A_1 = arith.cmpi ne, %convert_element_type3A, %cond3A : i32
    scf.if %cond3A_1 {
      %mul3A = arith.constant 632 : i32
      %mul3A_32 = arith.muli %arg1, %mul3A : i32
      %multiple_of3A = tpu.assume_multiple %mul3A_32, 8 : i32
      "tpu.region"() ({
        %run_scoped3A = tpu.sem_alloc : memref<!tpu.dma_semaphore, #tpu.memory_space<semaphore_mem>>
        %dma_start3A = arith.constant 0 : i32
        %dma_start3A_33 = tpu.memref_slice %arg15[%multiple_of3A, %dma_start3A] : memref<10000x64xf32, #tpu.memory_space<vmem_shared>> -> memref<632x64xf32, #tpu.memory_space<vmem_shared>>
        %dma_start3A_34 = arith.constant 0 : i32
        %dma_start3A_35 = tpu.memref_slice %arg6[%multiple_of3A, %dma_start3A_34] : memref<10000x64xf32, #tpu.memory_space<hbm>> -> memref<632x64xf32, #tpu.memory_space<hbm>>
        tpu.enqueue_dma source(%dma_start3A_35 : memref<632x64xf32, #tpu.memory_space<hbm>>) target(%dma_start3A_33 : memref<632x64xf32, #tpu.memory_space<vmem_shared>>) target_semaphore(%run_scoped3A : memref<!tpu.dma_semaphore, #tpu.memory_space<semaphore_mem>>)
        %dma_wait3A = arith.constant 0 : i32
        %dma_wait3A_36 = tpu.memref_slice %arg15[%multiple_of3A, %dma_wait3A] : memref<10000x64xf32, #tpu.memory_space<vmem_shared>> -> memref<632x64xf32, #tpu.memory_space<vmem_shared>>
        %dma_wait3A_37 = arith.constant 0 : i32
        %dma_wait3A_38 = tpu.memref_slice %arg6[%multiple_of3A, %dma_wait3A_37] : memref<10000x64xf32, #tpu.memory_space<hbm>> -> memref<632x64xf32, #tpu.memory_space<hbm>>
        tpu.wait_dma2 semaphore(%run_scoped3A : memref<!tpu.dma_semaphore, #tpu.memory_space<semaphore_mem>>) src(%dma_wait3A_38 : memref<632x64xf32, #tpu.memory_space<hbm>>) dst(%dma_wait3A_36 : memref<632x64xf32, #tpu.memory_space<vmem_shared>>)
        tpu.yield
      }) : () -> ()
      "tpu.region"() ({
        %run_scoped3A = tpu.sem_alloc : memref<!tpu.dma_semaphore, #tpu.memory_space<semaphore_mem>>
        %dma_start3A = arith.constant 0 : i32
        %dma_start3A_33 = tpu.memref_slice %arg16[%multiple_of3A, %dma_start3A] : memref<10000x16xf32, #tpu.memory_space<vmem_shared>> -> memref<632x16xf32, #tpu.memory_space<vmem_shared>>
        %dma_start3A_34 = arith.constant 0 : i32
        %dma_start3A_35 = tpu.memref_slice %arg7[%multiple_of3A, %dma_start3A_34] : memref<10000x16xf32, #tpu.memory_space<hbm>> -> memref<632x16xf32, #tpu.memory_space<hbm>>
        tpu.enqueue_dma source(%dma_start3A_35 : memref<632x16xf32, #tpu.memory_space<hbm>>) target(%dma_start3A_33 : memref<632x16xf32, #tpu.memory_space<vmem_shared>>) target_semaphore(%run_scoped3A : memref<!tpu.dma_semaphore, #tpu.memory_space<semaphore_mem>>)
        %dma_wait3A = arith.constant 0 : i32
        %dma_wait3A_36 = tpu.memref_slice %arg16[%multiple_of3A, %dma_wait3A] : memref<10000x16xf32, #tpu.memory_space<vmem_shared>> -> memref<632x16xf32, #tpu.memory_space<vmem_shared>>
        %dma_wait3A_37 = arith.constant 0 : i32
        %dma_wait3A_38 = tpu.memref_slice %arg7[%multiple_of3A, %dma_wait3A_37] : memref<10000x16xf32, #tpu.memory_space<hbm>> -> memref<632x16xf32, #tpu.memory_space<hbm>>
        tpu.wait_dma2 semaphore(%run_scoped3A : memref<!tpu.dma_semaphore, #tpu.memory_space<semaphore_mem>>) src(%dma_wait3A_38 : memref<632x16xf32, #tpu.memory_space<hbm>>) dst(%dma_wait3A_36 : memref<632x16xf32, #tpu.memory_space<vmem_shared>>)
        tpu.yield
      }) : () -> ()
    } else {
    }
    %eq3A = arith.constant 15 : i32
    %eq3A_2 = arith.cmpi eq, %arg1, %eq3A : i32
    %convert_element_type3A_3 = arith.extui %eq3A_2 : i1 to i32
    %cond3A_4 = arith.constant 0 : i32
    %cond3A_5 = arith.cmpi ne, %convert_element_type3A_3, %cond3A_4 : i32
    scf.if %cond3A_5 {
      "tpu.region"() ({
        %run_scoped3A = tpu.sem_alloc : memref<!tpu.dma_semaphore, #tpu.memory_space<semaphore_mem>>
        %dma_start3A = arith.constant 9480 : i32
        %dma_start3A_32 = arith.constant 0 : i32
        %dma_start3A_33 = tpu.memref_slice %arg15[%dma_start3A, %dma_start3A_32] : memref<10000x64xf32, #tpu.memory_space<vmem_shared>> -> memref<520x64xf32, #tpu.memory_space<vmem_shared>>
        %dma_start3A_34 = arith.constant 9480 : i32
        %dma_start3A_35 = arith.constant 0 : i32
        %dma_start3A_36 = tpu.memref_slice %arg6[%dma_start3A_34, %dma_start3A_35] : memref<10000x64xf32, #tpu.memory_space<hbm>> -> memref<520x64xf32, #tpu.memory_space<hbm>>
        tpu.enqueue_dma source(%dma_start3A_36 : memref<520x64xf32, #tpu.memory_space<hbm>>) target(%dma_start3A_33 : memref<520x64xf32, #tpu.memory_space<vmem_shared>>) target_semaphore(%run_scoped3A : memref<!tpu.dma_semaphore, #tpu.memory_space<semaphore_mem>>)
        %dma_wait3A = arith.constant 9480 : i32
        %dma_wait3A_37 = arith.constant 0 : i32
        %dma_wait3A_38 = tpu.memref_slice %arg15[%dma_wait3A, %dma_wait3A_37] : memref<10000x64xf32, #tpu.memory_space<vmem_shared>> -> memref<520x64xf32, #tpu.memory_space<vmem_shared>>
        %dma_wait3A_39 = arith.constant 9480 : i32
        %dma_wait3A_40 = arith.constant 0 : i32
        %dma_wait3A_41 = tpu.memref_slice %arg6[%dma_wait3A_39, %dma_wait3A_40] : memref<10000x64xf32, #tpu.memory_space<hbm>> -> memref<520x64xf32, #tpu.memory_space<hbm>>
        tpu.wait_dma2 semaphore(%run_scoped3A : memref<!tpu.dma_semaphore, #tpu.memory_space<semaphore_mem>>) src(%dma_wait3A_41 : memref<520x64xf32, #tpu.memory_space<hbm>>) dst(%dma_wait3A_38 : memref<520x64xf32, #tpu.memory_space<vmem_shared>>)
        tpu.yield
      }) : () -> ()
      "tpu.region"() ({
        %run_scoped3A = tpu.sem_alloc : memref<!tpu.dma_semaphore, #tpu.memory_space<semaphore_mem>>
        %dma_start3A = arith.constant 9480 : i32
        %dma_start3A_32 = arith.constant 0 : i32
        %dma_start3A_33 = tpu.memref_slice %arg16[%dma_start3A, %dma_start3A_32] : memref<10000x16xf32, #tpu.memory_space<vmem_shared>> -> memref<520x16xf32, #tpu.memory_space<vmem_shared>>
        %dma_start3A_34 = arith.constant 9480 : i32
        %dma_start3A_35 = arith.constant 0 : i32
        %dma_start3A_36 = tpu.memref_slice %arg7[%dma_start3A_34, %dma_start3A_35] : memref<10000x16xf32, #tpu.memory_space<hbm>> -> memref<520x16xf32, #tpu.memory_space<hbm>>
        tpu.enqueue_dma source(%dma_start3A_36 : memref<520x16xf32, #tpu.memory_space<hbm>>) target(%dma_start3A_33 : memref<520x16xf32, #tpu.memory_space<vmem_shared>>) target_semaphore(%run_scoped3A : memref<!tpu.dma_semaphore, #tpu.memory_space<semaphore_mem>>)
        %dma_wait3A = arith.constant 9480 : i32
        %dma_wait3A_37 = arith.constant 0 : i32
        %dma_wait3A_38 = tpu.memref_slice %arg16[%dma_wait3A, %dma_wait3A_37] : memref<10000x16xf32, #tpu.memory_space<vmem_shared>> -> memref<520x16xf32, #tpu.memory_space<vmem_shared>>
        %dma_wait3A_39 = arith.constant 9480 : i32
        %dma_wait3A_40 = arith.constant 0 : i32
        %dma_wait3A_41 = tpu.memref_slice %arg7[%dma_wait3A_39, %dma_wait3A_40] : memref<10000x16xf32, #tpu.memory_space<hbm>> -> memref<520x16xf32, #tpu.memory_space<hbm>>
        tpu.wait_dma2 semaphore(%run_scoped3A : memref<!tpu.dma_semaphore, #tpu.memory_space<semaphore_mem>>) src(%dma_wait3A_41 : memref<520x16xf32, #tpu.memory_space<hbm>>) dst(%dma_wait3A_38 : memref<520x16xf32, #tpu.memory_space<vmem_shared>>)
        tpu.yield
      }) : () -> ()
    } else {
    }
    %barrier3A = arith.constant 0 : index
    tpu.barrier barrier_id(%barrier3A)
    %eq3A_6 = arith.constant 0 : i32
    %eq3A_7 = arith.cmpi eq, %arg0, %eq3A_6 : i32
    %convert_element_type3A_8 = arith.extui %eq3A_7 : i1 to i32
    %cond3A_9 = arith.constant 0 : i32
    %cond3A_10 = arith.cmpi ne, %convert_element_type3A_8, %cond3A_9 : i32
    scf.if %cond3A_10 {
      %scan3A = arith.constant 0 : i32
      %scan3A_32 = arith.constant 0 : i32
      %scan3A_33 = arith.constant 100 : i32
      %scan3A_34 = arith.addi %scan3A_32, %scan3A_33 : i32
      %scan3A_35 = arith.constant 1 : i32
      scf.for %scan3A_37 = %scan3A_32 to %scan3A_34 step %scan3A_35  : i32 {
        %dma_start3A = arith.constant 0 : i32
        %dma_start3A_38 = tpu.memref_slice %arg11[%scan3A_37, %dma_start3A] : memref<100x200xi32, #tpu.memory_space<vmem>> -> memref<1x200xi32, #tpu.memory_space<vmem>>
        %dma_start3A_39 = tpu.memref_squeeze %dma_start3A_38 : memref<1x200xi32, #tpu.memory_space<vmem>> -> memref<200xi32, #tpu.memory_space<vmem>>
        %dma_start3A_40 = arith.constant 0 : i32
        %dma_start3A_41 = arith.constant 0 : i32
        %dma_start3A_42 = tpu.memref_slice %arg2[%dma_start3A_40, %dma_start3A_41] : memref<10000x64xf32, #tpu.memory_space<hbm>> -> memref<10000x64xf32, #tpu.memory_space<hbm>>
        tpu.enqueue_indirect_dma source(%dma_start3A_42 : memref<10000x64xf32, #tpu.memory_space<hbm>>) target(%arg13 : memref<200x64xf32, #tpu.memory_space<vmem>>) offsets(%dma_start3A_39 : memref<200xi32, #tpu.memory_space<vmem>>) semaphore(%arg17 : memref<!tpu.dma_semaphore, #tpu.memory_space<semaphore_mem>>)
        %dma_wait3A = arith.constant 0 : i32
        %dma_wait3A_43 = tpu.memref_slice %arg11[%scan3A_37, %dma_wait3A] : memref<100x200xi32, #tpu.memory_space<vmem>> -> memref<1x200xi32, #tpu.memory_space<vmem>>
        %dma_wait3A_44 = tpu.memref_squeeze %dma_wait3A_43 : memref<1x200xi32, #tpu.memory_space<vmem>> -> memref<200xi32, #tpu.memory_space<vmem>>
        %dma_wait3A_45 = arith.constant 0 : i32
        %dma_wait3A_46 = arith.constant 0 : i32
        %dma_wait3A_47 = tpu.memref_slice %arg2[%dma_wait3A_45, %dma_wait3A_46] : memref<10000x64xf32, #tpu.memory_space<hbm>> -> memref<10000x64xf32, #tpu.memory_space<hbm>>
        tpu.wait_indirect_dma semaphore(%arg17 : memref<!tpu.dma_semaphore, #tpu.memory_space<semaphore_mem>>) src(%dma_wait3A_47 : memref<10000x64xf32, #tpu.memory_space<hbm>>) dst(%arg13 : memref<200x64xf32, #tpu.memory_space<vmem>>)
        "tpu.region"() ({
          %run_scoped3A = tpu.sem_alloc : memref<!tpu.dma_semaphore, #tpu.memory_space<semaphore_mem>>
          %dma_start3A_48 = arith.constant 0 : i32
          %dma_start3A_49 = tpu.memref_slice %arg12[%scan3A_37, %dma_start3A_48] : memref<100x200xi32, #tpu.memory_space<vmem>> -> memref<1x200xi32, #tpu.memory_space<vmem>>
          %dma_start3A_50 = tpu.memref_squeeze %dma_start3A_49 : memref<1x200xi32, #tpu.memory_space<vmem>> -> memref<200xi32, #tpu.memory_space<vmem>>
          %dma_start3A_51 = arith.constant 0 : i32
          %dma_start3A_52 = arith.constant 0 : i32
          %dma_start3A_53 = tpu.memref_slice %arg15[%dma_start3A_51, %dma_start3A_52] : memref<10000x64xf32, #tpu.memory_space<vmem_shared>> -> memref<10000x64xf32, #tpu.memory_space<vmem_shared>>
          tpu.enqueue_indirect_dma source(%arg13 : memref<200x64xf32, #tpu.memory_space<vmem>>) target(%dma_start3A_53 : memref<10000x64xf32, #tpu.memory_space<vmem_shared>>) offsets(%dma_start3A_50 : memref<200xi32, #tpu.memory_space<vmem>>) semaphore(%run_scoped3A : memref<!tpu.dma_semaphore, #tpu.memory_space<semaphore_mem>>) {add = true}
          %dma_wait3A_54 = arith.constant 0 : i32
          %dma_wait3A_55 = tpu.memref_slice %arg12[%scan3A_37, %dma_wait3A_54] : memref<100x200xi32, #tpu.memory_space<vmem>> -> memref<1x200xi32, #tpu.memory_space<vmem>>
          %dma_wait3A_56 = tpu.memref_squeeze %dma_wait3A_55 : memref<1x200xi32, #tpu.memory_space<vmem>> -> memref<200xi32, #tpu.memory_space<vmem>>
          %dma_wait3A_57 = arith.constant 0 : i32
          %dma_wait3A_58 = arith.constant 0 : i32
          %dma_wait3A_59 = tpu.memref_slice %arg15[%dma_wait3A_57, %dma_wait3A_58] : memref<10000x64xf32, #tpu.memory_space<vmem_shared>> -> memref<10000x64xf32, #tpu.memory_space<vmem_shared>>
          tpu.wait_indirect_dma semaphore(%run_scoped3A : memref<!tpu.dma_semaphore, #tpu.memory_space<semaphore_mem>>) src(%arg13 : memref<200x64xf32, #tpu.memory_space<vmem>>) dst(%dma_wait3A_59 : memref<10000x64xf32, #tpu.memory_space<vmem_shared>>)
          tpu.yield
        }) : () -> ()
        "tpu.region"() ({
          %run_scoped3A = tpu.sem_alloc : memref<!tpu.dma_semaphore, #tpu.memory_space<semaphore_mem>>
          %dma_start3A_48 = arith.constant 0 : i32
          %dma_start3A_49 = tpu.memref_slice %arg12[%scan3A_37, %dma_start3A_48] : memref<100x200xi32, #tpu.memory_space<vmem>> -> memref<1x200xi32, #tpu.memory_space<vmem>>
          %dma_start3A_50 = tpu.memref_squeeze %dma_start3A_49 : memref<1x200xi32, #tpu.memory_space<vmem>> -> memref<200xi32, #tpu.memory_space<vmem>>
          %dma_start3A_51 = arith.constant 0 : i32
          %dma_start3A_52 = arith.constant 0 : i32
          %dma_start3A_53 = tpu.memref_slice %arg16[%dma_start3A_51, %dma_start3A_52] : memref<10000x16xf32, #tpu.memory_space<vmem_shared>> -> memref<10000x16xf32, #tpu.memory_space<vmem_shared>>
          tpu.enqueue_indirect_dma source(%arg14 : memref<200x16xf32, #tpu.memory_space<vmem>>) target(%dma_start3A_53 : memref<10000x16xf32, #tpu.memory_space<vmem_shared>>) offsets(%dma_start3A_50 : memref<200xi32, #tpu.memory_space<vmem>>) semaphore(%run_scoped3A : memref<!tpu.dma_semaphore, #tpu.memory_space<semaphore_mem>>) {add = true}
          %dma_wait3A_54 = arith.constant 0 : i32
          %dma_wait3A_55 = tpu.memref_slice %arg12[%scan3A_37, %dma_wait3A_54] : memref<100x200xi32, #tpu.memory_space<vmem>> -> memref<1x200xi32, #tpu.memory_space<vmem>>
          %dma_wait3A_56 = tpu.memref_squeeze %dma_wait3A_55 : memref<1x200xi32, #tpu.memory_space<vmem>> -> memref<200xi32, #tpu.memory_space<vmem>>
          %dma_wait3A_57 = arith.constant 0 : i32
          %dma_wait3A_58 = arith.constant 0 : i32
          %dma_wait3A_59 = tpu.memref_slice %arg16[%dma_wait3A_57, %dma_wait3A_58] : memref<10000x16xf32, #tpu.memory_space<vmem_shared>> -> memref<10000x16xf32, #tpu.memory_space<vmem_shared>>
          tpu.wait_indirect_dma semaphore(%run_scoped3A : memref<!tpu.dma_semaphore, #tpu.memory_space<semaphore_mem>>) src(%arg14 : memref<200x16xf32, #tpu.memory_space<vmem>>) dst(%dma_wait3A_59 : memref<10000x16xf32, #tpu.memory_space<vmem_shared>>)
          tpu.yield
        }) : () -> ()
      }
      %scan3A_36 = arith.constant 100 : i32
    } else {
    }
    %eq3A_11 = arith.constant 1 : i32
    %eq3A_12 = arith.cmpi eq, %arg0, %eq3A_11 : i32
    %convert_element_type3A_13 = arith.extui %eq3A_12 : i1 to i32
    %cond3A_14 = arith.constant 0 : i32
    %cond3A_15 = arith.cmpi ne, %convert_element_type3A_13, %cond3A_14 : i32
    scf.if %cond3A_15 {
      %scan3A = arith.constant 0 : i32
      %scan3A_32 = arith.constant 0 : i32
      %scan3A_33 = arith.constant 100 : i32
      %scan3A_34 = arith.addi %scan3A_32, %scan3A_33 : i32
      %scan3A_35 = arith.constant 1 : i32
      scf.for %scan3A_37 = %scan3A_32 to %scan3A_34 step %scan3A_35  : i32 {
        %dma_start3A = arith.constant 0 : i32
        %dma_start3A_38 = tpu.memref_slice %arg11[%scan3A_37, %dma_start3A] : memref<100x200xi32, #tpu.memory_space<vmem>> -> memref<1x200xi32, #tpu.memory_space<vmem>>
        %dma_start3A_39 = tpu.memref_squeeze %dma_start3A_38 : memref<1x200xi32, #tpu.memory_space<vmem>> -> memref<200xi32, #tpu.memory_space<vmem>>
        %dma_start3A_40 = arith.constant 0 : i32
        %dma_start3A_41 = arith.constant 0 : i32
        %dma_start3A_42 = tpu.memref_slice %arg3[%dma_start3A_40, %dma_start3A_41] : memref<10000x64xf32, #tpu.memory_space<hbm>> -> memref<10000x64xf32, #tpu.memory_space<hbm>>
        tpu.enqueue_indirect_dma source(%dma_start3A_42 : memref<10000x64xf32, #tpu.memory_space<hbm>>) target(%arg13 : memref<200x64xf32, #tpu.memory_space<vmem>>) offsets(%dma_start3A_39 : memref<200xi32, #tpu.memory_space<vmem>>) semaphore(%arg17 : memref<!tpu.dma_semaphore, #tpu.memory_space<semaphore_mem>>)
        %dma_wait3A = arith.constant 0 : i32
        %dma_wait3A_43 = tpu.memref_slice %arg11[%scan3A_37, %dma_wait3A] : memref<100x200xi32, #tpu.memory_space<vmem>> -> memref<1x200xi32, #tpu.memory_space<vmem>>
        %dma_wait3A_44 = tpu.memref_squeeze %dma_wait3A_43 : memref<1x200xi32, #tpu.memory_space<vmem>> -> memref<200xi32, #tpu.memory_space<vmem>>
        %dma_wait3A_45 = arith.constant 0 : i32
        %dma_wait3A_46 = arith.constant 0 : i32
        %dma_wait3A_47 = tpu.memref_slice %arg3[%dma_wait3A_45, %dma_wait3A_46] : memref<10000x64xf32, #tpu.memory_space<hbm>> -> memref<10000x64xf32, #tpu.memory_space<hbm>>
        tpu.wait_indirect_dma semaphore(%arg17 : memref<!tpu.dma_semaphore, #tpu.memory_space<semaphore_mem>>) src(%dma_wait3A_47 : memref<10000x64xf32, #tpu.memory_space<hbm>>) dst(%arg13 : memref<200x64xf32, #tpu.memory_space<vmem>>)
        "tpu.region"() ({
          %run_scoped3A = tpu.sem_alloc : memref<!tpu.dma_semaphore, #tpu.memory_space<semaphore_mem>>
          %dma_start3A_48 = arith.constant 0 : i32
          %dma_start3A_49 = tpu.memref_slice %arg12[%scan3A_37, %dma_start3A_48] : memref<100x200xi32, #tpu.memory_space<vmem>> -> memref<1x200xi32, #tpu.memory_space<vmem>>
          %dma_start3A_50 = tpu.memref_squeeze %dma_start3A_49 : memref<1x200xi32, #tpu.memory_space<vmem>> -> memref<200xi32, #tpu.memory_space<vmem>>
          %dma_start3A_51 = arith.constant 0 : i32
          %dma_start3A_52 = arith.constant 0 : i32
          %dma_start3A_53 = tpu.memref_slice %arg15[%dma_start3A_51, %dma_start3A_52] : memref<10000x64xf32, #tpu.memory_space<vmem_shared>> -> memref<10000x64xf32, #tpu.memory_space<vmem_shared>>
          tpu.enqueue_indirect_dma source(%arg13 : memref<200x64xf32, #tpu.memory_space<vmem>>) target(%dma_start3A_53 : memref<10000x64xf32, #tpu.memory_space<vmem_shared>>) offsets(%dma_start3A_50 : memref<200xi32, #tpu.memory_space<vmem>>) semaphore(%run_scoped3A : memref<!tpu.dma_semaphore, #tpu.memory_space<semaphore_mem>>) {add = true}
          %dma_wait3A_54 = arith.constant 0 : i32
          %dma_wait3A_55 = tpu.memref_slice %arg12[%scan3A_37, %dma_wait3A_54] : memref<100x200xi32, #tpu.memory_space<vmem>> -> memref<1x200xi32, #tpu.memory_space<vmem>>
          %dma_wait3A_56 = tpu.memref_squeeze %dma_wait3A_55 : memref<1x200xi32, #tpu.memory_space<vmem>> -> memref<200xi32, #tpu.memory_space<vmem>>
          %dma_wait3A_57 = arith.constant 0 : i32
          %dma_wait3A_58 = arith.constant 0 : i32
          %dma_wait3A_59 = tpu.memref_slice %arg15[%dma_wait3A_57, %dma_wait3A_58] : memref<10000x64xf32, #tpu.memory_space<vmem_shared>> -> memref<10000x64xf32, #tpu.memory_space<vmem_shared>>
          tpu.wait_indirect_dma semaphore(%run_scoped3A : memref<!tpu.dma_semaphore, #tpu.memory_space<semaphore_mem>>) src(%arg13 : memref<200x64xf32, #tpu.memory_space<vmem>>) dst(%dma_wait3A_59 : memref<10000x64xf32, #tpu.memory_space<vmem_shared>>)
          tpu.yield
        }) : () -> ()
      }
      %scan3A_36 = arith.constant 100 : i32
    } else {
    }
    %barrier3A_16 = arith.constant 0 : index
    tpu.barrier barrier_id(%barrier3A_16)
    %lt3A_17 = arith.constant 15 : i32
    %lt3A_18 = arith.cmpi slt, %arg1, %lt3A_17 : i32
    %convert_element_type3A_19 = arith.extui %lt3A_18 : i1 to i32
    %cond3A_20 = arith.constant 0 : i32
    %cond3A_21 = arith.cmpi ne, %convert_element_type3A_19, %cond3A_20 : i32
    scf.if %cond3A_21 {
      %mul3A = arith.constant 632 : i32
      %mul3A_32 = arith.muli %arg1, %mul3A : i32
      %multiple_of3A = tpu.assume_multiple %mul3A_32, 8 : i32
      "tpu.region"() ({
        %run_scoped3A = tpu.sem_alloc : memref<!tpu.dma_semaphore, #tpu.memory_space<semaphore_mem>>
        %dma_start3A = arith.constant 0 : i32
        %dma_start3A_33 = tpu.memref_slice %arg9[%arg0, %multiple_of3A, %dma_start3A] : memref<2x10000x64xf32, #tpu.memory_space<hbm>> -> memref<1x632x64xf32, #tpu.memory_space<hbm>>
        %dma_start3A_34 = tpu.memref_squeeze %dma_start3A_33 : memref<1x632x64xf32, #tpu.memory_space<hbm>> -> memref<632x64xf32, #tpu.memory_space<hbm>>
        %dma_start3A_35 = arith.constant 0 : i32
        %dma_start3A_36 = tpu.memref_slice %arg15[%multiple_of3A, %dma_start3A_35] : memref<10000x64xf32, #tpu.memory_space<vmem_shared>> -> memref<632x64xf32, #tpu.memory_space<vmem_shared>>
        tpu.enqueue_dma source(%dma_start3A_36 : memref<632x64xf32, #tpu.memory_space<vmem_shared>>) target(%dma_start3A_34 : memref<632x64xf32, #tpu.memory_space<hbm>>) target_semaphore(%run_scoped3A : memref<!tpu.dma_semaphore, #tpu.memory_space<semaphore_mem>>)
        %dma_wait3A = arith.constant 0 : i32
        %dma_wait3A_37 = tpu.memref_slice %arg9[%arg0, %multiple_of3A, %dma_wait3A] : memref<2x10000x64xf32, #tpu.memory_space<hbm>> -> memref<1x632x64xf32, #tpu.memory_space<hbm>>
        %dma_wait3A_38 = tpu.memref_squeeze %dma_wait3A_37 : memref<1x632x64xf32, #tpu.memory_space<hbm>> -> memref<632x64xf32, #tpu.memory_space<hbm>>
        %dma_wait3A_39 = arith.constant 0 : i32
        %dma_wait3A_40 = tpu.memref_slice %arg15[%multiple_of3A, %dma_wait3A_39] : memref<10000x64xf32, #tpu.memory_space<vmem_shared>> -> memref<632x64xf32, #tpu.memory_space<vmem_shared>>
        tpu.wait_dma2 semaphore(%run_scoped3A : memref<!tpu.dma_semaphore, #tpu.memory_space<semaphore_mem>>) src(%dma_wait3A_40 : memref<632x64xf32, #tpu.memory_space<vmem_shared>>) dst(%dma_wait3A_38 : memref<632x64xf32, #tpu.memory_space<hbm>>)
        tpu.yield
      }) : () -> ()
    } else {
    }
    %eq3A_22 = arith.constant 15 : i32
    %eq3A_23 = arith.cmpi eq, %arg1, %eq3A_22 : i32
    %convert_element_type3A_24 = arith.extui %eq3A_23 : i1 to i32
    %cond3A_25 = arith.constant 0 : i32
    %cond3A_26 = arith.cmpi ne, %convert_element_type3A_24, %cond3A_25 : i32
    scf.if %cond3A_26 {
      "tpu.region"() ({
        %run_scoped3A = tpu.sem_alloc : memref<!tpu.dma_semaphore, #tpu.memory_space<semaphore_mem>>
        %dma_start3A = arith.constant 9480 : i32
        %dma_start3A_32 = arith.constant 0 : i32
        %dma_start3A_33 = tpu.memref_slice %arg9[%arg0, %dma_start3A, %dma_start3A_32] : memref<2x10000x64xf32, #tpu.memory_space<hbm>> -> memref<1x520x64xf32, #tpu.memory_space<hbm>>
        %dma_start3A_34 = tpu.memref_squeeze %dma_start3A_33 : memref<1x520x64xf32, #tpu.memory_space<hbm>> -> memref<520x64xf32, #tpu.memory_space<hbm>>
        %dma_start3A_35 = arith.constant 9480 : i32
        %dma_start3A_36 = arith.constant 0 : i32
        %dma_start3A_37 = tpu.memref_slice %arg15[%dma_start3A_35, %dma_start3A_36] : memref<10000x64xf32, #tpu.memory_space<vmem_shared>> -> memref<520x64xf32, #tpu.memory_space<vmem_shared>>
        tpu.enqueue_dma source(%dma_start3A_37 : memref<520x64xf32, #tpu.memory_space<vmem_shared>>) target(%dma_start3A_34 : memref<520x64xf32, #tpu.memory_space<hbm>>) target_semaphore(%run_scoped3A : memref<!tpu.dma_semaphore, #tpu.memory_space<semaphore_mem>>)
        %dma_wait3A = arith.constant 9480 : i32
        %dma_wait3A_38 = arith.constant 0 : i32
        %dma_wait3A_39 = tpu.memref_slice %arg9[%arg0, %dma_wait3A, %dma_wait3A_38] : memref<2x10000x64xf32, #tpu.memory_space<hbm>> -> memref<1x520x64xf32, #tpu.memory_space<hbm>>
        %dma_wait3A_40 = tpu.memref_squeeze %dma_wait3A_39 : memref<1x520x64xf32, #tpu.memory_space<hbm>> -> memref<520x64xf32, #tpu.memory_space<hbm>>
        %dma_wait3A_41 = arith.constant 9480 : i32
        %dma_wait3A_42 = arith.constant 0 : i32
        %dma_wait3A_43 = tpu.memref_slice %arg15[%dma_wait3A_41, %dma_wait3A_42] : memref<10000x64xf32, #tpu.memory_space<vmem_shared>> -> memref<520x64xf32, #tpu.memory_space<vmem_shared>>
        tpu.wait_dma2 semaphore(%run_scoped3A : memref<!tpu.dma_semaphore, #tpu.memory_space<semaphore_mem>>) src(%dma_wait3A_43 : memref<520x64xf32, #tpu.memory_space<vmem_shared>>) dst(%dma_wait3A_40 : memref<520x64xf32, #tpu.memory_space<hbm>>)
        tpu.yield
      }) : () -> ()
    } else {
    }
    %eq3A_27 = arith.constant 0 : i32
    %eq3A_28 = arith.cmpi eq, %arg0, %eq3A_27 : i32
    %convert_element_type3A_29 = arith.extui %eq3A_28 : i1 to i32
    %cond3A_30 = arith.constant 0 : i32
    %cond3A_31 = arith.cmpi ne, %convert_element_type3A_29, %cond3A_30 : i32
    scf.if %cond3A_31 {
      %lt3A_32 = arith.constant 15 : i32
      %lt3A_33 = arith.cmpi slt, %arg1, %lt3A_32 : i32
      %convert_element_type3A_34 = arith.extui %lt3A_33 : i1 to i32
      %cond3A_35 = arith.constant 0 : i32
      %cond3A_36 = arith.cmpi ne, %convert_element_type3A_34, %cond3A_35 : i32
      scf.if %cond3A_36 {
        %mul3A = arith.constant 632 : i32
        %mul3A_42 = arith.muli %arg1, %mul3A : i32
        %multiple_of3A = tpu.assume_multiple %mul3A_42, 8 : i32
        "tpu.region"() ({
          %run_scoped3A = tpu.sem_alloc : memref<!tpu.dma_semaphore, #tpu.memory_space<semaphore_mem>>
          %dma_start3A = arith.constant 0 : i32
          %dma_start3A_43 = tpu.memref_slice %arg10[%multiple_of3A, %dma_start3A] : memref<10000x16xf32, #tpu.memory_space<hbm>> -> memref<632x16xf32, #tpu.memory_space<hbm>>
          %dma_start3A_44 = arith.constant 0 : i32
          %dma_start3A_45 = tpu.memref_slice %arg16[%multiple_of3A, %dma_start3A_44] : memref<10000x16xf32, #tpu.memory_space<vmem_shared>> -> memref<632x16xf32, #tpu.memory_space<vmem_shared>>
          tpu.enqueue_dma source(%dma_start3A_45 : memref<632x16xf32, #tpu.memory_space<vmem_shared>>) target(%dma_start3A_43 : memref<632x16xf32, #tpu.memory_space<hbm>>) target_semaphore(%run_scoped3A : memref<!tpu.dma_semaphore, #tpu.memory_space<semaphore_mem>>)
          %dma_wait3A = arith.constant 0 : i32
          %dma_wait3A_46 = tpu.memref_slice %arg10[%multiple_of3A, %dma_wait3A] : memref<10000x16xf32, #tpu.memory_space<hbm>> -> memref<632x16xf32, #tpu.memory_space<hbm>>
          %dma_wait3A_47 = arith.constant 0 : i32
          %dma_wait3A_48 = tpu.memref_slice %arg16[%multiple_of3A, %dma_wait3A_47] : memref<10000x16xf32, #tpu.memory_space<vmem_shared>> -> memref<632x16xf32, #tpu.memory_space<vmem_shared>>
          tpu.wait_dma2 semaphore(%run_scoped3A : memref<!tpu.dma_semaphore, #tpu.memory_space<semaphore_mem>>) src(%dma_wait3A_48 : memref<632x16xf32, #tpu.memory_space<vmem_shared>>) dst(%dma_wait3A_46 : memref<632x16xf32, #tpu.memory_space<hbm>>)
          tpu.yield
        }) : () -> ()
      } else {
      }
      %eq3A_37 = arith.constant 15 : i32
      %eq3A_38 = arith.cmpi eq, %arg1, %eq3A_37 : i32
      %convert_element_type3A_39 = arith.extui %eq3A_38 : i1 to i32
      %cond3A_40 = arith.constant 0 : i32
      %cond3A_41 = arith.cmpi ne, %convert_element_type3A_39, %cond3A_40 : i32
      scf.if %cond3A_41 {
        "tpu.region"() ({
          %run_scoped3A = tpu.sem_alloc : memref<!tpu.dma_semaphore, #tpu.memory_space<semaphore_mem>>
          %dma_start3A = arith.constant 9480 : i32
          %dma_start3A_42 = arith.constant 0 : i32
          %dma_start3A_43 = tpu.memref_slice %arg10[%dma_start3A, %dma_start3A_42] : memref<10000x16xf32, #tpu.memory_space<hbm>> -> memref<520x16xf32, #tpu.memory_space<hbm>>
          %dma_start3A_44 = arith.constant 9480 : i32
          %dma_start3A_45 = arith.constant 0 : i32
          %dma_start3A_46 = tpu.memref_slice %arg16[%dma_start3A_44, %dma_start3A_45] : memref<10000x16xf32, #tpu.memory_space<vmem_shared>> -> memref<520x16xf32, #tpu.memory_space<vmem_shared>>
          tpu.enqueue_dma source(%dma_start3A_46 : memref<520x16xf32, #tpu.memory_space<vmem_shared>>) target(%dma_start3A_43 : memref<520x16xf32, #tpu.memory_space<hbm>>) target_semaphore(%run_scoped3A : memref<!tpu.dma_semaphore, #tpu.memory_space<semaphore_mem>>)
          %dma_wait3A = arith.constant 9480 : i32
          %dma_wait3A_47 = arith.constant 0 : i32
          %dma_wait3A_48 = tpu.memref_slice %arg10[%dma_wait3A, %dma_wait3A_47] : memref<10000x16xf32, #tpu.memory_space<hbm>> -> memref<520x16xf32, #tpu.memory_space<hbm>>
          %dma_wait3A_49 = arith.constant 9480 : i32
          %dma_wait3A_50 = arith.constant 0 : i32
          %dma_wait3A_51 = tpu.memref_slice %arg16[%dma_wait3A_49, %dma_wait3A_50] : memref<10000x16xf32, #tpu.memory_space<vmem_shared>> -> memref<520x16xf32, #tpu.memory_space<vmem_shared>>
          tpu.wait_dma2 semaphore(%run_scoped3A : memref<!tpu.dma_semaphore, #tpu.memory_space<semaphore_mem>>) src(%dma_wait3A_51 : memref<520x16xf32, #tpu.memory_space<vmem_shared>>) dst(%dma_wait3A_48 : memref<520x16xf32, #tpu.memory_space<hbm>>)
          tpu.yield
        }) : () -> ()
      } else {
      }
    } else {
    }
    return
  }
}

#map = affine_map<(d0, d1) -> (0, 0)>
#map1 = affine_map<(d0, d1) -> (0, 0, 0)>
module attributes {stable_mosaic.version = 14 : i64} {
  func.func @k(%arg0: i32, %arg1: i32, %arg2: memref<10000x64xf32, #tpu.memory_space<hbm>>, %arg3: memref<10000x64xf32, #tpu.memory_space<hbm>>, %arg4: memref<32x25x400xi32, #tpu.memory_space<hbm>>, %arg5: memref<32x25x400xi32, #tpu.memory_space<hbm>>, %arg6: memref<10000x64xf32, #tpu.memory_space<hbm>>, %arg7: memref<320000x64xf32, #tpu.memory_space<hbm>>, %arg8: memref<320000x64xf32, #tpu.memory_space<hbm>>, %arg9: memref<2x10000x64xf32, #tpu.memory_space<hbm>>, %arg10: memref<25x400xi32, #tpu.memory_space<vmem>>, %arg11: memref<25x400xi32, #tpu.memory_space<vmem>>, %arg12: memref<400x64xf32, #tpu.memory_space<vmem>>, %arg13: memref<400x64xf32, #tpu.memory_space<vmem>>, %arg14: memref<10000x64xf32, #tpu.memory_space<vmem_shared>>, %arg15: memref<!tpu.dma_semaphore, #tpu.memory_space<semaphore_mem>>) attributes {dimension_semantics = [#tpu.dimension_semantics<core_parallel>, #tpu.dimension_semantics<subcore_parallel>], iteration_bounds = array<i64: 2, 16>, scalar_prefetch = 0 : i64, scratch_operands = 6 : i64, tpu.core_type = #tpu.core_type<sc_vector_subcore>, window_params = [{transform_indices = #map}, {transform_indices = #map}, {transform_indices = #map1}, {transform_indices = #map1}, {transform_indices = #map}, {transform_indices = #map}, {transform_indices = #map}, {transform_indices = #map1}]} {
    %mul3A = arith.constant 2 : i32
    %mul3A_0 = arith.muli %arg1, %mul3A : i32
    %add3A = arith.addi %mul3A_0, %arg0 : i32
    "tpu.region"() ({
      %run_scoped3A = tpu.sem_alloc : memref<!tpu.dma_semaphore, #tpu.memory_space<semaphore_mem>>
      %dma_start3A = arith.constant 0 : i32
      %dma_start3A_23 = arith.constant 0 : i32
      %dma_start3A_24 = tpu.memref_slice %arg4[%add3A, %dma_start3A, %dma_start3A_23] : memref<32x25x400xi32, #tpu.memory_space<hbm>> -> memref<1x25x400xi32, #tpu.memory_space<hbm>>
      %dma_start3A_25 = tpu.memref_squeeze %dma_start3A_24 : memref<1x25x400xi32, #tpu.memory_space<hbm>> -> memref<25x400xi32, #tpu.memory_space<hbm>>
      %dma_start3A_26 = arith.constant 0 : i32
      %dma_start3A_27 = arith.constant 0 : i32
      %dma_start3A_28 = tpu.memref_slice %arg4[%add3A, %dma_start3A_26, %dma_start3A_27] : memref<32x25x400xi32, #tpu.memory_space<hbm>> -> memref<1x25x400xi32, #tpu.memory_space<hbm>>
      %dma_start3A_29 = tpu.memref_squeeze %dma_start3A_28 : memref<1x25x400xi32, #tpu.memory_space<hbm>> -> memref<25x400xi32, #tpu.memory_space<hbm>>
      tpu.enqueue_dma source(%dma_start3A_29 : memref<25x400xi32, #tpu.memory_space<hbm>>) target(%arg10 : memref<25x400xi32, #tpu.memory_space<vmem>>) target_semaphore(%run_scoped3A : memref<!tpu.dma_semaphore, #tpu.memory_space<semaphore_mem>>)
      %dma_wait3A = arith.constant 0 : i32
      %dma_wait3A_30 = arith.constant 0 : i32
      %dma_wait3A_31 = tpu.memref_slice %arg4[%add3A, %dma_wait3A, %dma_wait3A_30] : memref<32x25x400xi32, #tpu.memory_space<hbm>> -> memref<1x25x400xi32, #tpu.memory_space<hbm>>
      %dma_wait3A_32 = tpu.memref_squeeze %dma_wait3A_31 : memref<1x25x400xi32, #tpu.memory_space<hbm>> -> memref<25x400xi32, #tpu.memory_space<hbm>>
      %dma_wait3A_33 = arith.constant 0 : i32
      %dma_wait3A_34 = arith.constant 0 : i32
      %dma_wait3A_35 = tpu.memref_slice %arg4[%add3A, %dma_wait3A_33, %dma_wait3A_34] : memref<32x25x400xi32, #tpu.memory_space<hbm>> -> memref<1x25x400xi32, #tpu.memory_space<hbm>>
      %dma_wait3A_36 = tpu.memref_squeeze %dma_wait3A_35 : memref<1x25x400xi32, #tpu.memory_space<hbm>> -> memref<25x400xi32, #tpu.memory_space<hbm>>
      tpu.wait_dma2 semaphore(%run_scoped3A : memref<!tpu.dma_semaphore, #tpu.memory_space<semaphore_mem>>) src(%dma_wait3A_36 : memref<25x400xi32, #tpu.memory_space<hbm>>) dst(%arg10 : memref<25x400xi32, #tpu.memory_space<vmem>>)
      tpu.yield
    }) : () -> ()
    "tpu.region"() ({
      %run_scoped3A = tpu.sem_alloc : memref<!tpu.dma_semaphore, #tpu.memory_space<semaphore_mem>>
      %dma_start3A = arith.constant 0 : i32
      %dma_start3A_23 = arith.constant 0 : i32
      %dma_start3A_24 = tpu.memref_slice %arg5[%add3A, %dma_start3A, %dma_start3A_23] : memref<32x25x400xi32, #tpu.memory_space<hbm>> -> memref<1x25x400xi32, #tpu.memory_space<hbm>>
      %dma_start3A_25 = tpu.memref_squeeze %dma_start3A_24 : memref<1x25x400xi32, #tpu.memory_space<hbm>> -> memref<25x400xi32, #tpu.memory_space<hbm>>
      %dma_start3A_26 = arith.constant 0 : i32
      %dma_start3A_27 = arith.constant 0 : i32
      %dma_start3A_28 = tpu.memref_slice %arg5[%add3A, %dma_start3A_26, %dma_start3A_27] : memref<32x25x400xi32, #tpu.memory_space<hbm>> -> memref<1x25x400xi32, #tpu.memory_space<hbm>>
      %dma_start3A_29 = tpu.memref_squeeze %dma_start3A_28 : memref<1x25x400xi32, #tpu.memory_space<hbm>> -> memref<25x400xi32, #tpu.memory_space<hbm>>
      tpu.enqueue_dma source(%dma_start3A_29 : memref<25x400xi32, #tpu.memory_space<hbm>>) target(%arg11 : memref<25x400xi32, #tpu.memory_space<vmem>>) target_semaphore(%run_scoped3A : memref<!tpu.dma_semaphore, #tpu.memory_space<semaphore_mem>>)
      %dma_wait3A = arith.constant 0 : i32
      %dma_wait3A_30 = arith.constant 0 : i32
      %dma_wait3A_31 = tpu.memref_slice %arg5[%add3A, %dma_wait3A, %dma_wait3A_30] : memref<32x25x400xi32, #tpu.memory_space<hbm>> -> memref<1x25x400xi32, #tpu.memory_space<hbm>>
      %dma_wait3A_32 = tpu.memref_squeeze %dma_wait3A_31 : memref<1x25x400xi32, #tpu.memory_space<hbm>> -> memref<25x400xi32, #tpu.memory_space<hbm>>
      %dma_wait3A_33 = arith.constant 0 : i32
      %dma_wait3A_34 = arith.constant 0 : i32
      %dma_wait3A_35 = tpu.memref_slice %arg5[%add3A, %dma_wait3A_33, %dma_wait3A_34] : memref<32x25x400xi32, #tpu.memory_space<hbm>> -> memref<1x25x400xi32, #tpu.memory_space<hbm>>
      %dma_wait3A_36 = tpu.memref_squeeze %dma_wait3A_35 : memref<1x25x400xi32, #tpu.memory_space<hbm>> -> memref<25x400xi32, #tpu.memory_space<hbm>>
      tpu.wait_dma2 semaphore(%run_scoped3A : memref<!tpu.dma_semaphore, #tpu.memory_space<semaphore_mem>>) src(%dma_wait3A_36 : memref<25x400xi32, #tpu.memory_space<hbm>>) dst(%arg11 : memref<25x400xi32, #tpu.memory_space<vmem>>)
      tpu.yield
    }) : () -> ()
    %lt3A = arith.constant 15 : i32
    %lt3A_1 = arith.cmpi slt, %arg1, %lt3A : i32
    %convert_element_type3A = arith.extui %lt3A_1 : i1 to i32
    %cond3A = arith.constant 0 : i32
    %cond3A_2 = arith.cmpi ne, %convert_element_type3A, %cond3A : i32
    scf.if %cond3A_2 {
      %mul3A_23 = arith.constant 632 : i32
      %mul3A_24 = arith.muli %arg1, %mul3A_23 : i32
      %multiple_of3A = tpu.assume_multiple %mul3A_24, 8 : i32
      "tpu.region"() ({
        %run_scoped3A = tpu.sem_alloc : memref<!tpu.dma_semaphore, #tpu.memory_space<semaphore_mem>>
        %dma_start3A = arith.constant 0 : i32
        %dma_start3A_25 = tpu.memref_slice %arg14[%multiple_of3A, %dma_start3A] : memref<10000x64xf32, #tpu.memory_space<vmem_shared>> -> memref<632x64xf32, #tpu.memory_space<vmem_shared>>
        %dma_start3A_26 = arith.constant 0 : i32
        %dma_start3A_27 = tpu.memref_slice %arg6[%multiple_of3A, %dma_start3A_26] : memref<10000x64xf32, #tpu.memory_space<hbm>> -> memref<632x64xf32, #tpu.memory_space<hbm>>
        tpu.enqueue_dma source(%dma_start3A_27 : memref<632x64xf32, #tpu.memory_space<hbm>>) target(%dma_start3A_25 : memref<632x64xf32, #tpu.memory_space<vmem_shared>>) target_semaphore(%run_scoped3A : memref<!tpu.dma_semaphore, #tpu.memory_space<semaphore_mem>>)
        %dma_wait3A = arith.constant 0 : i32
        %dma_wait3A_28 = tpu.memref_slice %arg14[%multiple_of3A, %dma_wait3A] : memref<10000x64xf32, #tpu.memory_space<vmem_shared>> -> memref<632x64xf32, #tpu.memory_space<vmem_shared>>
        %dma_wait3A_29 = arith.constant 0 : i32
        %dma_wait3A_30 = tpu.memref_slice %arg6[%multiple_of3A, %dma_wait3A_29] : memref<10000x64xf32, #tpu.memory_space<hbm>> -> memref<632x64xf32, #tpu.memory_space<hbm>>
        tpu.wait_dma2 semaphore(%run_scoped3A : memref<!tpu.dma_semaphore, #tpu.memory_space<semaphore_mem>>) src(%dma_wait3A_30 : memref<632x64xf32, #tpu.memory_space<hbm>>) dst(%dma_wait3A_28 : memref<632x64xf32, #tpu.memory_space<vmem_shared>>)
        tpu.yield
      }) : () -> ()
    } else {
    }
    %eq3A = arith.constant 15 : i32
    %eq3A_3 = arith.cmpi eq, %arg1, %eq3A : i32
    %convert_element_type3A_4 = arith.extui %eq3A_3 : i1 to i32
    %cond3A_5 = arith.constant 0 : i32
    %cond3A_6 = arith.cmpi ne, %convert_element_type3A_4, %cond3A_5 : i32
    scf.if %cond3A_6 {
      "tpu.region"() ({
        %run_scoped3A = tpu.sem_alloc : memref<!tpu.dma_semaphore, #tpu.memory_space<semaphore_mem>>
        %dma_start3A = arith.constant 9480 : i32
        %dma_start3A_23 = arith.constant 0 : i32
        %dma_start3A_24 = tpu.memref_slice %arg14[%dma_start3A, %dma_start3A_23] : memref<10000x64xf32, #tpu.memory_space<vmem_shared>> -> memref<520x64xf32, #tpu.memory_space<vmem_shared>>
        %dma_start3A_25 = arith.constant 9480 : i32
        %dma_start3A_26 = arith.constant 0 : i32
        %dma_start3A_27 = tpu.memref_slice %arg6[%dma_start3A_25, %dma_start3A_26] : memref<10000x64xf32, #tpu.memory_space<hbm>> -> memref<520x64xf32, #tpu.memory_space<hbm>>
        tpu.enqueue_dma source(%dma_start3A_27 : memref<520x64xf32, #tpu.memory_space<hbm>>) target(%dma_start3A_24 : memref<520x64xf32, #tpu.memory_space<vmem_shared>>) target_semaphore(%run_scoped3A : memref<!tpu.dma_semaphore, #tpu.memory_space<semaphore_mem>>)
        %dma_wait3A = arith.constant 9480 : i32
        %dma_wait3A_28 = arith.constant 0 : i32
        %dma_wait3A_29 = tpu.memref_slice %arg14[%dma_wait3A, %dma_wait3A_28] : memref<10000x64xf32, #tpu.memory_space<vmem_shared>> -> memref<520x64xf32, #tpu.memory_space<vmem_shared>>
        %dma_wait3A_30 = arith.constant 9480 : i32
        %dma_wait3A_31 = arith.constant 0 : i32
        %dma_wait3A_32 = tpu.memref_slice %arg6[%dma_wait3A_30, %dma_wait3A_31] : memref<10000x64xf32, #tpu.memory_space<hbm>> -> memref<520x64xf32, #tpu.memory_space<hbm>>
        tpu.wait_dma2 semaphore(%run_scoped3A : memref<!tpu.dma_semaphore, #tpu.memory_space<semaphore_mem>>) src(%dma_wait3A_32 : memref<520x64xf32, #tpu.memory_space<hbm>>) dst(%dma_wait3A_29 : memref<520x64xf32, #tpu.memory_space<vmem_shared>>)
        tpu.yield
      }) : () -> ()
    } else {
    }
    %barrier3A = arith.constant 0 : index
    tpu.barrier barrier_id(%barrier3A)
    %scan3A = arith.constant 0 : i32
    %scan3A_7 = arith.constant 0 : i32
    %scan3A_8 = arith.constant 25 : i32
    %scan3A_9 = arith.addi %scan3A_7, %scan3A_8 : i32
    %scan3A_10 = arith.constant 1 : i32
    scf.for %scan3A_23 = %scan3A_7 to %scan3A_9 step %scan3A_10  : i32 {
      %mul3A_24 = arith.constant 10000 : i32
      %mul3A_25 = arith.muli %add3A, %mul3A_24 : i32
      %mul3A_26 = arith.constant 400 : i32
      %mul3A_27 = arith.muli %scan3A_23, %mul3A_26 : i32
      %add3A_28 = arith.addi %mul3A_25, %mul3A_27 : i32
      %multiple_of3A = tpu.assume_multiple %add3A_28, 16 : i32
      %dma_start3A = arith.constant 0 : i32
      %dma_start3A_29 = tpu.memref_slice %arg10[%scan3A_23, %dma_start3A] : memref<25x400xi32, #tpu.memory_space<vmem>> -> memref<1x400xi32, #tpu.memory_space<vmem>>
      %dma_start3A_30 = tpu.memref_squeeze %dma_start3A_29 : memref<1x400xi32, #tpu.memory_space<vmem>> -> memref<400xi32, #tpu.memory_space<vmem>>
      %dma_start3A_31 = arith.constant 0 : i32
      %dma_start3A_32 = arith.constant 0 : i32
      %dma_start3A_33 = tpu.memref_slice %arg2[%dma_start3A_31, %dma_start3A_32] : memref<10000x64xf32, #tpu.memory_space<hbm>> -> memref<10000x64xf32, #tpu.memory_space<hbm>>
      tpu.enqueue_indirect_dma source(%dma_start3A_33 : memref<10000x64xf32, #tpu.memory_space<hbm>>) target(%arg12 : memref<400x64xf32, #tpu.memory_space<vmem>>) offsets(%dma_start3A_30 : memref<400xi32, #tpu.memory_space<vmem>>) semaphore(%arg15 : memref<!tpu.dma_semaphore, #tpu.memory_space<semaphore_mem>>)
      %dma_wait3A = arith.constant 0 : i32
      %dma_wait3A_34 = tpu.memref_slice %arg10[%scan3A_23, %dma_wait3A] : memref<25x400xi32, #tpu.memory_space<vmem>> -> memref<1x400xi32, #tpu.memory_space<vmem>>
      %dma_wait3A_35 = tpu.memref_squeeze %dma_wait3A_34 : memref<1x400xi32, #tpu.memory_space<vmem>> -> memref<400xi32, #tpu.memory_space<vmem>>
      %dma_wait3A_36 = arith.constant 0 : i32
      %dma_wait3A_37 = arith.constant 0 : i32
      %dma_wait3A_38 = tpu.memref_slice %arg2[%dma_wait3A_36, %dma_wait3A_37] : memref<10000x64xf32, #tpu.memory_space<hbm>> -> memref<10000x64xf32, #tpu.memory_space<hbm>>
      tpu.wait_indirect_dma semaphore(%arg15 : memref<!tpu.dma_semaphore, #tpu.memory_space<semaphore_mem>>) src(%dma_wait3A_38 : memref<10000x64xf32, #tpu.memory_space<hbm>>) dst(%arg12 : memref<400x64xf32, #tpu.memory_space<vmem>>)
      "tpu.region"() ({
        %run_scoped3A = tpu.sem_alloc : memref<!tpu.dma_semaphore, #tpu.memory_space<semaphore_mem>>
        %dma_start3A_63 = arith.constant 0 : i32
        %dma_start3A_64 = tpu.memref_slice %arg7[%multiple_of3A, %dma_start3A_63] : memref<320000x64xf32, #tpu.memory_space<hbm>> -> memref<400x64xf32, #tpu.memory_space<hbm>>
        %dma_start3A_65 = arith.constant 0 : i32
        %dma_start3A_66 = tpu.memref_slice %arg7[%multiple_of3A, %dma_start3A_65] : memref<320000x64xf32, #tpu.memory_space<hbm>> -> memref<400x64xf32, #tpu.memory_space<hbm>>
        tpu.enqueue_dma source(%arg12 : memref<400x64xf32, #tpu.memory_space<vmem>>) target(%dma_start3A_66 : memref<400x64xf32, #tpu.memory_space<hbm>>) target_semaphore(%run_scoped3A : memref<!tpu.dma_semaphore, #tpu.memory_space<semaphore_mem>>)
        %dma_wait3A_67 = arith.constant 0 : i32
        %dma_wait3A_68 = tpu.memref_slice %arg7[%multiple_of3A, %dma_wait3A_67] : memref<320000x64xf32, #tpu.memory_space<hbm>> -> memref<400x64xf32, #tpu.memory_space<hbm>>
        %dma_wait3A_69 = arith.constant 0 : i32
        %dma_wait3A_70 = tpu.memref_slice %arg7[%multiple_of3A, %dma_wait3A_69] : memref<320000x64xf32, #tpu.memory_space<hbm>> -> memref<400x64xf32, #tpu.memory_space<hbm>>
        tpu.wait_dma2 semaphore(%run_scoped3A : memref<!tpu.dma_semaphore, #tpu.memory_space<semaphore_mem>>) src(%arg12 : memref<400x64xf32, #tpu.memory_space<vmem>>) dst(%dma_wait3A_70 : memref<400x64xf32, #tpu.memory_space<hbm>>)
        tpu.yield
      }) : () -> ()
      %dma_start3A_39 = arith.constant 0 : i32
      %dma_start3A_40 = tpu.memref_slice %arg11[%scan3A_23, %dma_start3A_39] : memref<25x400xi32, #tpu.memory_space<vmem>> -> memref<1x400xi32, #tpu.memory_space<vmem>>
      %dma_start3A_41 = tpu.memref_squeeze %dma_start3A_40 : memref<1x400xi32, #tpu.memory_space<vmem>> -> memref<400xi32, #tpu.memory_space<vmem>>
      %dma_start3A_42 = arith.constant 0 : i32
      %dma_start3A_43 = arith.constant 0 : i32
      %dma_start3A_44 = tpu.memref_slice %arg2[%dma_start3A_42, %dma_start3A_43] : memref<10000x64xf32, #tpu.memory_space<hbm>> -> memref<10000x64xf32, #tpu.memory_space<hbm>>
      tpu.enqueue_indirect_dma source(%dma_start3A_44 : memref<10000x64xf32, #tpu.memory_space<hbm>>) target(%arg12 : memref<400x64xf32, #tpu.memory_space<vmem>>) offsets(%dma_start3A_41 : memref<400xi32, #tpu.memory_space<vmem>>) semaphore(%arg15 : memref<!tpu.dma_semaphore, #tpu.memory_space<semaphore_mem>>)
      %dma_wait3A_45 = arith.constant 0 : i32
      %dma_wait3A_46 = tpu.memref_slice %arg11[%scan3A_23, %dma_wait3A_45] : memref<25x400xi32, #tpu.memory_space<vmem>> -> memref<1x400xi32, #tpu.memory_space<vmem>>
      %dma_wait3A_47 = tpu.memref_squeeze %dma_wait3A_46 : memref<1x400xi32, #tpu.memory_space<vmem>> -> memref<400xi32, #tpu.memory_space<vmem>>
      %dma_wait3A_48 = arith.constant 0 : i32
      %dma_wait3A_49 = arith.constant 0 : i32
      %dma_wait3A_50 = tpu.memref_slice %arg2[%dma_wait3A_48, %dma_wait3A_49] : memref<10000x64xf32, #tpu.memory_space<hbm>> -> memref<10000x64xf32, #tpu.memory_space<hbm>>
      tpu.wait_indirect_dma semaphore(%arg15 : memref<!tpu.dma_semaphore, #tpu.memory_space<semaphore_mem>>) src(%dma_wait3A_50 : memref<10000x64xf32, #tpu.memory_space<hbm>>) dst(%arg12 : memref<400x64xf32, #tpu.memory_space<vmem>>)
      "tpu.region"() ({
        %run_scoped3A = tpu.sem_alloc : memref<!tpu.dma_semaphore, #tpu.memory_space<semaphore_mem>>
        %dma_start3A_63 = arith.constant 0 : i32
        %dma_start3A_64 = tpu.memref_slice %arg8[%multiple_of3A, %dma_start3A_63] : memref<320000x64xf32, #tpu.memory_space<hbm>> -> memref<400x64xf32, #tpu.memory_space<hbm>>
        %dma_start3A_65 = arith.constant 0 : i32
        %dma_start3A_66 = tpu.memref_slice %arg8[%multiple_of3A, %dma_start3A_65] : memref<320000x64xf32, #tpu.memory_space<hbm>> -> memref<400x64xf32, #tpu.memory_space<hbm>>
        tpu.enqueue_dma source(%arg12 : memref<400x64xf32, #tpu.memory_space<vmem>>) target(%dma_start3A_66 : memref<400x64xf32, #tpu.memory_space<hbm>>) target_semaphore(%run_scoped3A : memref<!tpu.dma_semaphore, #tpu.memory_space<semaphore_mem>>)
        %dma_wait3A_67 = arith.constant 0 : i32
        %dma_wait3A_68 = tpu.memref_slice %arg8[%multiple_of3A, %dma_wait3A_67] : memref<320000x64xf32, #tpu.memory_space<hbm>> -> memref<400x64xf32, #tpu.memory_space<hbm>>
        %dma_wait3A_69 = arith.constant 0 : i32
        %dma_wait3A_70 = tpu.memref_slice %arg8[%multiple_of3A, %dma_wait3A_69] : memref<320000x64xf32, #tpu.memory_space<hbm>> -> memref<400x64xf32, #tpu.memory_space<hbm>>
        tpu.wait_dma2 semaphore(%run_scoped3A : memref<!tpu.dma_semaphore, #tpu.memory_space<semaphore_mem>>) src(%arg12 : memref<400x64xf32, #tpu.memory_space<vmem>>) dst(%dma_wait3A_70 : memref<400x64xf32, #tpu.memory_space<hbm>>)
        tpu.yield
      }) : () -> ()
      %dma_start3A_51 = arith.constant 0 : i32
      %dma_start3A_52 = tpu.memref_slice %arg10[%scan3A_23, %dma_start3A_51] : memref<25x400xi32, #tpu.memory_space<vmem>> -> memref<1x400xi32, #tpu.memory_space<vmem>>
      %dma_start3A_53 = tpu.memref_squeeze %dma_start3A_52 : memref<1x400xi32, #tpu.memory_space<vmem>> -> memref<400xi32, #tpu.memory_space<vmem>>
      %dma_start3A_54 = arith.constant 0 : i32
      %dma_start3A_55 = arith.constant 0 : i32
      %dma_start3A_56 = tpu.memref_slice %arg3[%dma_start3A_54, %dma_start3A_55] : memref<10000x64xf32, #tpu.memory_space<hbm>> -> memref<10000x64xf32, #tpu.memory_space<hbm>>
      tpu.enqueue_indirect_dma source(%dma_start3A_56 : memref<10000x64xf32, #tpu.memory_space<hbm>>) target(%arg13 : memref<400x64xf32, #tpu.memory_space<vmem>>) offsets(%dma_start3A_53 : memref<400xi32, #tpu.memory_space<vmem>>) semaphore(%arg15 : memref<!tpu.dma_semaphore, #tpu.memory_space<semaphore_mem>>)
      %dma_wait3A_57 = arith.constant 0 : i32
      %dma_wait3A_58 = tpu.memref_slice %arg10[%scan3A_23, %dma_wait3A_57] : memref<25x400xi32, #tpu.memory_space<vmem>> -> memref<1x400xi32, #tpu.memory_space<vmem>>
      %dma_wait3A_59 = tpu.memref_squeeze %dma_wait3A_58 : memref<1x400xi32, #tpu.memory_space<vmem>> -> memref<400xi32, #tpu.memory_space<vmem>>
      %dma_wait3A_60 = arith.constant 0 : i32
      %dma_wait3A_61 = arith.constant 0 : i32
      %dma_wait3A_62 = tpu.memref_slice %arg3[%dma_wait3A_60, %dma_wait3A_61] : memref<10000x64xf32, #tpu.memory_space<hbm>> -> memref<10000x64xf32, #tpu.memory_space<hbm>>
      tpu.wait_indirect_dma semaphore(%arg15 : memref<!tpu.dma_semaphore, #tpu.memory_space<semaphore_mem>>) src(%dma_wait3A_62 : memref<10000x64xf32, #tpu.memory_space<hbm>>) dst(%arg13 : memref<400x64xf32, #tpu.memory_space<vmem>>)
      "tpu.region"() ({
        %run_scoped3A = tpu.sem_alloc : memref<!tpu.dma_semaphore, #tpu.memory_space<semaphore_mem>>
        %dma_start3A_63 = arith.constant 0 : i32
        %dma_start3A_64 = tpu.memref_slice %arg11[%scan3A_23, %dma_start3A_63] : memref<25x400xi32, #tpu.memory_space<vmem>> -> memref<1x400xi32, #tpu.memory_space<vmem>>
        %dma_start3A_65 = tpu.memref_squeeze %dma_start3A_64 : memref<1x400xi32, #tpu.memory_space<vmem>> -> memref<400xi32, #tpu.memory_space<vmem>>
        %dma_start3A_66 = arith.constant 0 : i32
        %dma_start3A_67 = arith.constant 0 : i32
        %dma_start3A_68 = tpu.memref_slice %arg14[%dma_start3A_66, %dma_start3A_67] : memref<10000x64xf32, #tpu.memory_space<vmem_shared>> -> memref<10000x64xf32, #tpu.memory_space<vmem_shared>>
        tpu.enqueue_indirect_dma source(%arg13 : memref<400x64xf32, #tpu.memory_space<vmem>>) target(%dma_start3A_68 : memref<10000x64xf32, #tpu.memory_space<vmem_shared>>) offsets(%dma_start3A_65 : memref<400xi32, #tpu.memory_space<vmem>>) semaphore(%run_scoped3A : memref<!tpu.dma_semaphore, #tpu.memory_space<semaphore_mem>>) {add = true}
        %dma_wait3A_69 = arith.constant 0 : i32
        %dma_wait3A_70 = tpu.memref_slice %arg11[%scan3A_23, %dma_wait3A_69] : memref<25x400xi32, #tpu.memory_space<vmem>> -> memref<1x400xi32, #tpu.memory_space<vmem>>
        %dma_wait3A_71 = tpu.memref_squeeze %dma_wait3A_70 : memref<1x400xi32, #tpu.memory_space<vmem>> -> memref<400xi32, #tpu.memory_space<vmem>>
        %dma_wait3A_72 = arith.constant 0 : i32
        %dma_wait3A_73 = arith.constant 0 : i32
        %dma_wait3A_74 = tpu.memref_slice %arg14[%dma_wait3A_72, %dma_wait3A_73] : memref<10000x64xf32, #tpu.memory_space<vmem_shared>> -> memref<10000x64xf32, #tpu.memory_space<vmem_shared>>
        tpu.wait_indirect_dma semaphore(%run_scoped3A : memref<!tpu.dma_semaphore, #tpu.memory_space<semaphore_mem>>) src(%arg13 : memref<400x64xf32, #tpu.memory_space<vmem>>) dst(%dma_wait3A_74 : memref<10000x64xf32, #tpu.memory_space<vmem_shared>>)
        tpu.yield
      }) : () -> ()
    }
    %scan3A_11 = arith.constant 25 : i32
    %barrier3A_12 = arith.constant 0 : index
    tpu.barrier barrier_id(%barrier3A_12)
    %lt3A_13 = arith.constant 15 : i32
    %lt3A_14 = arith.cmpi slt, %arg1, %lt3A_13 : i32
    %convert_element_type3A_15 = arith.extui %lt3A_14 : i1 to i32
    %cond3A_16 = arith.constant 0 : i32
    %cond3A_17 = arith.cmpi ne, %convert_element_type3A_15, %cond3A_16 : i32
    scf.if %cond3A_17 {
      %mul3A_23 = arith.constant 632 : i32
      %mul3A_24 = arith.muli %arg1, %mul3A_23 : i32
      %multiple_of3A = tpu.assume_multiple %mul3A_24, 8 : i32
      "tpu.region"() ({
        %run_scoped3A = tpu.sem_alloc : memref<!tpu.dma_semaphore, #tpu.memory_space<semaphore_mem>>
        %dma_start3A = arith.constant 0 : i32
        %dma_start3A_25 = tpu.memref_slice %arg9[%arg0, %multiple_of3A, %dma_start3A] : memref<2x10000x64xf32, #tpu.memory_space<hbm>> -> memref<1x632x64xf32, #tpu.memory_space<hbm>>
        %dma_start3A_26 = tpu.memref_squeeze %dma_start3A_25 : memref<1x632x64xf32, #tpu.memory_space<hbm>> -> memref<632x64xf32, #tpu.memory_space<hbm>>
        %dma_start3A_27 = arith.constant 0 : i32
        %dma_start3A_28 = tpu.memref_slice %arg14[%multiple_of3A, %dma_start3A_27] : memref<10000x64xf32, #tpu.memory_space<vmem_shared>> -> memref<632x64xf32, #tpu.memory_space<vmem_shared>>
        tpu.enqueue_dma source(%dma_start3A_28 : memref<632x64xf32, #tpu.memory_space<vmem_shared>>) target(%dma_start3A_26 : memref<632x64xf32, #tpu.memory_space<hbm>>) target_semaphore(%run_scoped3A : memref<!tpu.dma_semaphore, #tpu.memory_space<semaphore_mem>>)
        %dma_wait3A = arith.constant 0 : i32
        %dma_wait3A_29 = tpu.memref_slice %arg9[%arg0, %multiple_of3A, %dma_wait3A] : memref<2x10000x64xf32, #tpu.memory_space<hbm>> -> memref<1x632x64xf32, #tpu.memory_space<hbm>>
        %dma_wait3A_30 = tpu.memref_squeeze %dma_wait3A_29 : memref<1x632x64xf32, #tpu.memory_space<hbm>> -> memref<632x64xf32, #tpu.memory_space<hbm>>
        %dma_wait3A_31 = arith.constant 0 : i32
        %dma_wait3A_32 = tpu.memref_slice %arg14[%multiple_of3A, %dma_wait3A_31] : memref<10000x64xf32, #tpu.memory_space<vmem_shared>> -> memref<632x64xf32, #tpu.memory_space<vmem_shared>>
        tpu.wait_dma2 semaphore(%run_scoped3A : memref<!tpu.dma_semaphore, #tpu.memory_space<semaphore_mem>>) src(%dma_wait3A_32 : memref<632x64xf32, #tpu.memory_space<vmem_shared>>) dst(%dma_wait3A_30 : memref<632x64xf32, #tpu.memory_space<hbm>>)
        tpu.yield
      }) : () -> ()
    } else {
    }
    %eq3A_18 = arith.constant 15 : i32
    %eq3A_19 = arith.cmpi eq, %arg1, %eq3A_18 : i32
    %convert_element_type3A_20 = arith.extui %eq3A_19 : i1 to i32
    %cond3A_21 = arith.constant 0 : i32
    %cond3A_22 = arith.cmpi ne, %convert_element_type3A_20, %cond3A_21 : i32
    scf.if %cond3A_22 {
      "tpu.region"() ({
        %run_scoped3A = tpu.sem_alloc : memref<!tpu.dma_semaphore, #tpu.memory_space<semaphore_mem>>
        %dma_start3A = arith.constant 9480 : i32
        %dma_start3A_23 = arith.constant 0 : i32
        %dma_start3A_24 = tpu.memref_slice %arg9[%arg0, %dma_start3A, %dma_start3A_23] : memref<2x10000x64xf32, #tpu.memory_space<hbm>> -> memref<1x520x64xf32, #tpu.memory_space<hbm>>
        %dma_start3A_25 = tpu.memref_squeeze %dma_start3A_24 : memref<1x520x64xf32, #tpu.memory_space<hbm>> -> memref<520x64xf32, #tpu.memory_space<hbm>>
        %dma_start3A_26 = arith.constant 9480 : i32
        %dma_start3A_27 = arith.constant 0 : i32
        %dma_start3A_28 = tpu.memref_slice %arg14[%dma_start3A_26, %dma_start3A_27] : memref<10000x64xf32, #tpu.memory_space<vmem_shared>> -> memref<520x64xf32, #tpu.memory_space<vmem_shared>>
        tpu.enqueue_dma source(%dma_start3A_28 : memref<520x64xf32, #tpu.memory_space<vmem_shared>>) target(%dma_start3A_25 : memref<520x64xf32, #tpu.memory_space<hbm>>) target_semaphore(%run_scoped3A : memref<!tpu.dma_semaphore, #tpu.memory_space<semaphore_mem>>)
        %dma_wait3A = arith.constant 9480 : i32
        %dma_wait3A_29 = arith.constant 0 : i32
        %dma_wait3A_30 = tpu.memref_slice %arg9[%arg0, %dma_wait3A, %dma_wait3A_29] : memref<2x10000x64xf32, #tpu.memory_space<hbm>> -> memref<1x520x64xf32, #tpu.memory_space<hbm>>
        %dma_wait3A_31 = tpu.memref_squeeze %dma_wait3A_30 : memref<1x520x64xf32, #tpu.memory_space<hbm>> -> memref<520x64xf32, #tpu.memory_space<hbm>>
        %dma_wait3A_32 = arith.constant 9480 : i32
        %dma_wait3A_33 = arith.constant 0 : i32
        %dma_wait3A_34 = tpu.memref_slice %arg14[%dma_wait3A_32, %dma_wait3A_33] : memref<10000x64xf32, #tpu.memory_space<vmem_shared>> -> memref<520x64xf32, #tpu.memory_space<vmem_shared>>
        tpu.wait_dma2 semaphore(%run_scoped3A : memref<!tpu.dma_semaphore, #tpu.memory_space<semaphore_mem>>) src(%dma_wait3A_34 : memref<520x64xf32, #tpu.memory_space<vmem_shared>>) dst(%dma_wait3A_31 : memref<520x64xf32, #tpu.memory_space<hbm>>)
        tpu.yield
      }) : () -> ()
    } else {
    }
    return
  }
}

#map = affine_map<(d0, d1) -> (0, 0)>
#map1 = affine_map<(d0, d1) -> (0, 0, 0)>
module attributes {stable_mosaic.version = 14 : i64} {
  func.func @k(%arg0: i32, %arg1: i32, %arg2: memref<10000x32xf32, #tpu.memory_space<hbm>>, %arg3: memref<10000x32xf32, #tpu.memory_space<hbm>>, %arg4: memref<32x25x400xi32, #tpu.memory_space<hbm>>, %arg5: memref<32x25x400xi32, #tpu.memory_space<hbm>>, %arg6: memref<10000x32xf32, #tpu.memory_space<hbm>>, %arg7: memref<320000x32xf32, #tpu.memory_space<hbm>>, %arg8: memref<320000x32xf32, #tpu.memory_space<hbm>>, %arg9: memref<2x10000x32xf32, #tpu.memory_space<hbm>>, %arg10: memref<25x400xi32, #tpu.memory_space<vmem>>, %arg11: memref<25x400xi32, #tpu.memory_space<vmem>>, %arg12: memref<400x32xf32, #tpu.memory_space<vmem>>, %arg13: memref<400x32xf32, #tpu.memory_space<vmem>>, %arg14: memref<10000x32xf32, #tpu.memory_space<vmem_shared>>, %arg15: memref<!tpu.dma_semaphore, #tpu.memory_space<semaphore_mem>>) attributes {dimension_semantics = [#tpu.dimension_semantics<core_parallel>, #tpu.dimension_semantics<subcore_parallel>], iteration_bounds = array<i64: 2, 16>, scalar_prefetch = 0 : i64, scratch_operands = 6 : i64, tpu.core_type = #tpu.core_type<sc_vector_subcore>, window_params = [{transform_indices = #map}, {transform_indices = #map}, {transform_indices = #map1}, {transform_indices = #map1}, {transform_indices = #map}, {transform_indices = #map}, {transform_indices = #map}, {transform_indices = #map1}]} {
    %mul3A = arith.constant 2 : i32
    %mul3A_0 = arith.muli %arg1, %mul3A : i32
    %add3A = arith.addi %mul3A_0, %arg0 : i32
    "tpu.region"() ({
      %run_scoped3A = tpu.sem_alloc : memref<!tpu.dma_semaphore, #tpu.memory_space<semaphore_mem>>
      %dma_start3A = arith.constant 0 : i32
      %dma_start3A_23 = arith.constant 0 : i32
      %dma_start3A_24 = tpu.memref_slice %arg4[%add3A, %dma_start3A, %dma_start3A_23] : memref<32x25x400xi32, #tpu.memory_space<hbm>> -> memref<1x25x400xi32, #tpu.memory_space<hbm>>
      %dma_start3A_25 = tpu.memref_squeeze %dma_start3A_24 : memref<1x25x400xi32, #tpu.memory_space<hbm>> -> memref<25x400xi32, #tpu.memory_space<hbm>>
      %dma_start3A_26 = arith.constant 0 : i32
      %dma_start3A_27 = arith.constant 0 : i32
      %dma_start3A_28 = tpu.memref_slice %arg4[%add3A, %dma_start3A_26, %dma_start3A_27] : memref<32x25x400xi32, #tpu.memory_space<hbm>> -> memref<1x25x400xi32, #tpu.memory_space<hbm>>
      %dma_start3A_29 = tpu.memref_squeeze %dma_start3A_28 : memref<1x25x400xi32, #tpu.memory_space<hbm>> -> memref<25x400xi32, #tpu.memory_space<hbm>>
      tpu.enqueue_dma source(%dma_start3A_29 : memref<25x400xi32, #tpu.memory_space<hbm>>) target(%arg10 : memref<25x400xi32, #tpu.memory_space<vmem>>) target_semaphore(%run_scoped3A : memref<!tpu.dma_semaphore, #tpu.memory_space<semaphore_mem>>)
      %dma_wait3A = arith.constant 0 : i32
      %dma_wait3A_30 = arith.constant 0 : i32
      %dma_wait3A_31 = tpu.memref_slice %arg4[%add3A, %dma_wait3A, %dma_wait3A_30] : memref<32x25x400xi32, #tpu.memory_space<hbm>> -> memref<1x25x400xi32, #tpu.memory_space<hbm>>
      %dma_wait3A_32 = tpu.memref_squeeze %dma_wait3A_31 : memref<1x25x400xi32, #tpu.memory_space<hbm>> -> memref<25x400xi32, #tpu.memory_space<hbm>>
      %dma_wait3A_33 = arith.constant 0 : i32
      %dma_wait3A_34 = arith.constant 0 : i32
      %dma_wait3A_35 = tpu.memref_slice %arg4[%add3A, %dma_wait3A_33, %dma_wait3A_34] : memref<32x25x400xi32, #tpu.memory_space<hbm>> -> memref<1x25x400xi32, #tpu.memory_space<hbm>>
      %dma_wait3A_36 = tpu.memref_squeeze %dma_wait3A_35 : memref<1x25x400xi32, #tpu.memory_space<hbm>> -> memref<25x400xi32, #tpu.memory_space<hbm>>
      tpu.wait_dma2 semaphore(%run_scoped3A : memref<!tpu.dma_semaphore, #tpu.memory_space<semaphore_mem>>) src(%dma_wait3A_36 : memref<25x400xi32, #tpu.memory_space<hbm>>) dst(%arg10 : memref<25x400xi32, #tpu.memory_space<vmem>>)
      tpu.yield
    }) : () -> ()
    "tpu.region"() ({
      %run_scoped3A = tpu.sem_alloc : memref<!tpu.dma_semaphore, #tpu.memory_space<semaphore_mem>>
      %dma_start3A = arith.constant 0 : i32
      %dma_start3A_23 = arith.constant 0 : i32
      %dma_start3A_24 = tpu.memref_slice %arg5[%add3A, %dma_start3A, %dma_start3A_23] : memref<32x25x400xi32, #tpu.memory_space<hbm>> -> memref<1x25x400xi32, #tpu.memory_space<hbm>>
      %dma_start3A_25 = tpu.memref_squeeze %dma_start3A_24 : memref<1x25x400xi32, #tpu.memory_space<hbm>> -> memref<25x400xi32, #tpu.memory_space<hbm>>
      %dma_start3A_26 = arith.constant 0 : i32
      %dma_start3A_27 = arith.constant 0 : i32
      %dma_start3A_28 = tpu.memref_slice %arg5[%add3A, %dma_start3A_26, %dma_start3A_27] : memref<32x25x400xi32, #tpu.memory_space<hbm>> -> memref<1x25x400xi32, #tpu.memory_space<hbm>>
      %dma_start3A_29 = tpu.memref_squeeze %dma_start3A_28 : memref<1x25x400xi32, #tpu.memory_space<hbm>> -> memref<25x400xi32, #tpu.memory_space<hbm>>
      tpu.enqueue_dma source(%dma_start3A_29 : memref<25x400xi32, #tpu.memory_space<hbm>>) target(%arg11 : memref<25x400xi32, #tpu.memory_space<vmem>>) target_semaphore(%run_scoped3A : memref<!tpu.dma_semaphore, #tpu.memory_space<semaphore_mem>>)
      %dma_wait3A = arith.constant 0 : i32
      %dma_wait3A_30 = arith.constant 0 : i32
      %dma_wait3A_31 = tpu.memref_slice %arg5[%add3A, %dma_wait3A, %dma_wait3A_30] : memref<32x25x400xi32, #tpu.memory_space<hbm>> -> memref<1x25x400xi32, #tpu.memory_space<hbm>>
      %dma_wait3A_32 = tpu.memref_squeeze %dma_wait3A_31 : memref<1x25x400xi32, #tpu.memory_space<hbm>> -> memref<25x400xi32, #tpu.memory_space<hbm>>
      %dma_wait3A_33 = arith.constant 0 : i32
      %dma_wait3A_34 = arith.constant 0 : i32
      %dma_wait3A_35 = tpu.memref_slice %arg5[%add3A, %dma_wait3A_33, %dma_wait3A_34] : memref<32x25x400xi32, #tpu.memory_space<hbm>> -> memref<1x25x400xi32, #tpu.memory_space<hbm>>
      %dma_wait3A_36 = tpu.memref_squeeze %dma_wait3A_35 : memref<1x25x400xi32, #tpu.memory_space<hbm>> -> memref<25x400xi32, #tpu.memory_space<hbm>>
      tpu.wait_dma2 semaphore(%run_scoped3A : memref<!tpu.dma_semaphore, #tpu.memory_space<semaphore_mem>>) src(%dma_wait3A_36 : memref<25x400xi32, #tpu.memory_space<hbm>>) dst(%arg11 : memref<25x400xi32, #tpu.memory_space<vmem>>)
      tpu.yield
    }) : () -> ()
    %lt3A = arith.constant 15 : i32
    %lt3A_1 = arith.cmpi slt, %arg1, %lt3A : i32
    %convert_element_type3A = arith.extui %lt3A_1 : i1 to i32
    %cond3A = arith.constant 0 : i32
    %cond3A_2 = arith.cmpi ne, %convert_element_type3A, %cond3A : i32
    scf.if %cond3A_2 {
      %mul3A_23 = arith.constant 632 : i32
      %mul3A_24 = arith.muli %arg1, %mul3A_23 : i32
      %multiple_of3A = tpu.assume_multiple %mul3A_24, 8 : i32
      "tpu.region"() ({
        %run_scoped3A = tpu.sem_alloc : memref<!tpu.dma_semaphore, #tpu.memory_space<semaphore_mem>>
        %dma_start3A = arith.constant 0 : i32
        %dma_start3A_25 = tpu.memref_slice %arg14[%multiple_of3A, %dma_start3A] : memref<10000x32xf32, #tpu.memory_space<vmem_shared>> -> memref<632x32xf32, #tpu.memory_space<vmem_shared>>
        %dma_start3A_26 = arith.constant 0 : i32
        %dma_start3A_27 = tpu.memref_slice %arg6[%multiple_of3A, %dma_start3A_26] : memref<10000x32xf32, #tpu.memory_space<hbm>> -> memref<632x32xf32, #tpu.memory_space<hbm>>
        tpu.enqueue_dma source(%dma_start3A_27 : memref<632x32xf32, #tpu.memory_space<hbm>>) target(%dma_start3A_25 : memref<632x32xf32, #tpu.memory_space<vmem_shared>>) target_semaphore(%run_scoped3A : memref<!tpu.dma_semaphore, #tpu.memory_space<semaphore_mem>>)
        %dma_wait3A = arith.constant 0 : i32
        %dma_wait3A_28 = tpu.memref_slice %arg14[%multiple_of3A, %dma_wait3A] : memref<10000x32xf32, #tpu.memory_space<vmem_shared>> -> memref<632x32xf32, #tpu.memory_space<vmem_shared>>
        %dma_wait3A_29 = arith.constant 0 : i32
        %dma_wait3A_30 = tpu.memref_slice %arg6[%multiple_of3A, %dma_wait3A_29] : memref<10000x32xf32, #tpu.memory_space<hbm>> -> memref<632x32xf32, #tpu.memory_space<hbm>>
        tpu.wait_dma2 semaphore(%run_scoped3A : memref<!tpu.dma_semaphore, #tpu.memory_space<semaphore_mem>>) src(%dma_wait3A_30 : memref<632x32xf32, #tpu.memory_space<hbm>>) dst(%dma_wait3A_28 : memref<632x32xf32, #tpu.memory_space<vmem_shared>>)
        tpu.yield
      }) : () -> ()
    } else {
    }
    %eq3A = arith.constant 15 : i32
    %eq3A_3 = arith.cmpi eq, %arg1, %eq3A : i32
    %convert_element_type3A_4 = arith.extui %eq3A_3 : i1 to i32
    %cond3A_5 = arith.constant 0 : i32
    %cond3A_6 = arith.cmpi ne, %convert_element_type3A_4, %cond3A_5 : i32
    scf.if %cond3A_6 {
      "tpu.region"() ({
        %run_scoped3A = tpu.sem_alloc : memref<!tpu.dma_semaphore, #tpu.memory_space<semaphore_mem>>
        %dma_start3A = arith.constant 9480 : i32
        %dma_start3A_23 = arith.constant 0 : i32
        %dma_start3A_24 = tpu.memref_slice %arg14[%dma_start3A, %dma_start3A_23] : memref<10000x32xf32, #tpu.memory_space<vmem_shared>> -> memref<520x32xf32, #tpu.memory_space<vmem_shared>>
        %dma_start3A_25 = arith.constant 9480 : i32
        %dma_start3A_26 = arith.constant 0 : i32
        %dma_start3A_27 = tpu.memref_slice %arg6[%dma_start3A_25, %dma_start3A_26] : memref<10000x32xf32, #tpu.memory_space<hbm>> -> memref<520x32xf32, #tpu.memory_space<hbm>>
        tpu.enqueue_dma source(%dma_start3A_27 : memref<520x32xf32, #tpu.memory_space<hbm>>) target(%dma_start3A_24 : memref<520x32xf32, #tpu.memory_space<vmem_shared>>) target_semaphore(%run_scoped3A : memref<!tpu.dma_semaphore, #tpu.memory_space<semaphore_mem>>)
        %dma_wait3A = arith.constant 9480 : i32
        %dma_wait3A_28 = arith.constant 0 : i32
        %dma_wait3A_29 = tpu.memref_slice %arg14[%dma_wait3A, %dma_wait3A_28] : memref<10000x32xf32, #tpu.memory_space<vmem_shared>> -> memref<520x32xf32, #tpu.memory_space<vmem_shared>>
        %dma_wait3A_30 = arith.constant 9480 : i32
        %dma_wait3A_31 = arith.constant 0 : i32
        %dma_wait3A_32 = tpu.memref_slice %arg6[%dma_wait3A_30, %dma_wait3A_31] : memref<10000x32xf32, #tpu.memory_space<hbm>> -> memref<520x32xf32, #tpu.memory_space<hbm>>
        tpu.wait_dma2 semaphore(%run_scoped3A : memref<!tpu.dma_semaphore, #tpu.memory_space<semaphore_mem>>) src(%dma_wait3A_32 : memref<520x32xf32, #tpu.memory_space<hbm>>) dst(%dma_wait3A_29 : memref<520x32xf32, #tpu.memory_space<vmem_shared>>)
        tpu.yield
      }) : () -> ()
    } else {
    }
    %barrier3A = arith.constant 0 : index
    tpu.barrier barrier_id(%barrier3A)
    %scan3A = arith.constant 0 : i32
    %scan3A_7 = arith.constant 0 : i32
    %scan3A_8 = arith.constant 25 : i32
    %scan3A_9 = arith.addi %scan3A_7, %scan3A_8 : i32
    %scan3A_10 = arith.constant 1 : i32
    scf.for %scan3A_23 = %scan3A_7 to %scan3A_9 step %scan3A_10  : i32 {
      %mul3A_24 = arith.constant 10000 : i32
      %mul3A_25 = arith.muli %add3A, %mul3A_24 : i32
      %mul3A_26 = arith.constant 400 : i32
      %mul3A_27 = arith.muli %scan3A_23, %mul3A_26 : i32
      %add3A_28 = arith.addi %mul3A_25, %mul3A_27 : i32
      %multiple_of3A = tpu.assume_multiple %add3A_28, 16 : i32
      %dma_start3A = arith.constant 0 : i32
      %dma_start3A_29 = tpu.memref_slice %arg10[%scan3A_23, %dma_start3A] : memref<25x400xi32, #tpu.memory_space<vmem>> -> memref<1x400xi32, #tpu.memory_space<vmem>>
      %dma_start3A_30 = tpu.memref_squeeze %dma_start3A_29 : memref<1x400xi32, #tpu.memory_space<vmem>> -> memref<400xi32, #tpu.memory_space<vmem>>
      %dma_start3A_31 = arith.constant 0 : i32
      %dma_start3A_32 = arith.constant 0 : i32
      %dma_start3A_33 = tpu.memref_slice %arg2[%dma_start3A_31, %dma_start3A_32] : memref<10000x32xf32, #tpu.memory_space<hbm>> -> memref<10000x32xf32, #tpu.memory_space<hbm>>
      tpu.enqueue_indirect_dma source(%dma_start3A_33 : memref<10000x32xf32, #tpu.memory_space<hbm>>) target(%arg12 : memref<400x32xf32, #tpu.memory_space<vmem>>) offsets(%dma_start3A_30 : memref<400xi32, #tpu.memory_space<vmem>>) semaphore(%arg15 : memref<!tpu.dma_semaphore, #tpu.memory_space<semaphore_mem>>)
      %dma_wait3A = arith.constant 0 : i32
      %dma_wait3A_34 = tpu.memref_slice %arg10[%scan3A_23, %dma_wait3A] : memref<25x400xi32, #tpu.memory_space<vmem>> -> memref<1x400xi32, #tpu.memory_space<vmem>>
      %dma_wait3A_35 = tpu.memref_squeeze %dma_wait3A_34 : memref<1x400xi32, #tpu.memory_space<vmem>> -> memref<400xi32, #tpu.memory_space<vmem>>
      %dma_wait3A_36 = arith.constant 0 : i32
      %dma_wait3A_37 = arith.constant 0 : i32
      %dma_wait3A_38 = tpu.memref_slice %arg2[%dma_wait3A_36, %dma_wait3A_37] : memref<10000x32xf32, #tpu.memory_space<hbm>> -> memref<10000x32xf32, #tpu.memory_space<hbm>>
      tpu.wait_indirect_dma semaphore(%arg15 : memref<!tpu.dma_semaphore, #tpu.memory_space<semaphore_mem>>) src(%dma_wait3A_38 : memref<10000x32xf32, #tpu.memory_space<hbm>>) dst(%arg12 : memref<400x32xf32, #tpu.memory_space<vmem>>)
      "tpu.region"() ({
        %run_scoped3A = tpu.sem_alloc : memref<!tpu.dma_semaphore, #tpu.memory_space<semaphore_mem>>
        %dma_start3A_63 = arith.constant 0 : i32
        %dma_start3A_64 = tpu.memref_slice %arg7[%multiple_of3A, %dma_start3A_63] : memref<320000x32xf32, #tpu.memory_space<hbm>> -> memref<400x32xf32, #tpu.memory_space<hbm>>
        %dma_start3A_65 = arith.constant 0 : i32
        %dma_start3A_66 = tpu.memref_slice %arg7[%multiple_of3A, %dma_start3A_65] : memref<320000x32xf32, #tpu.memory_space<hbm>> -> memref<400x32xf32, #tpu.memory_space<hbm>>
        tpu.enqueue_dma source(%arg12 : memref<400x32xf32, #tpu.memory_space<vmem>>) target(%dma_start3A_66 : memref<400x32xf32, #tpu.memory_space<hbm>>) target_semaphore(%run_scoped3A : memref<!tpu.dma_semaphore, #tpu.memory_space<semaphore_mem>>)
        %dma_wait3A_67 = arith.constant 0 : i32
        %dma_wait3A_68 = tpu.memref_slice %arg7[%multiple_of3A, %dma_wait3A_67] : memref<320000x32xf32, #tpu.memory_space<hbm>> -> memref<400x32xf32, #tpu.memory_space<hbm>>
        %dma_wait3A_69 = arith.constant 0 : i32
        %dma_wait3A_70 = tpu.memref_slice %arg7[%multiple_of3A, %dma_wait3A_69] : memref<320000x32xf32, #tpu.memory_space<hbm>> -> memref<400x32xf32, #tpu.memory_space<hbm>>
        tpu.wait_dma2 semaphore(%run_scoped3A : memref<!tpu.dma_semaphore, #tpu.memory_space<semaphore_mem>>) src(%arg12 : memref<400x32xf32, #tpu.memory_space<vmem>>) dst(%dma_wait3A_70 : memref<400x32xf32, #tpu.memory_space<hbm>>)
        tpu.yield
      }) : () -> ()
      %dma_start3A_39 = arith.constant 0 : i32
      %dma_start3A_40 = tpu.memref_slice %arg11[%scan3A_23, %dma_start3A_39] : memref<25x400xi32, #tpu.memory_space<vmem>> -> memref<1x400xi32, #tpu.memory_space<vmem>>
      %dma_start3A_41 = tpu.memref_squeeze %dma_start3A_40 : memref<1x400xi32, #tpu.memory_space<vmem>> -> memref<400xi32, #tpu.memory_space<vmem>>
      %dma_start3A_42 = arith.constant 0 : i32
      %dma_start3A_43 = arith.constant 0 : i32
      %dma_start3A_44 = tpu.memref_slice %arg2[%dma_start3A_42, %dma_start3A_43] : memref<10000x32xf32, #tpu.memory_space<hbm>> -> memref<10000x32xf32, #tpu.memory_space<hbm>>
      tpu.enqueue_indirect_dma source(%dma_start3A_44 : memref<10000x32xf32, #tpu.memory_space<hbm>>) target(%arg12 : memref<400x32xf32, #tpu.memory_space<vmem>>) offsets(%dma_start3A_41 : memref<400xi32, #tpu.memory_space<vmem>>) semaphore(%arg15 : memref<!tpu.dma_semaphore, #tpu.memory_space<semaphore_mem>>)
      %dma_wait3A_45 = arith.constant 0 : i32
      %dma_wait3A_46 = tpu.memref_slice %arg11[%scan3A_23, %dma_wait3A_45] : memref<25x400xi32, #tpu.memory_space<vmem>> -> memref<1x400xi32, #tpu.memory_space<vmem>>
      %dma_wait3A_47 = tpu.memref_squeeze %dma_wait3A_46 : memref<1x400xi32, #tpu.memory_space<vmem>> -> memref<400xi32, #tpu.memory_space<vmem>>
      %dma_wait3A_48 = arith.constant 0 : i32
      %dma_wait3A_49 = arith.constant 0 : i32
      %dma_wait3A_50 = tpu.memref_slice %arg2[%dma_wait3A_48, %dma_wait3A_49] : memref<10000x32xf32, #tpu.memory_space<hbm>> -> memref<10000x32xf32, #tpu.memory_space<hbm>>
      tpu.wait_indirect_dma semaphore(%arg15 : memref<!tpu.dma_semaphore, #tpu.memory_space<semaphore_mem>>) src(%dma_wait3A_50 : memref<10000x32xf32, #tpu.memory_space<hbm>>) dst(%arg12 : memref<400x32xf32, #tpu.memory_space<vmem>>)
      "tpu.region"() ({
        %run_scoped3A = tpu.sem_alloc : memref<!tpu.dma_semaphore, #tpu.memory_space<semaphore_mem>>
        %dma_start3A_63 = arith.constant 0 : i32
        %dma_start3A_64 = tpu.memref_slice %arg8[%multiple_of3A, %dma_start3A_63] : memref<320000x32xf32, #tpu.memory_space<hbm>> -> memref<400x32xf32, #tpu.memory_space<hbm>>
        %dma_start3A_65 = arith.constant 0 : i32
        %dma_start3A_66 = tpu.memref_slice %arg8[%multiple_of3A, %dma_start3A_65] : memref<320000x32xf32, #tpu.memory_space<hbm>> -> memref<400x32xf32, #tpu.memory_space<hbm>>
        tpu.enqueue_dma source(%arg12 : memref<400x32xf32, #tpu.memory_space<vmem>>) target(%dma_start3A_66 : memref<400x32xf32, #tpu.memory_space<hbm>>) target_semaphore(%run_scoped3A : memref<!tpu.dma_semaphore, #tpu.memory_space<semaphore_mem>>)
        %dma_wait3A_67 = arith.constant 0 : i32
        %dma_wait3A_68 = tpu.memref_slice %arg8[%multiple_of3A, %dma_wait3A_67] : memref<320000x32xf32, #tpu.memory_space<hbm>> -> memref<400x32xf32, #tpu.memory_space<hbm>>
        %dma_wait3A_69 = arith.constant 0 : i32
        %dma_wait3A_70 = tpu.memref_slice %arg8[%multiple_of3A, %dma_wait3A_69] : memref<320000x32xf32, #tpu.memory_space<hbm>> -> memref<400x32xf32, #tpu.memory_space<hbm>>
        tpu.wait_dma2 semaphore(%run_scoped3A : memref<!tpu.dma_semaphore, #tpu.memory_space<semaphore_mem>>) src(%arg12 : memref<400x32xf32, #tpu.memory_space<vmem>>) dst(%dma_wait3A_70 : memref<400x32xf32, #tpu.memory_space<hbm>>)
        tpu.yield
      }) : () -> ()
      %dma_start3A_51 = arith.constant 0 : i32
      %dma_start3A_52 = tpu.memref_slice %arg10[%scan3A_23, %dma_start3A_51] : memref<25x400xi32, #tpu.memory_space<vmem>> -> memref<1x400xi32, #tpu.memory_space<vmem>>
      %dma_start3A_53 = tpu.memref_squeeze %dma_start3A_52 : memref<1x400xi32, #tpu.memory_space<vmem>> -> memref<400xi32, #tpu.memory_space<vmem>>
      %dma_start3A_54 = arith.constant 0 : i32
      %dma_start3A_55 = arith.constant 0 : i32
      %dma_start3A_56 = tpu.memref_slice %arg3[%dma_start3A_54, %dma_start3A_55] : memref<10000x32xf32, #tpu.memory_space<hbm>> -> memref<10000x32xf32, #tpu.memory_space<hbm>>
      tpu.enqueue_indirect_dma source(%dma_start3A_56 : memref<10000x32xf32, #tpu.memory_space<hbm>>) target(%arg13 : memref<400x32xf32, #tpu.memory_space<vmem>>) offsets(%dma_start3A_53 : memref<400xi32, #tpu.memory_space<vmem>>) semaphore(%arg15 : memref<!tpu.dma_semaphore, #tpu.memory_space<semaphore_mem>>)
      %dma_wait3A_57 = arith.constant 0 : i32
      %dma_wait3A_58 = tpu.memref_slice %arg10[%scan3A_23, %dma_wait3A_57] : memref<25x400xi32, #tpu.memory_space<vmem>> -> memref<1x400xi32, #tpu.memory_space<vmem>>
      %dma_wait3A_59 = tpu.memref_squeeze %dma_wait3A_58 : memref<1x400xi32, #tpu.memory_space<vmem>> -> memref<400xi32, #tpu.memory_space<vmem>>
      %dma_wait3A_60 = arith.constant 0 : i32
      %dma_wait3A_61 = arith.constant 0 : i32
      %dma_wait3A_62 = tpu.memref_slice %arg3[%dma_wait3A_60, %dma_wait3A_61] : memref<10000x32xf32, #tpu.memory_space<hbm>> -> memref<10000x32xf32, #tpu.memory_space<hbm>>
      tpu.wait_indirect_dma semaphore(%arg15 : memref<!tpu.dma_semaphore, #tpu.memory_space<semaphore_mem>>) src(%dma_wait3A_62 : memref<10000x32xf32, #tpu.memory_space<hbm>>) dst(%arg13 : memref<400x32xf32, #tpu.memory_space<vmem>>)
      "tpu.region"() ({
        %run_scoped3A = tpu.sem_alloc : memref<!tpu.dma_semaphore, #tpu.memory_space<semaphore_mem>>
        %dma_start3A_63 = arith.constant 0 : i32
        %dma_start3A_64 = tpu.memref_slice %arg11[%scan3A_23, %dma_start3A_63] : memref<25x400xi32, #tpu.memory_space<vmem>> -> memref<1x400xi32, #tpu.memory_space<vmem>>
        %dma_start3A_65 = tpu.memref_squeeze %dma_start3A_64 : memref<1x400xi32, #tpu.memory_space<vmem>> -> memref<400xi32, #tpu.memory_space<vmem>>
        %dma_start3A_66 = arith.constant 0 : i32
        %dma_start3A_67 = arith.constant 0 : i32
        %dma_start3A_68 = tpu.memref_slice %arg14[%dma_start3A_66, %dma_start3A_67] : memref<10000x32xf32, #tpu.memory_space<vmem_shared>> -> memref<10000x32xf32, #tpu.memory_space<vmem_shared>>
        tpu.enqueue_indirect_dma source(%arg13 : memref<400x32xf32, #tpu.memory_space<vmem>>) target(%dma_start3A_68 : memref<10000x32xf32, #tpu.memory_space<vmem_shared>>) offsets(%dma_start3A_65 : memref<400xi32, #tpu.memory_space<vmem>>) semaphore(%run_scoped3A : memref<!tpu.dma_semaphore, #tpu.memory_space<semaphore_mem>>) {add = true}
        %dma_wait3A_69 = arith.constant 0 : i32
        %dma_wait3A_70 = tpu.memref_slice %arg11[%scan3A_23, %dma_wait3A_69] : memref<25x400xi32, #tpu.memory_space<vmem>> -> memref<1x400xi32, #tpu.memory_space<vmem>>
        %dma_wait3A_71 = tpu.memref_squeeze %dma_wait3A_70 : memref<1x400xi32, #tpu.memory_space<vmem>> -> memref<400xi32, #tpu.memory_space<vmem>>
        %dma_wait3A_72 = arith.constant 0 : i32
        %dma_wait3A_73 = arith.constant 0 : i32
        %dma_wait3A_74 = tpu.memref_slice %arg14[%dma_wait3A_72, %dma_wait3A_73] : memref<10000x32xf32, #tpu.memory_space<vmem_shared>> -> memref<10000x32xf32, #tpu.memory_space<vmem_shared>>
        tpu.wait_indirect_dma semaphore(%run_scoped3A : memref<!tpu.dma_semaphore, #tpu.memory_space<semaphore_mem>>) src(%arg13 : memref<400x32xf32, #tpu.memory_space<vmem>>) dst(%dma_wait3A_74 : memref<10000x32xf32, #tpu.memory_space<vmem_shared>>)
        tpu.yield
      }) : () -> ()
    }
    %scan3A_11 = arith.constant 25 : i32
    %barrier3A_12 = arith.constant 0 : index
    tpu.barrier barrier_id(%barrier3A_12)
    %lt3A_13 = arith.constant 15 : i32
    %lt3A_14 = arith.cmpi slt, %arg1, %lt3A_13 : i32
    %convert_element_type3A_15 = arith.extui %lt3A_14 : i1 to i32
    %cond3A_16 = arith.constant 0 : i32
    %cond3A_17 = arith.cmpi ne, %convert_element_type3A_15, %cond3A_16 : i32
    scf.if %cond3A_17 {
      %mul3A_23 = arith.constant 632 : i32
      %mul3A_24 = arith.muli %arg1, %mul3A_23 : i32
      %multiple_of3A = tpu.assume_multiple %mul3A_24, 8 : i32
      "tpu.region"() ({
        %run_scoped3A = tpu.sem_alloc : memref<!tpu.dma_semaphore, #tpu.memory_space<semaphore_mem>>
        %dma_start3A = arith.constant 0 : i32
        %dma_start3A_25 = tpu.memref_slice %arg9[%arg0, %multiple_of3A, %dma_start3A] : memref<2x10000x32xf32, #tpu.memory_space<hbm>> -> memref<1x632x32xf32, #tpu.memory_space<hbm>>
        %dma_start3A_26 = tpu.memref_squeeze %dma_start3A_25 : memref<1x632x32xf32, #tpu.memory_space<hbm>> -> memref<632x32xf32, #tpu.memory_space<hbm>>
        %dma_start3A_27 = arith.constant 0 : i32
        %dma_start3A_28 = tpu.memref_slice %arg14[%multiple_of3A, %dma_start3A_27] : memref<10000x32xf32, #tpu.memory_space<vmem_shared>> -> memref<632x32xf32, #tpu.memory_space<vmem_shared>>
        tpu.enqueue_dma source(%dma_start3A_28 : memref<632x32xf32, #tpu.memory_space<vmem_shared>>) target(%dma_start3A_26 : memref<632x32xf32, #tpu.memory_space<hbm>>) target_semaphore(%run_scoped3A : memref<!tpu.dma_semaphore, #tpu.memory_space<semaphore_mem>>)
        %dma_wait3A = arith.constant 0 : i32
        %dma_wait3A_29 = tpu.memref_slice %arg9[%arg0, %multiple_of3A, %dma_wait3A] : memref<2x10000x32xf32, #tpu.memory_space<hbm>> -> memref<1x632x32xf32, #tpu.memory_space<hbm>>
        %dma_wait3A_30 = tpu.memref_squeeze %dma_wait3A_29 : memref<1x632x32xf32, #tpu.memory_space<hbm>> -> memref<632x32xf32, #tpu.memory_space<hbm>>
        %dma_wait3A_31 = arith.constant 0 : i32
        %dma_wait3A_32 = tpu.memref_slice %arg14[%multiple_of3A, %dma_wait3A_31] : memref<10000x32xf32, #tpu.memory_space<vmem_shared>> -> memref<632x32xf32, #tpu.memory_space<vmem_shared>>
        tpu.wait_dma2 semaphore(%run_scoped3A : memref<!tpu.dma_semaphore, #tpu.memory_space<semaphore_mem>>) src(%dma_wait3A_32 : memref<632x32xf32, #tpu.memory_space<vmem_shared>>) dst(%dma_wait3A_30 : memref<632x32xf32, #tpu.memory_space<hbm>>)
        tpu.yield
      }) : () -> ()
    } else {
    }
    %eq3A_18 = arith.constant 15 : i32
    %eq3A_19 = arith.cmpi eq, %arg1, %eq3A_18 : i32
    %convert_element_type3A_20 = arith.extui %eq3A_19 : i1 to i32
    %cond3A_21 = arith.constant 0 : i32
    %cond3A_22 = arith.cmpi ne, %convert_element_type3A_20, %cond3A_21 : i32
    scf.if %cond3A_22 {
      "tpu.region"() ({
        %run_scoped3A = tpu.sem_alloc : memref<!tpu.dma_semaphore, #tpu.memory_space<semaphore_mem>>
        %dma_start3A = arith.constant 9480 : i32
        %dma_start3A_23 = arith.constant 0 : i32
        %dma_start3A_24 = tpu.memref_slice %arg9[%arg0, %dma_start3A, %dma_start3A_23] : memref<2x10000x32xf32, #tpu.memory_space<hbm>> -> memref<1x520x32xf32, #tpu.memory_space<hbm>>
        %dma_start3A_25 = tpu.memref_squeeze %dma_start3A_24 : memref<1x520x32xf32, #tpu.memory_space<hbm>> -> memref<520x32xf32, #tpu.memory_space<hbm>>
        %dma_start3A_26 = arith.constant 9480 : i32
        %dma_start3A_27 = arith.constant 0 : i32
        %dma_start3A_28 = tpu.memref_slice %arg14[%dma_start3A_26, %dma_start3A_27] : memref<10000x32xf32, #tpu.memory_space<vmem_shared>> -> memref<520x32xf32, #tpu.memory_space<vmem_shared>>
        tpu.enqueue_dma source(%dma_start3A_28 : memref<520x32xf32, #tpu.memory_space<vmem_shared>>) target(%dma_start3A_25 : memref<520x32xf32, #tpu.memory_space<hbm>>) target_semaphore(%run_scoped3A : memref<!tpu.dma_semaphore, #tpu.memory_space<semaphore_mem>>)
        %dma_wait3A = arith.constant 9480 : i32
        %dma_wait3A_29 = arith.constant 0 : i32
        %dma_wait3A_30 = tpu.memref_slice %arg9[%arg0, %dma_wait3A, %dma_wait3A_29] : memref<2x10000x32xf32, #tpu.memory_space<hbm>> -> memref<1x520x32xf32, #tpu.memory_space<hbm>>
        %dma_wait3A_31 = tpu.memref_squeeze %dma_wait3A_30 : memref<1x520x32xf32, #tpu.memory_space<hbm>> -> memref<520x32xf32, #tpu.memory_space<hbm>>
        %dma_wait3A_32 = arith.constant 9480 : i32
        %dma_wait3A_33 = arith.constant 0 : i32
        %dma_wait3A_34 = tpu.memref_slice %arg14[%dma_wait3A_32, %dma_wait3A_33] : memref<10000x32xf32, #tpu.memory_space<vmem_shared>> -> memref<520x32xf32, #tpu.memory_space<vmem_shared>>
        tpu.wait_dma2 semaphore(%run_scoped3A : memref<!tpu.dma_semaphore, #tpu.memory_space<semaphore_mem>>) src(%dma_wait3A_34 : memref<520x32xf32, #tpu.memory_space<vmem_shared>>) dst(%dma_wait3A_31 : memref<520x32xf32, #tpu.memory_space<hbm>>)
        tpu.yield
      }) : () -> ()
    } else {
    }
    return
  }
}

module attributes {stable_mosaic.version = 14 : i64} {
  func.func @body(%arg0: i32, %arg1: memref<1000x128xf32, #tpu.memory_space<vmem>>, %arg2: memref<128x64xf32, #tpu.memory_space<vmem>>, %arg3: memref<1000x64xf32, #tpu.memory_space<vmem>>) attributes {dimension_semantics = [#tpu.dimension_semantics<arbitrary>], iteration_bounds = array<i64: 10>, scalar_prefetch = 0 : i64, scratch_operands = 0 : i64, tpu.core_type = #tpu.core_type<tc>, window_params = [{transform_indices = @transform_0, window_bounds = array<i64: 1000, 128>}, {pipeline_mode = #tpu.pipeline_mode<synchronous>, transform_indices = @transform_1, window_bounds = array<i64: 128, 64>}, {transform_indices = @transform_2, window_bounds = array<i64: 1000, 64>}]} {
    %get3A = arith.constant 0 : index
    %get3A_0 = arith.constant 0 : index
    %get3A_1 = vector.load %arg1[%get3A, %get3A_0] : memref<1000x128xf32, #tpu.memory_space<vmem>>, vector<1000x128xf32>
    %get3A_2 = arith.constant 0 : index
    %get3A_3 = arith.constant 0 : index
    %get3A_4 = vector.load %arg2[%get3A_2, %get3A_3] : memref<128x64xf32, #tpu.memory_space<vmem>>, vector<128x64xf32>
    %dot_general3A = arith.constant dense<0.000000e+00> : vector<1000x64xf32>
    %dot_general3A_5 = tpu.matmul %get3A_1, %get3A_4, %dot_general3A {dimension_numbers = #tpu.dot_dimension_numbers<[1], [0], [0], [1], [0, 0, 1, 1], [], []>, transpose_lhs_hint = false} : vector<1000x128xf32>, vector<128x64xf32>, vector<1000x64xf32> -> vector<1000x64xf32>
    %swap3A = arith.constant 0 : index
    %swap3A_6 = arith.constant 0 : index
    %swap3A_7 = vector.load %arg3[%swap3A, %swap3A_6] : memref<1000x64xf32, #tpu.memory_space<vmem>>, vector<1000x64xf32>
    tpu.vector_store %arg3[%swap3A, %swap3A_6], %dot_general3A_5 {strides = array<i32>} : memref<1000x64xf32, #tpu.memory_space<vmem>>, vector<1000x64xf32>,
    return
  }
  func.func @transform_0(%arg0: i32) -> (i32, i32) {
    %c0_i32 = arith.constant 0 : i32
    %c0_i32_0 = arith.constant 0 : i32
    return %arg0, %c0_i32 : i32, i32
  }
  func.func @transform_1(%arg0: i32) -> (i32, i32) {
    %c0_i32 = arith.constant 0 : i32
    %c0_i32_0 = arith.constant 0 : i32
    %c0_i32_1 = arith.constant 0 : i32
    return %c0_i32, %c0_i32_0 : i32, i32
  }
  func.func @transform_2(%arg0: i32) -> (i32, i32) {
    %c0_i32 = arith.constant 0 : i32
    %c0_i32_0 = arith.constant 0 : i32
    return %arg0, %c0_i32 : i32, i32
  }
}

module attributes {stable_mosaic.version = 14 : i64} {
  func.func @body(%arg0: i32, %arg1: memref<1000x64xf32, #tpu.memory_space<vmem>>, %arg2: memref<1000x64xf32, #tpu.memory_space<vmem>>, %arg3: memref<1000x64xf32, #tpu.memory_space<vmem>>, %arg4: memref<1000x64xf32, #tpu.memory_space<vmem>>, %arg5: memref<1000x16xf32, #tpu.memory_space<vmem>>, %arg6: memref<1x64xf32, #tpu.memory_space<vmem>>, %arg7: memref<1x64xf32, #tpu.memory_space<vmem>>, %arg8: memref<64x64xf32, #tpu.memory_space<vmem>>, %arg9: memref<64x64xf32, #tpu.memory_space<vmem>>, %arg10: memref<64x64xf32, #tpu.memory_space<vmem>>, %arg11: memref<64x64xf32, #tpu.memory_space<vmem>>, %arg12: memref<1000x64xf32, #tpu.memory_space<vmem>>, %arg13: memref<1000x64xf32, #tpu.memory_space<vmem>>, %arg14: memref<1000x1xf32, #tpu.memory_space<vmem>>) attributes {dimension_semantics = [#tpu.dimension_semantics<arbitrary>], iteration_bounds = array<i64: 10>, scalar_prefetch = 0 : i64, scratch_operands = 0 : i64, tpu.core_type = #tpu.core_type<tc>, window_params = [{transform_indices = @transform_0, window_bounds = array<i64: 1000, 64>}, {transform_indices = @transform_1, window_bounds = array<i64: 1000, 64>}, {transform_indices = @transform_2, window_bounds = array<i64: 1000, 64>}, {transform_indices = @transform_3, window_bounds = array<i64: 1000, 64>}, {transform_indices = @transform_4, window_bounds = array<i64: 1000, 16>}, {pipeline_mode = #tpu.pipeline_mode<synchronous>, transform_indices = @transform_5, window_bounds = array<i64: 1, 64>}, {pipeline_mode = #tpu.pipeline_mode<synchronous>, transform_indices = @transform_6, window_bounds = array<i64: 1, 64>}, {pipeline_mode = #tpu.pipeline_mode<synchronous>, transform_indices = @transform_7, window_bounds = array<i64: 64, 64>}, {pipeline_mode = #tpu.pipeline_mode<synchronous>, transform_indices = @transform_8, window_bounds = array<i64: 64, 64>}, {pipeline_mode = #tpu.pipeline_mode<synchronous>, transform_indices = @transform_9, window_bounds = array<i64: 64, 64>}, {pipeline_mode = #tpu.pipeline_mode<synchronous>, transform_indices = @transform_10, window_bounds = array<i64: 64, 64>}, {transform_indices = @transform_11, window_bounds = array<i64: 1000, 64>}, {transform_indices = @transform_12, window_bounds = array<i64: 1000, 64>}, {transform_indices = @transform_13, window_bounds = array<i64: 1000, 1>}]} {
    %get3A = arith.constant 0 : index
    %get3A_0 = arith.constant 0 : index
    %get3A_1 = vector.load %arg5[%get3A, %get3A_0] : memref<1000x16xf32, #tpu.memory_space<vmem>>, vector<1000x1xf32>
    %max3A = arith.constant 1.000000e+00 : f32
    %max3A_2 = vector.broadcast %max3A : f32 to vector<1000x1xf32>
    %max3A_3 = arith.maximumf %get3A_1, %max3A_2 : vector<1000x1xf32>
    %div3A = arith.constant 1.000000e+00 : f32
    %div3A_4 = vector.broadcast %div3A : f32 to vector<1000x1xf32>
    %div3A_5 = arith.divf %div3A_4, %max3A_3 : vector<1000x1xf32>
    %get3A_6 = arith.constant 0 : index
    %get3A_7 = arith.constant 0 : index
    %get3A_8 = vector.load %arg1[%get3A_6, %get3A_7] : memref<1000x64xf32, #tpu.memory_space<vmem>>, vector<1000x64xf32>
    %get3A_9 = arith.constant 0 : index
    %get3A_10 = arith.constant 0 : index
    %get3A_11 = vector.load %arg3[%get3A_9, %get3A_10] : memref<1000x64xf32, #tpu.memory_space<vmem>>, vector<1000x64xf32>
    %mul3A = vector.broadcast %div3A_5 : vector<1000x1xf32> to vector<1000x64xf32>
    %mul3A_12 = arith.mulf %get3A_11, %mul3A : vector<1000x64xf32>
    %add3A = arith.addf %get3A_8, %mul3A_12 : vector<1000x64xf32>
    %get3A_13 = arith.constant 0 : index
    %get3A_14 = arith.constant 0 : index
    %get3A_15 = vector.load %arg6[%get3A_13, %get3A_14] : memref<1x64xf32, #tpu.memory_space<vmem>>, vector<1x64xf32>
    %add3A_16 = vector.broadcast %get3A_15 : vector<1x64xf32> to vector<1000x64xf32>
    %add3A_17 = arith.addf %add3A, %add3A_16 : vector<1000x64xf32>
    %max3A_18 = arith.constant 0.000000e+00 : f32
    %max3A_19 = vector.broadcast %max3A_18 : f32 to vector<1000x64xf32>
    %max3A_20 = arith.maximumf %add3A_17, %max3A_19 : vector<1000x64xf32>
    %get3A_21 = arith.constant 0 : index
    %get3A_22 = arith.constant 0 : index
    %get3A_23 = vector.load %arg2[%get3A_21, %get3A_22] : memref<1000x64xf32, #tpu.memory_space<vmem>>, vector<1000x64xf32>
    %get3A_24 = arith.constant 0 : index
    %get3A_25 = arith.constant 0 : index
    %get3A_26 = vector.load %arg4[%get3A_24, %get3A_25] : memref<1000x64xf32, #tpu.memory_space<vmem>>, vector<1000x64xf32>
    %mul3A_27 = vector.broadcast %div3A_5 : vector<1000x1xf32> to vector<1000x64xf32>
    %mul3A_28 = arith.mulf %get3A_26, %mul3A_27 : vector<1000x64xf32>
    %add3A_29 = arith.addf %get3A_23, %mul3A_28 : vector<1000x64xf32>
    %get3A_30 = arith.constant 0 : index
    %get3A_31 = arith.constant 0 : index
    %get3A_32 = vector.load %arg7[%get3A_30, %get3A_31] : memref<1x64xf32, #tpu.memory_space<vmem>>, vector<1x64xf32>
    %add3A_33 = vector.broadcast %get3A_32 : vector<1x64xf32> to vector<1000x64xf32>
    %add3A_34 = arith.addf %add3A_29, %add3A_33 : vector<1000x64xf32>
    %max3A_35 = arith.constant 0.000000e+00 : f32
    %max3A_36 = vector.broadcast %max3A_35 : f32 to vector<1000x64xf32>
    %max3A_37 = arith.maximumf %add3A_34, %max3A_36 : vector<1000x64xf32>
    %get3A_38 = arith.constant 0 : index
    %get3A_39 = arith.constant 0 : index
    %get3A_40 = vector.load %arg8[%get3A_38, %get3A_39] : memref<64x64xf32, #tpu.memory_space<vmem>>, vector<64x64xf32>
    %dot_general3A = arith.constant dense<0.000000e+00> : vector<1000x64xf32>
    %dot_general3A_41 = tpu.matmul %max3A_20, %get3A_40, %dot_general3A {dimension_numbers = #tpu.dot_dimension_numbers<[1], [0], [0], [1], [0, 0, 1, 1], [], []>, transpose_lhs_hint = false} : vector<1000x64xf32>, vector<64x64xf32>, vector<1000x64xf32> -> vector<1000x64xf32>
    %get3A_42 = arith.constant 0 : index
    %get3A_43 = arith.constant 0 : index
    %get3A_44 = vector.load %arg9[%get3A_42, %get3A_43] : memref<64x64xf32, #tpu.memory_space<vmem>>, vector<64x64xf32>
    %dot_general3A_45 = arith.constant dense<0.000000e+00> : vector<1000x64xf32>
    %dot_general3A_46 = tpu.matmul %max3A_37, %get3A_44, %dot_general3A_45 {dimension_numbers = #tpu.dot_dimension_numbers<[1], [0], [0], [1], [0, 0, 1, 1], [], []>, transpose_lhs_hint = false} : vector<1000x64xf32>, vector<64x64xf32>, vector<1000x64xf32> -> vector<1000x64xf32>
    %add3A_47 = arith.addf %dot_general3A_41, %dot_general3A_46 : vector<1000x64xf32>
    %swap3A = arith.constant 0 : index
    %swap3A_48 = arith.constant 0 : index
    %swap3A_49 = vector.load %arg12[%swap3A, %swap3A_48] : memref<1000x64xf32, #tpu.memory_space<vmem>>, vector<1000x64xf32>
    tpu.vector_store %arg12[%swap3A, %swap3A_48], %add3A_47 {strides = array<i32>} : memref<1000x64xf32, #tpu.memory_space<vmem>>, vector<1000x64xf32>,
    %get3A_50 = arith.constant 0 : index
    %get3A_51 = arith.constant 0 : index
    %get3A_52 = vector.load %arg10[%get3A_50, %get3A_51] : memref<64x64xf32, #tpu.memory_space<vmem>>, vector<64x64xf32>
    %dot_general3A_53 = arith.constant dense<0.000000e+00> : vector<1000x64xf32>
    %dot_general3A_54 = tpu.matmul %max3A_20, %get3A_52, %dot_general3A_53 {dimension_numbers = #tpu.dot_dimension_numbers<[1], [0], [0], [1], [0, 0, 1, 1], [], []>, transpose_lhs_hint = false} : vector<1000x64xf32>, vector<64x64xf32>, vector<1000x64xf32> -> vector<1000x64xf32>
    %get3A_55 = arith.constant 0 : index
    %get3A_56 = arith.constant 0 : index
    %get3A_57 = vector.load %arg11[%get3A_55, %get3A_56] : memref<64x64xf32, #tpu.memory_space<vmem>>, vector<64x64xf32>
    %dot_general3A_58 = arith.constant dense<0.000000e+00> : vector<1000x64xf32>
    %dot_general3A_59 = tpu.matmul %max3A_37, %get3A_57, %dot_general3A_58 {dimension_numbers = #tpu.dot_dimension_numbers<[1], [0], [0], [1], [0, 0, 1, 1], [], []>, transpose_lhs_hint = false} : vector<1000x64xf32>, vector<64x64xf32>, vector<1000x64xf32> -> vector<1000x64xf32>
    %add3A_60 = arith.addf %dot_general3A_54, %dot_general3A_59 : vector<1000x64xf32>
    %swap3A_61 = arith.constant 0 : index
    %swap3A_62 = arith.constant 0 : index
    %swap3A_63 = vector.load %arg13[%swap3A_61, %swap3A_62] : memref<1000x64xf32, #tpu.memory_space<vmem>>, vector<1000x64xf32>
    tpu.vector_store %arg13[%swap3A_61, %swap3A_62], %add3A_60 {strides = array<i32>} : memref<1000x64xf32, #tpu.memory_space<vmem>>, vector<1000x64xf32>,
    %swap3A_64 = arith.constant 0 : index
    %swap3A_65 = arith.constant 0 : index
    %swap3A_66 = vector.load %arg14[%swap3A_64, %swap3A_65] : memref<1000x1xf32, #tpu.memory_space<vmem>>, vector<1000x1xf32>
    tpu.vector_store %arg14[%swap3A_64, %swap3A_65], %div3A_5 {strides = array<i32>} : memref<1000x1xf32, #tpu.memory_space<vmem>>, vector<1000x1xf32>,
    return
  }
  func.func @transform_0(%arg0: i32) -> (i32, i32) {
    %c0_i32 = arith.constant 0 : i32
    %c0_i32_0 = arith.constant 0 : i32
    return %arg0, %c0_i32 : i32, i32
  }
  func.func @transform_1(%arg0: i32) -> (i32, i32) {
    %c0_i32 = arith.constant 0 : i32
    %c0_i32_0 = arith.constant 0 : i32
    return %arg0, %c0_i32 : i32, i32
  }
  func.func @transform_2(%arg0: i32) -> (i32, i32) {
    %c0_i32 = arith.constant 0 : i32
    %c0_i32_0 = arith.constant 0 : i32
    return %arg0, %c0_i32 : i32, i32
  }
  func.func @transform_3(%arg0: i32) -> (i32, i32) {
    %c0_i32 = arith.constant 0 : i32
    %c0_i32_0 = arith.constant 0 : i32
    return %arg0, %c0_i32 : i32, i32
  }
  func.func @transform_4(%arg0: i32) -> (i32, i32) {
    %c0_i32 = arith.constant 0 : i32
    %c0_i32_0 = arith.constant 0 : i32
    return %arg0, %c0_i32 : i32, i32
  }
  func.func @transform_5(%arg0: i32) -> (i32, i32) {
    %c0_i32 = arith.constant 0 : i32
    %c0_i32_0 = arith.constant 0 : i32
    %c0_i32_1 = arith.constant 0 : i32
    return %c0_i32, %c0_i32_0 : i32, i32
  }
  func.func @transform_6(%arg0: i32) -> (i32, i32) {
    %c0_i32 = arith.constant 0 : i32
    %c0_i32_0 = arith.constant 0 : i32
    %c0_i32_1 = arith.constant 0 : i32
    return %c0_i32, %c0_i32_0 : i32, i32
  }
  func.func @transform_7(%arg0: i32) -> (i32, i32) {
    %c0_i32 = arith.constant 0 : i32
    %c0_i32_0 = arith.constant 0 : i32
    %c0_i32_1 = arith.constant 0 : i32
    return %c0_i32, %c0_i32_0 : i32, i32
  }
  func.func @transform_8(%arg0: i32) -> (i32, i32) {
    %c0_i32 = arith.constant 0 : i32
    %c0_i32_0 = arith.constant 0 : i32
    %c0_i32_1 = arith.constant 0 : i32
    return %c0_i32, %c0_i32_0 : i32, i32
  }
  func.func @transform_9(%arg0: i32) -> (i32, i32) {
    %c0_i32 = arith.constant 0 : i32
    %c0_i32_0 = arith.constant 0 : i32
    %c0_i32_1 = arith.constant 0 : i32
    return %c0_i32, %c0_i32_0 : i32, i32
  }
  func.func @transform_10(%arg0: i32) -> (i32, i32) {
    %c0_i32 = arith.constant 0 : i32
    %c0_i32_0 = arith.constant 0 : i32
    %c0_i32_1 = arith.constant 0 : i32
    return %c0_i32, %c0_i32_0 : i32, i32
  }
  func.func @transform_11(%arg0: i32) -> (i32, i32) {
    %c0_i32 = arith.constant 0 : i32
    %c0_i32_0 = arith.constant 0 : i32
    return %arg0, %c0_i32 : i32, i32
  }
  func.func @transform_12(%arg0: i32) -> (i32, i32) {
    %c0_i32 = arith.constant 0 : i32
    %c0_i32_0 = arith.constant 0 : i32
    return %arg0, %c0_i32 : i32, i32
  }
  func.func @transform_13(%arg0: i32) -> (i32, i32) {
    %c0_i32 = arith.constant 0 : i32
    %c0_i32_0 = arith.constant 0 : i32
    return %arg0, %c0_i32 : i32, i32
  }
}

module attributes {stable_mosaic.version = 14 : i64} {
  func.func @body(%arg0: i32, %arg1: memref<1000x64xf32, #tpu.memory_space<vmem>>, %arg2: memref<1000x64xf32, #tpu.memory_space<vmem>>, %arg3: memref<1000x64xf32, #tpu.memory_space<vmem>>, %arg4: memref<1000x1xf32, #tpu.memory_space<vmem>>, %arg5: memref<1x64xf32, #tpu.memory_space<vmem>>, %arg6: memref<64x32xf32, #tpu.memory_space<vmem>>, %arg7: memref<64x32xf32, #tpu.memory_space<vmem>>, %arg8: memref<1000x32xf32, #tpu.memory_space<vmem>>, %arg9: memref<1000x32xf32, #tpu.memory_space<vmem>>) attributes {dimension_semantics = [#tpu.dimension_semantics<arbitrary>], iteration_bounds = array<i64: 10>, scalar_prefetch = 0 : i64, scratch_operands = 0 : i64, tpu.core_type = #tpu.core_type<tc>, window_params = [{transform_indices = @transform_0, window_bounds = array<i64: 1000, 64>}, {transform_indices = @transform_1, window_bounds = array<i64: 1000, 64>}, {transform_indices = @transform_2, window_bounds = array<i64: 1000, 64>}, {transform_indices = @transform_3, window_bounds = array<i64: 1000, 1>}, {pipeline_mode = #tpu.pipeline_mode<synchronous>, transform_indices = @transform_4, window_bounds = array<i64: 1, 64>}, {pipeline_mode = #tpu.pipeline_mode<synchronous>, transform_indices = @transform_5, window_bounds = array<i64: 64, 32>}, {pipeline_mode = #tpu.pipeline_mode<synchronous>, transform_indices = @transform_6, window_bounds = array<i64: 64, 32>}, {transform_indices = @transform_7, window_bounds = array<i64: 1000, 32>}, {transform_indices = @transform_8, window_bounds = array<i64: 1000, 32>}]} {
    %get3A = arith.constant 0 : index
    %get3A_0 = arith.constant 0 : index
    %get3A_1 = vector.load %arg1[%get3A, %get3A_0] : memref<1000x64xf32, #tpu.memory_space<vmem>>, vector<1000x64xf32>
    %get3A_2 = arith.constant 0 : index
    %get3A_3 = arith.constant 0 : index
    %get3A_4 = vector.load %arg2[%get3A_2, %get3A_3] : memref<1000x64xf32, #tpu.memory_space<vmem>>, vector<1000x64xf32>
    %get3A_5 = arith.constant 0 : index
    %get3A_6 = arith.constant 0 : index
    %get3A_7 = vector.load %arg3[%get3A_5, %get3A_6] : memref<1000x64xf32, #tpu.memory_space<vmem>>, vector<1000x64xf32>
    %add3A = arith.addf %get3A_4, %get3A_7 : vector<1000x64xf32>
    %get3A_8 = arith.constant 0 : index
    %get3A_9 = arith.constant 0 : index
    %get3A_10 = vector.load %arg4[%get3A_8, %get3A_9] : memref<1000x1xf32, #tpu.memory_space<vmem>>, vector<1000x1xf32>
    %mul3A = vector.broadcast %get3A_10 : vector<1000x1xf32> to vector<1000x64xf32>
    %mul3A_11 = arith.mulf %add3A, %mul3A : vector<1000x64xf32>
    %add3A_12 = arith.addf %get3A_1, %mul3A_11 : vector<1000x64xf32>
    %get3A_13 = arith.constant 0 : index
    %get3A_14 = arith.constant 0 : index
    %get3A_15 = vector.load %arg5[%get3A_13, %get3A_14] : memref<1x64xf32, #tpu.memory_space<vmem>>, vector<1x64xf32>
    %add3A_16 = vector.broadcast %get3A_15 : vector<1x64xf32> to vector<1000x64xf32>
    %add3A_17 = arith.addf %add3A_12, %add3A_16 : vector<1000x64xf32>
    %max3A = arith.constant 0.000000e+00 : f32
    %max3A_18 = vector.broadcast %max3A : f32 to vector<1000x64xf32>
    %max3A_19 = arith.maximumf %add3A_17, %max3A_18 : vector<1000x64xf32>
    %get3A_20 = arith.constant 0 : index
    %get3A_21 = arith.constant 0 : index
    %get3A_22 = vector.load %arg6[%get3A_20, %get3A_21] : memref<64x32xf32, #tpu.memory_space<vmem>>, vector<64x32xf32>
    %dot_general3A = arith.constant dense<0.000000e+00> : vector<1000x32xf32>
    %dot_general3A_23 = tpu.matmul %max3A_19, %get3A_22, %dot_general3A {dimension_numbers = #tpu.dot_dimension_numbers<[1], [0], [0], [1], [0, 0, 1, 1], [], []>, transpose_lhs_hint = false} : vector<1000x64xf32>, vector<64x32xf32>, vector<1000x32xf32> -> vector<1000x32xf32>
    %swap3A = arith.constant 0 : index
    %swap3A_24 = arith.constant 0 : index
    %swap3A_25 = vector.load %arg8[%swap3A, %swap3A_24] : memref<1000x32xf32, #tpu.memory_space<vmem>>, vector<1000x32xf32>
    tpu.vector_store %arg8[%swap3A, %swap3A_24], %dot_general3A_23 {strides = array<i32>} : memref<1000x32xf32, #tpu.memory_space<vmem>>, vector<1000x32xf32>,
    %get3A_26 = arith.constant 0 : index
    %get3A_27 = arith.constant 0 : index
    %get3A_28 = vector.load %arg7[%get3A_26, %get3A_27] : memref<64x32xf32, #tpu.memory_space<vmem>>, vector<64x32xf32>
    %dot_general3A_29 = arith.constant dense<0.000000e+00> : vector<1000x32xf32>
    %dot_general3A_30 = tpu.matmul %max3A_19, %get3A_28, %dot_general3A_29 {dimension_numbers = #tpu.dot_dimension_numbers<[1], [0], [0], [1], [0, 0, 1, 1], [], []>, transpose_lhs_hint = false} : vector<1000x64xf32>, vector<64x32xf32>, vector<1000x32xf32> -> vector<1000x32xf32>
    %swap3A_31 = arith.constant 0 : index
    %swap3A_32 = arith.constant 0 : index
    %swap3A_33 = vector.load %arg9[%swap3A_31, %swap3A_32] : memref<1000x32xf32, #tpu.memory_space<vmem>>, vector<1000x32xf32>
    tpu.vector_store %arg9[%swap3A_31, %swap3A_32], %dot_general3A_30 {strides = array<i32>} : memref<1000x32xf32, #tpu.memory_space<vmem>>, vector<1000x32xf32>,
    return
  }
  func.func @transform_0(%arg0: i32) -> (i32, i32) {
    %c0_i32 = arith.constant 0 : i32
    %c0_i32_0 = arith.constant 0 : i32
    return %arg0, %c0_i32 : i32, i32
  }
  func.func @transform_1(%arg0: i32) -> (i32, i32) {
    %c0_i32 = arith.constant 0 : i32
    %c0_i32_0 = arith.constant 0 : i32
    return %arg0, %c0_i32 : i32, i32
  }
  func.func @transform_2(%arg0: i32) -> (i32, i32) {
    %c0_i32 = arith.constant 0 : i32
    %c0_i32_0 = arith.constant 0 : i32
    return %arg0, %c0_i32 : i32, i32
  }
  func.func @transform_3(%arg0: i32) -> (i32, i32) {
    %c0_i32 = arith.constant 0 : i32
    %c0_i32_0 = arith.constant 0 : i32
    return %arg0, %c0_i32 : i32, i32
  }
  func.func @transform_4(%arg0: i32) -> (i32, i32) {
    %c0_i32 = arith.constant 0 : i32
    %c0_i32_0 = arith.constant 0 : i32
    %c0_i32_1 = arith.constant 0 : i32
    return %c0_i32, %c0_i32_0 : i32, i32
  }
  func.func @transform_5(%arg0: i32) -> (i32, i32) {
    %c0_i32 = arith.constant 0 : i32
    %c0_i32_0 = arith.constant 0 : i32
    %c0_i32_1 = arith.constant 0 : i32
    return %c0_i32, %c0_i32_0 : i32, i32
  }
  func.func @transform_6(%arg0: i32) -> (i32, i32) {
    %c0_i32 = arith.constant 0 : i32
    %c0_i32_0 = arith.constant 0 : i32
    %c0_i32_1 = arith.constant 0 : i32
    return %c0_i32, %c0_i32_0 : i32, i32
  }
  func.func @transform_7(%arg0: i32) -> (i32, i32) {
    %c0_i32 = arith.constant 0 : i32
    %c0_i32_0 = arith.constant 0 : i32
    return %arg0, %c0_i32 : i32, i32
  }
  func.func @transform_8(%arg0: i32) -> (i32, i32) {
    %c0_i32 = arith.constant 0 : i32
    %c0_i32_0 = arith.constant 0 : i32
    return %arg0, %c0_i32 : i32, i32
  }
}

module attributes {stable_mosaic.version = 14 : i64} {
  func.func @body(%arg0: i32, %arg1: memref<8000x64xf32, #tpu.memory_space<vmem>>, %arg2: memref<8000x64xf32, #tpu.memory_space<vmem>>, %arg3: memref<1x64xf32, #tpu.memory_space<vmem>>, %arg4: memref<64x32xf32, #tpu.memory_space<vmem>>, %arg5: memref<8000x32xf32, #tpu.memory_space<vmem>>) attributes {dimension_semantics = [#tpu.dimension_semantics<arbitrary>], iteration_bounds = array<i64: 40>, scalar_prefetch = 0 : i64, scratch_operands = 0 : i64, tpu.core_type = #tpu.core_type<tc>, window_params = [{transform_indices = @transform_0, window_bounds = array<i64: 8000, 64>}, {transform_indices = @transform_1, window_bounds = array<i64: 8000, 64>}, {pipeline_mode = #tpu.pipeline_mode<synchronous>, transform_indices = @transform_2, window_bounds = array<i64: 1, 64>}, {pipeline_mode = #tpu.pipeline_mode<synchronous>, transform_indices = @transform_3, window_bounds = array<i64: 64, 32>}, {transform_indices = @transform_4, window_bounds = array<i64: 8000, 32>}]} {
    %get3A = arith.constant 0 : index
    %get3A_0 = arith.constant 0 : index
    %get3A_1 = vector.load %arg1[%get3A, %get3A_0] : memref<8000x64xf32, #tpu.memory_space<vmem>>, vector<8000x64xf32>
    %get3A_2 = arith.constant 0 : index
    %get3A_3 = arith.constant 0 : index
    %get3A_4 = vector.load %arg2[%get3A_2, %get3A_3] : memref<8000x64xf32, #tpu.memory_space<vmem>>, vector<8000x64xf32>
    %add3A = arith.addf %get3A_1, %get3A_4 : vector<8000x64xf32>
    %get3A_5 = arith.constant 0 : index
    %get3A_6 = arith.constant 0 : index
    %get3A_7 = vector.load %arg3[%get3A_5, %get3A_6] : memref<1x64xf32, #tpu.memory_space<vmem>>, vector<1x64xf32>
    %add3A_8 = vector.broadcast %get3A_7 : vector<1x64xf32> to vector<8000x64xf32>
    %add3A_9 = arith.addf %add3A, %add3A_8 : vector<8000x64xf32>
    %max3A = arith.constant 0.000000e+00 : f32
    %max3A_10 = vector.broadcast %max3A : f32 to vector<8000x64xf32>
    %max3A_11 = arith.maximumf %add3A_9, %max3A_10 : vector<8000x64xf32>
    %get3A_12 = arith.constant 0 : index
    %get3A_13 = arith.constant 0 : index
    %get3A_14 = vector.load %arg4[%get3A_12, %get3A_13] : memref<64x32xf32, #tpu.memory_space<vmem>>, vector<64x32xf32>
    %dot_general3A = arith.constant dense<0.000000e+00> : vector<8000x32xf32>
    %dot_general3A_15 = tpu.matmul %max3A_11, %get3A_14, %dot_general3A {dimension_numbers = #tpu.dot_dimension_numbers<[1], [0], [0], [1], [0, 0, 1, 1], [], []>, transpose_lhs_hint = false} : vector<8000x64xf32>, vector<64x32xf32>, vector<8000x32xf32> -> vector<8000x32xf32>
    %swap3A = arith.constant 0 : index
    %swap3A_16 = arith.constant 0 : index
    %swap3A_17 = vector.load %arg5[%swap3A, %swap3A_16] : memref<8000x32xf32, #tpu.memory_space<vmem>>, vector<8000x32xf32>
    tpu.vector_store %arg5[%swap3A, %swap3A_16], %dot_general3A_15 {strides = array<i32>} : memref<8000x32xf32, #tpu.memory_space<vmem>>, vector<8000x32xf32>,
    return
  }
  func.func @transform_0(%arg0: i32) -> (i32, i32) {
    %c0_i32 = arith.constant 0 : i32
    %c0_i32_0 = arith.constant 0 : i32
    return %arg0, %c0_i32 : i32, i32
  }
  func.func @transform_1(%arg0: i32) -> (i32, i32) {
    %c0_i32 = arith.constant 0 : i32
    %c0_i32_0 = arith.constant 0 : i32
    return %arg0, %c0_i32 : i32, i32
  }
  func.func @transform_2(%arg0: i32) -> (i32, i32) {
    %c0_i32 = arith.constant 0 : i32
    %c0_i32_0 = arith.constant 0 : i32
    %c0_i32_1 = arith.constant 0 : i32
    return %c0_i32, %c0_i32_0 : i32, i32
  }
  func.func @transform_3(%arg0: i32) -> (i32, i32) {
    %c0_i32 = arith.constant 0 : i32
    %c0_i32_0 = arith.constant 0 : i32
    %c0_i32_1 = arith.constant 0 : i32
    return %c0_i32, %c0_i32_0 : i32, i32
  }
  func.func @transform_4(%arg0: i32) -> (i32, i32) {
    %c0_i32 = arith.constant 0 : i32
    %c0_i32_0 = arith.constant 0 : i32
    return %arg0, %c0_i32 : i32, i32
  }
}

module attributes {stable_mosaic.version = 14 : i64} {
  func.func @body(%arg0: i32, %arg1: memref<1000x32xf32, #tpu.memory_space<vmem>>, %arg2: memref<1000x32xf32, #tpu.memory_space<vmem>>, %arg3: memref<1000x32xf32, #tpu.memory_space<vmem>>, %arg4: memref<1000x1xf32, #tpu.memory_space<vmem>>, %arg5: memref<1x32xf32, #tpu.memory_space<vmem>>, %arg6: memref<32x1xf32, #tpu.memory_space<vmem>>, %arg7: memref<1x1xf32, #tpu.memory_space<vmem>>, %arg8: memref<1000x1xf32, #tpu.memory_space<vmem>>) attributes {dimension_semantics = [#tpu.dimension_semantics<arbitrary>], iteration_bounds = array<i64: 10>, scalar_prefetch = 0 : i64, scratch_operands = 0 : i64, tpu.core_type = #tpu.core_type<tc>, window_params = [{transform_indices = @transform_0, window_bounds = array<i64: 1000, 32>}, {transform_indices = @transform_1, window_bounds = array<i64: 1000, 32>}, {transform_indices = @transform_2, window_bounds = array<i64: 1000, 32>}, {transform_indices = @transform_3, window_bounds = array<i64: 1000, 1>}, {pipeline_mode = #tpu.pipeline_mode<synchronous>, transform_indices = @transform_4, window_bounds = array<i64: 1, 32>}, {pipeline_mode = #tpu.pipeline_mode<synchronous>, transform_indices = @transform_5, window_bounds = array<i64: 32, 1>}, {pipeline_mode = #tpu.pipeline_mode<synchronous>, transform_indices = @transform_6, window_bounds = array<i64: 1, 1>}, {transform_indices = @transform_7, window_bounds = array<i64: 1000, 1>}]} {
    %get3A = arith.constant 0 : index
    %get3A_0 = arith.constant 0 : index
    %get3A_1 = vector.load %arg1[%get3A, %get3A_0] : memref<1000x32xf32, #tpu.memory_space<vmem>>, vector<1000x32xf32>
    %get3A_2 = arith.constant 0 : index
    %get3A_3 = arith.constant 0 : index
    %get3A_4 = vector.load %arg2[%get3A_2, %get3A_3] : memref<1000x32xf32, #tpu.memory_space<vmem>>, vector<1000x32xf32>
    %get3A_5 = arith.constant 0 : index
    %get3A_6 = arith.constant 0 : index
    %get3A_7 = vector.load %arg3[%get3A_5, %get3A_6] : memref<1000x32xf32, #tpu.memory_space<vmem>>, vector<1000x32xf32>
    %add3A = arith.addf %get3A_4, %get3A_7 : vector<1000x32xf32>
    %get3A_8 = arith.constant 0 : index
    %get3A_9 = arith.constant 0 : index
    %get3A_10 = vector.load %arg4[%get3A_8, %get3A_9] : memref<1000x1xf32, #tpu.memory_space<vmem>>, vector<1000x1xf32>
    %mul3A = vector.broadcast %get3A_10 : vector<1000x1xf32> to vector<1000x32xf32>
    %mul3A_11 = arith.mulf %add3A, %mul3A : vector<1000x32xf32>
    %add3A_12 = arith.addf %get3A_1, %mul3A_11 : vector<1000x32xf32>
    %get3A_13 = arith.constant 0 : index
    %get3A_14 = arith.constant 0 : index
    %get3A_15 = vector.load %arg5[%get3A_13, %get3A_14] : memref<1x32xf32, #tpu.memory_space<vmem>>, vector<1x32xf32>
    %add3A_16 = vector.broadcast %get3A_15 : vector<1x32xf32> to vector<1000x32xf32>
    %add3A_17 = arith.addf %add3A_12, %add3A_16 : vector<1000x32xf32>
    %max3A = arith.constant 0.000000e+00 : f32
    %max3A_18 = vector.broadcast %max3A : f32 to vector<1000x32xf32>
    %max3A_19 = arith.maximumf %add3A_17, %max3A_18 : vector<1000x32xf32>
    %get3A_20 = arith.constant 0 : index
    %get3A_21 = arith.constant 0 : index
    %get3A_22 = vector.load %arg6[%get3A_20, %get3A_21] : memref<32x1xf32, #tpu.memory_space<vmem>>, vector<32x1xf32>
    %dot_general3A = arith.constant dense<0.000000e+00> : vector<1000x1xf32>
    %dot_general3A_23 = tpu.matmul %max3A_19, %get3A_22, %dot_general3A {dimension_numbers = #tpu.dot_dimension_numbers<[1], [0], [0], [1], [0, 0, 1, 1], [], []>, transpose_lhs_hint = false} : vector<1000x32xf32>, vector<32x1xf32>, vector<1000x1xf32> -> vector<1000x1xf32>
    %get3A_24 = arith.constant 0 : index
    %get3A_25 = arith.constant 0 : index
    %get3A_26 = vector.load %arg7[%get3A_24, %get3A_25] : memref<1x1xf32, #tpu.memory_space<vmem>>, vector<1x1xf32>
    %add3A_27 = vector.broadcast %get3A_26 : vector<1x1xf32> to vector<1000x1xf32>
    %add3A_28 = arith.addf %dot_general3A_23, %add3A_27 : vector<1000x1xf32>
    %swap3A = arith.constant 0 : index
    %swap3A_29 = arith.constant 0 : index
    %swap3A_30 = vector.load %arg8[%swap3A, %swap3A_29] : memref<1000x1xf32, #tpu.memory_space<vmem>>, vector<1000x1xf32>
    tpu.vector_store %arg8[%swap3A, %swap3A_29], %add3A_28 {strides = array<i32>} : memref<1000x1xf32, #tpu.memory_space<vmem>>, vector<1000x1xf32>,
    return
  }
  func.func @transform_0(%arg0: i32) -> (i32, i32) {
    %c0_i32 = arith.constant 0 : i32
    %c0_i32_0 = arith.constant 0 : i32
    return %arg0, %c0_i32 : i32, i32
  }
  func.func @transform_1(%arg0: i32) -> (i32, i32) {
    %c0_i32 = arith.constant 0 : i32
    %c0_i32_0 = arith.constant 0 : i32
    return %arg0, %c0_i32 : i32, i32
  }
  func.func @transform_2(%arg0: i32) -> (i32, i32) {
    %c0_i32 = arith.constant 0 : i32
    %c0_i32_0 = arith.constant 0 : i32
    return %arg0, %c0_i32 : i32, i32
  }
  func.func @transform_3(%arg0: i32) -> (i32, i32) {
    %c0_i32 = arith.constant 0 : i32
    %c0_i32_0 = arith.constant 0 : i32
    return %arg0, %c0_i32 : i32, i32
  }
  func.func @transform_4(%arg0: i32) -> (i32, i32) {
    %c0_i32 = arith.constant 0 : i32
    %c0_i32_0 = arith.constant 0 : i32
    %c0_i32_1 = arith.constant 0 : i32
    return %c0_i32, %c0_i32_0 : i32, i32
  }
  func.func @transform_5(%arg0: i32) -> (i32, i32) {
    %c0_i32 = arith.constant 0 : i32
    %c0_i32_0 = arith.constant 0 : i32
    %c0_i32_1 = arith.constant 0 : i32
    return %c0_i32, %c0_i32_0 : i32, i32
  }
  func.func @transform_6(%arg0: i32) -> (i32, i32) {
    %c0_i32 = arith.constant 0 : i32
    %c0_i32_0 = arith.constant 0 : i32
    %c0_i32_1 = arith.constant 0 : i32
    return %c0_i32, %c0_i32_0 : i32, i32
  }
  func.func @transform_7(%arg0: i32) -> (i32, i32) {
    %c0_i32 = arith.constant 0 : i32
    %c0_i32_0 = arith.constant 0 : i32
    return %arg0, %c0_i32 : i32, i32
  }
}

module attributes {stable_mosaic.version = 14 : i64} {
  func.func @body(%arg0: i32, %arg1: memref<8000x32xf32, #tpu.memory_space<vmem>>, %arg2: memref<8000x32xf32, #tpu.memory_space<vmem>>, %arg3: memref<8000x32xf32, #tpu.memory_space<vmem>>, %arg4: memref<1x32xf32, #tpu.memory_space<vmem>>, %arg5: memref<1x32xf32, #tpu.memory_space<vmem>>, %arg6: memref<32x1xf32, #tpu.memory_space<vmem>>, %arg7: memref<1x1xf32, #tpu.memory_space<vmem>>, %arg8: memref<8000x1xf32, #tpu.memory_space<vmem>>) attributes {dimension_semantics = [#tpu.dimension_semantics<arbitrary>], iteration_bounds = array<i64: 40>, scalar_prefetch = 0 : i64, scratch_operands = 0 : i64, tpu.core_type = #tpu.core_type<tc>, window_params = [{transform_indices = @transform_0, window_bounds = array<i64: 8000, 32>}, {transform_indices = @transform_1, window_bounds = array<i64: 8000, 32>}, {transform_indices = @transform_2, window_bounds = array<i64: 8000, 32>}, {pipeline_mode = #tpu.pipeline_mode<synchronous>, transform_indices = @transform_3, window_bounds = array<i64: 1, 32>}, {pipeline_mode = #tpu.pipeline_mode<synchronous>, transform_indices = @transform_4, window_bounds = array<i64: 1, 32>}, {pipeline_mode = #tpu.pipeline_mode<synchronous>, transform_indices = @transform_5, window_bounds = array<i64: 32, 1>}, {pipeline_mode = #tpu.pipeline_mode<synchronous>, transform_indices = @transform_6, window_bounds = array<i64: 1, 1>}, {transform_indices = @transform_7, window_bounds = array<i64: 8000, 1>}]} {
    %get3A = arith.constant 0 : index
    %get3A_0 = arith.constant 0 : index
    %get3A_1 = vector.load %arg2[%get3A, %get3A_0] : memref<8000x32xf32, #tpu.memory_space<vmem>>, vector<8000x32xf32>
    %get3A_2 = arith.constant 0 : index
    %get3A_3 = arith.constant 0 : index
    %get3A_4 = vector.load %arg3[%get3A_2, %get3A_3] : memref<8000x32xf32, #tpu.memory_space<vmem>>, vector<8000x32xf32>
    %add3A = arith.addf %get3A_1, %get3A_4 : vector<8000x32xf32>
    %get3A_5 = arith.constant 0 : index
    %get3A_6 = arith.constant 0 : index
    %get3A_7 = vector.load %arg4[%get3A_5, %get3A_6] : memref<1x32xf32, #tpu.memory_space<vmem>>, vector<1x32xf32>
    %add3A_8 = vector.broadcast %get3A_7 : vector<1x32xf32> to vector<8000x32xf32>
    %add3A_9 = arith.addf %add3A, %add3A_8 : vector<8000x32xf32>
    %max3A = arith.constant 0.000000e+00 : f32
    %max3A_10 = vector.broadcast %max3A : f32 to vector<8000x32xf32>
    %max3A_11 = arith.maximumf %add3A_9, %max3A_10 : vector<8000x32xf32>
    %get3A_12 = arith.constant 0 : index
    %get3A_13 = arith.constant 0 : index
    %get3A_14 = vector.load %arg1[%get3A_12, %get3A_13] : memref<8000x32xf32, #tpu.memory_space<vmem>>, vector<8000x32xf32>
    %get3A_15 = arith.constant 0 : index
    %get3A_16 = arith.constant 0 : index
    %get3A_17 = vector.load %arg5[%get3A_15, %get3A_16] : memref<1x32xf32, #tpu.memory_space<vmem>>, vector<1x32xf32>
    %add3A_18 = vector.broadcast %get3A_17 : vector<1x32xf32> to vector<8000x32xf32>
    %add3A_19 = arith.addf %get3A_14, %add3A_18 : vector<8000x32xf32>
    %add3A_20 = arith.addf %add3A_19, %max3A_11 : vector<8000x32xf32>
    %neg3A = arith.constant 0.000000e+00 : f32
    %neg3A_21 = vector.broadcast %neg3A : f32 to vector<8000x32xf32>
    %neg3A_22 = arith.subf %neg3A_21, %add3A_20 : vector<8000x32xf32>
    %exp3A = math.exp %neg3A_22 : vector<8000x32xf32>
    %add3A_23 = arith.constant 1.000000e+00 : f32
    %add3A_24 = vector.broadcast %add3A_23 : f32 to vector<8000x32xf32>
    %add3A_25 = arith.addf %add3A_24, %exp3A : vector<8000x32xf32>
    %div3A = arith.constant 1.000000e+00 : f32
    %div3A_26 = vector.broadcast %div3A : f32 to vector<8000x32xf32>
    %div3A_27 = arith.divf %div3A_26, %add3A_25 : vector<8000x32xf32>
    %get3A_28 = arith.constant 0 : index
    %get3A_29 = arith.constant 0 : index
    %get3A_30 = vector.load %arg6[%get3A_28, %get3A_29] : memref<32x1xf32, #tpu.memory_space<vmem>>, vector<32x1xf32>
    %dot_general3A = arith.constant dense<0.000000e+00> : vector<8000x1xf32>
    %dot_general3A_31 = tpu.matmul %div3A_27, %get3A_30, %dot_general3A {dimension_numbers = #tpu.dot_dimension_numbers<[1], [0], [0], [1], [0, 0, 1, 1], [], []>, transpose_lhs_hint = false} : vector<8000x32xf32>, vector<32x1xf32>, vector<8000x1xf32> -> vector<8000x1xf32>
    %get3A_32 = arith.constant 0 : index
    %get3A_33 = arith.constant 0 : index
    %get3A_34 = vector.load %arg7[%get3A_32, %get3A_33] : memref<1x1xf32, #tpu.memory_space<vmem>>, vector<1x1xf32>
    %add3A_35 = vector.broadcast %get3A_34 : vector<1x1xf32> to vector<8000x1xf32>
    %add3A_36 = arith.addf %dot_general3A_31, %add3A_35 : vector<8000x1xf32>
    %swap3A = arith.constant 0 : index
    %swap3A_37 = arith.constant 0 : index
    %swap3A_38 = vector.load %arg8[%swap3A, %swap3A_37] : memref<8000x1xf32, #tpu.memory_space<vmem>>, vector<8000x1xf32>
    tpu.vector_store %arg8[%swap3A, %swap3A_37], %add3A_36 {strides = array<i32>} : memref<8000x1xf32, #tpu.memory_space<vmem>>, vector<8000x1xf32>,
    return
  }
  func.func @transform_0(%arg0: i32) -> (i32, i32) {
    %c0_i32 = arith.constant 0 : i32
    %c0_i32_0 = arith.constant 0 : i32
    return %arg0, %c0_i32 : i32, i32
  }
  func.func @transform_1(%arg0: i32) -> (i32, i32) {
    %c0_i32 = arith.constant 0 : i32
    %c0_i32_0 = arith.constant 0 : i32
    return %arg0, %c0_i32 : i32, i32
  }
  func.func @transform_2(%arg0: i32) -> (i32, i32) {
    %c0_i32 = arith.constant 0 : i32
    %c0_i32_0 = arith.constant 0 : i32
    return %arg0, %c0_i32 : i32, i32
  }
  func.func @transform_3(%arg0: i32) -> (i32, i32) {
    %c0_i32 = arith.constant 0 : i32
    %c0_i32_0 = arith.constant 0 : i32
    %c0_i32_1 = arith.constant 0 : i32
    return %c0_i32, %c0_i32_0 : i32, i32
  }
  func.func @transform_4(%arg0: i32) -> (i32, i32) {
    %c0_i32 = arith.constant 0 : i32
    %c0_i32_0 = arith.constant 0 : i32
    %c0_i32_1 = arith.constant 0 : i32
    return %c0_i32, %c0_i32_0 : i32, i32
  }
  func.func @transform_5(%arg0: i32) -> (i32, i32) {
    %c0_i32 = arith.constant 0 : i32
    %c0_i32_0 = arith.constant 0 : i32
    %c0_i32_1 = arith.constant 0 : i32
    return %c0_i32, %c0_i32_0 : i32, i32
  }
  func.func @transform_6(%arg0: i32) -> (i32, i32) {
    %c0_i32 = arith.constant 0 : i32
    %c0_i32_0 = arith.constant 0 : i32
    %c0_i32_1 = arith.constant 0 : i32
    return %c0_i32, %c0_i32_0 : i32, i32
  }
  func.func @transform_7(%arg0: i32) -> (i32, i32) {
    %c0_i32 = arith.constant 0 : i32
    %c0_i32_0 = arith.constant 0 : i32
    return %arg0, %c0_i32 : i32, i32
  }
}

</mosaic_0001>

<sc_bundles>
// kernel: kernel.13.cloned.1.call-start
scs
__scs_entry_jumppad:
0x0: {  	(pc) =	sbr.rel $0x88, $3  }
0x1: {  	(tag) =	ssettag $0x0;
	lr =	simm.s32 $0x1  }
0x2: {  	[smem:$0x3F8F] =	sst lr;
	_ =	strace $0xD0000000  }
0x3: {  	_ = 	snop  }
0x4: {  	_ = 	snop  }
0x5: {  	_ = 	snop  }
0x6: {  	_ = 	snop  }
0x7: {  	_ = 	snop  }
__scs_overlays_trampoline_lowered:
0x8: {  	[smem:$0x3F9E] =	sst s0  }
0x9: {  	[smem:$0x3F9F] =	sst s1  }
0xa: {  	[smem:$0x3FA0] =	sst s2  }
0xb: {  	[smem:$0x3FA1] =	sst s3  }
0xc: {  	[smem:$0x3FA2] =	sst s4  }
0xd: {  	[smem:$0x3FA3] =	sst s5  }
0xe: {  	[smem:$0x3FA4] =	sst s6  }
0xf: {  	[smem:$0x3FA5] =	sst s7  }
0x10: {  	[smem:$0x3FA6] =	sst s8  }
0x11: {  	[smem:$0x3FA7] =	sst s9;
	s0 =	simm.s32 @!p0 $0x0  }
0x12: {  	s1 =	sld [smem:$0x3F8D];
	s0 =	simm.s32 @p0 $0x1  }
0x13: {  	[smem:$0x3FA8] =	sst s0;
	s0 =	simm.s32 @!p1 $0x0  }
0x14: {  	s2 =	sld [smem:$0x3F8C];
	s0 =	simm.s32 @p1 $0x1  }
0x15: {  	[smem:$0x3FA9] =	sst s0;
	s0 =	simm.s32 @!p2 $0x0  }
0x16: {  	s3 =	sld [smem:$0x3FDB];
	s0 =	simm.s32 @p2 $0x1  }
0x17: {  	s4 =	simm.s32 $0x1BF5;
	[smem:$0x3FAB] =	sst s0  }
0x18: {  	s0 =	sld [smem:$0x3F8E];
	_ =	swait.ge [sflag:s4], $0x0  }
0x19: {  	s7 =	sld [smem:$0x3F8F]  }
0x1a: {  	s8 =	sadd.s32 $0xFFFFE003, lr  }
0x1b: {  	s9 =	sadd.s32 $0xFFFFFEF7, lr;
	s5 =	simm.s32 $0xFFFFFFFF;
	p2 =	slt.u32 s8, $0xFFFFF086  }
0x1c: {  	p1 =	slt.u32 s9, $0xF7A;
	s5 =	simm.s32 @!p2 $0x0  }
0x1d: {  	s5 =	simm.s32 @p1 $0x1;
	p0 =	seq.s32 s7, s2  }
0x1e: {  	s7 =	smul.u32 @!p0 $0xF7A, s2;
	p2 =	seq.s32 @!p0 s5, $0x0  }
0x1f: {  	s9 =	smul.u32 $0xF7A, s1;
	s8 =	simm.s32 @!p0 $0x1BF5;
	p2 =	por !p2, p0  }
0x20: {  	[sflag:s8] =	ssyncset.s32 @!p0 $0xFFFFF086;
	s6 =	sadd.s32 @!p0 s3, s7;
	s7 =	simm.s32 @!p0 $0x108  }
0x21: {  	s3 =	sadd.s32 s3, s9;
	s6 =	sadd.s32 @!p0 $0x88, s6;
	s7 =	simm.s32 @p2 $0x1082  }
0x22: {  	[simem:s7], [sflag:s8] =	dma.local @!p0 [hbm:s6], $0xF7A  }
0x23: {  	s9 =	sor.u32 $0xD0000000, s2;
	s6 =	simm.s32 $0x108;
	_ =	swait.ge @!p0 [sflag:s8], $0x0  }
0x24: {  	s3 =	sadd.s32 $0x88, s3;
	s6 =	simm.s32 @!p1 $0x1082;
	[sflag:s4] =	ssyncset.s32 $0xFFFFF086  }
0x25: {  	[simem:s6], [sflag:s4] =	dma.local [hbm:s3], $0xF7A  }
0x26: {  	[smem:$0x3F8F] =	sst s1;
	(tag) =	ssettag s2;
	_ =	strace s9  }
0x27: {  	s1 =	sld [smem:$0x3F9F]  }
0x28: {  	s2 =	sld [smem:$0x3FA0]  }
0x29: {  	s4 =	sld [smem:$0x3FA2]  }
0x2a: {  	p0 =	seq.s32 s5, $0x0;
	s5 =	sld [smem:$0x3FA3]  }
0x2b: {  	s6 =	sld [smem:$0x3FA4]  }
0x2c: {  	s7 =	sld [smem:$0x3FA5]  }
0x2d: {  	s3 =	simm.s32 $0x108;
	s8 =	sld [smem:$0x3FA6]  }
0x2e: {  	s3 =	simm.s32 @!p0 $0x1082;
	s9 =	sld [smem:$0x3FA7]  }
0x2f: {  	lr =	sadd.s32 s0, s3;
	s0 =	sld [smem:$0x3F9E]  }
0x30: {  	s3 =	sld [smem:$0x3FA1]  }
0x31: {  	[smem:$0x3FAA] =	sst s10  }
0x32: {  	s10 =	sld [smem:$0x3FA8];
	_ =	sdelay $0x3  }
0x33: {  	p0 =	seq.s32 s10, $0x1;
	s10 =	sld [smem:$0x3FAA];
	_ =	sdelay $0x3  }
0x34: {  	[smem:$0x3FAA] =	sst s10  }
0x35: {  	s10 =	sld [smem:$0x3FA9];
	_ =	sdelay $0x3  }
0x36: {  	p1 =	seq.s32 s10, $0x1;
	s10 =	sld [smem:$0x3FAA];
	_ =	sdelay $0x3  }
0x37: {  	[smem:$0x3FAA] =	sst s10  }
0x38: {  	s10 =	sld [smem:$0x3FAB]  }
0x39: {  	_ = 	snop;
	(pc) =	sbr.ind lr, $3  }
0x3a: {  	_ = 	snop  }
0x3b: {  	_ = 	snop  }
0x3c: {  	p2 =	seq.s32 s10, $0x1;
	s10 =	sld [smem:$0x3FAA]  }
0x3d: {  	_ =	shalt  }
0x3e: {  	_ =	shalt  }
0x3f: {  	_ =	shalt  }
0x40: {  	_ =	shalt  }
0x41: {  	_ =	shalt  }
0x42: {  	_ =	shalt  }
0x43: {  	_ =	shalt  }
0x44: {  	_ =	shalt  }
0x45: {  	_ =	shalt  }
0x46: {  	_ =	shalt  }
0x47: {  	_ =	shalt  }
0x48: {  	_ =	shalt  }
0x49: {  	_ =	shalt  }
0x4a: {  	_ =	shalt  }
0x4b: {  	_ =	shalt  }
0x4c: {  	_ =	shalt  }
0x4d: {  	_ =	shalt  }
0x4e: {  	_ =	shalt  }
0x4f: {  	_ =	shalt  }
0x50: {  	_ =	shalt  }
0x51: {  	_ =	shalt  }
0x52: {  	_ =	shalt  }
0x53: {  	_ =	shalt  }
0x54: {  	_ =	shalt  }
0x55: {  	_ =	shalt  }
0x56: {  	_ =	shalt  }
0x57: {  	_ =	shalt  }
0x58: {  	_ =	shalt  }
0x59: {  	_ =	shalt  }
0x5a: {  	_ =	shalt  }
0x5b: {  	_ =	shalt  }
0x5c: {  	_ =	shalt  }
0x5d: {  	_ =	shalt  }
0x5e: {  	_ =	shalt  }
0x5f: {  	_ =	shalt  }
0x60: {  	_ =	shalt  }
0x61: {  	_ =	shalt  }
0x62: {  	_ =	shalt  }
0x63: {  	_ =	shalt  }
0x64: {  	_ =	shalt  }
0x65: {  	_ =	shalt  }
0x66: {  	_ =	shalt  }
0x67: {  	_ =	shalt  }
0x68: {  	_ =	shalt  }
0x69: {  	_ =	shalt  }
0x6a: {  	_ =	shalt  }
0x6b: {  	_ =	shalt  }
0x6c: {  	_ =	shalt  }
0x6d: {  	_ =	shalt  }
0x6e: {  	_ =	shalt  }
0x6f: {  	_ =	shalt  }
0x70: {  	_ =	shalt  }
0x71: {  	_ =	shalt  }
0x72: {  	_ =	shalt  }
0x73: {  	_ =	shalt  }
0x74: {  	_ =	shalt  }
0x75: {  	_ =	shalt  }
0x76: {  	_ =	shalt  }
0x77: {  	_ =	shalt  }
0x78: {  	_ =	shalt  }
0x79: {  	_ =	shalt  }
0x7a: {  	_ =	shalt  }
0x7b: {  	_ =	shalt  }
0x7c: {  	_ =	shalt  }
0x7d: {  	_ =	shalt  }
0x7e: {  	_ =	shalt  }
0x7f: {  	_ =	shalt  }
0x80: {  	_ =	shalt  }
0x81: {  	_ =	shalt  }
0x82: {  	_ =	shalt  }
0x83: {  	_ =	shalt  }
0x84: {  	_ =	shalt  }
0x85: {  	_ =	shalt  }
0x86: {  	_ =	shalt  }
0x87: {  	_ =	shalt  }
.Lfunc_end0:
.L_simem_size_0:
called_computation_lowered:
.L_overlay_start_0:
0x88: {  	s2 =	sld [smem:$0x3FD9]  }
0x89: {  	s3 =	sld [smem:$0x3FFE];
	_ =	sdelay $0x1  }
0x8a: {  	s1 =	srdreg.scid  }
0x8b: {  	s0 =	sand.u32 $0x1, s1  }
0x8c: {  	s17 =	sshll.u32 s0, $0xA;
	s2 =	sadd.s32 s3, s2  }
0x8d: {  	s2 =	sadd.s32 s2, s17  }
0x8e: {  	[smem:$0x3FB6] =	sst s2  }
0x8f: {  	_ = 	snop  }
0x90: {  	s2 =	sld [smem:$0x3FD0];
	(tm) =	ssettm $0x1  }
0x91: {  	s18 =	sld [smem:$0x3FFB];
	_ =	sdelay $0x3  }
0x92: {  	_ =	strace s18  }
0x93: {  	s3 =	sld [smem:$0x3FFC];
	_ =	sdelay $0x3  }
0x94: {  	_ =	strace s3  }
0x95: {  	s3 =	sld [smem:$0x3FFD];
	_ =	sdelay $0x3  }
0x96: {  	_ =	strace s3  }
0x97: {  	_ =	strace $0x8FFFFFFF  }
0x98: {  	s19 =	sld [smem:$0x3FDB];
	_ =	sdelay $0x1  }
0x99: {  	s4 =	simm.s32 $_scs_section_size  }
0x9a: {  	s5 =	simm.s32 $_size__tile_overlayer_lowered;
	s6 =	simm.s32 $_tile_overlayer_lowered  }
0x9b: {  	s22 =	simm.s32 $0x1BFF;
	s21 =	sshll.u32 s6, $0x1;
	s3 =	sadd.s32 s4, s19  }
0x9c: {  	s7 =	simm.s32 $0x0;
	s20 =	sshll.u32 s5, $0x1;
	s5 =	sadd.s32 s21, s3  }
0x9d: {  	[timem:s7], [sflag:s22] =	dma.local [hbm:s5], s20  }
0x9e: {  	_ =	swait.ge [sflag:s22], s20  }
0x9f: {  	s4 =	ssub.s32 $0x0, s20;
	[sflag:s22] =	ssyncset.done $0x0  }
0xa0: {  	[sflag:s22] =	ssyncadd.s32 s4;
	_ =	sdelay $0x1  }
0xa1: {  	s23 =	simm.s32 $0x1B8B  }
0xa2: {  	_ =	swait.ge [sflag:s23], $0x1  }
0xa3: {  	[sflag:s23] =	ssyncset.done $0x0  }
0xa4: {  	s25 =	simm.s32 $0x1B8E;
	s24 =	sld [smem:$0x3FFE];
	[sflag:s23] =	ssyncadd.s32 $0xFFFFFFFF  }
0xa5: {  	s26 =	simm.s32 $execute0_lowered;
	[smem:$0x3FD2] =	sst s25  }
0xa6: {  	s5 =	sshll.u32 s26, $0x1;
	_ =	strace $0x80000046;
	[dreg:$0x1] =	wrdreg $0xFFFFFFFF  }
0xa7: {  	s28 =	simm.s32 $_size_execute0_lowered;
	s3 =	sadd.s32 s3, s5;
	[dreg:$0x0] =	wrdreg $0x0  }
0xa8: {  	s5 =	sshll.u32 s28, $0x1;
	[dreg:$0x2] =	wrdreg s3  }
0xa9: {  	[dreg:$0x3] =	wrdreg s5  }
0xaa: {  	[dreg:$0x4] =	wrdreg $0xC0  }
0xab: {  	_ =	task [dreg:s7], $0x5FFFF  }
0xac: {  	[dreg:$0x1] =	wrdreg $0xFFFFFFFF  }
0xad: {  	[dreg:$0x0] =	wrdreg $0x60  }
0xae: {  	[dreg:$0x2] =	wrdreg s24  }
0xaf: {  	[dreg:$0x3] =	wrdreg s2  }
0xb0: {  	[dreg:$0x4] =	wrdreg $0xDAC00  }
0xb1: {  	[dreg:$0x5] =	wrdreg $0x177000  }
0xb2: {  	[dreg:$0x6] =	wrdreg $0x9  }
0xb3: {  	_ =	task.clear_ibuf [dreg:s7], $0x7FFFF;
	_ =	strace $0x90000046  }
0xb4: {  	s29 =	simm.s32 $0x9;
	_ =	strace $0x80000048  }
0xb5: {  	_ =	swait.ge [sflag:s29], $0x1  }
0xb6: {  	[sflag:s29] =	ssyncadd.s32 $0xFFFFFFFF  }
0xb7: {  	_ =	strace $0x90000048  }
0xb8: {  	_ =	sfence  }
0xb9: {  	s30 =	sld [smem:$0x0];
	_ =	sdelay $0x2  }
0xba: {  	s31 =	sshll.u32 s1, $0xD;
	s1 =	sshrl.u32 s1, $0x2  }
0xbb: {  	s3 =	sand.u32 $0x4000, s31;
	s1 =	sadd.s32 s1, s30  }
0xbc: {  	s0 =	sor.u32 s3, s0;
	s1 =	sshll.u32 s1, $0x11  }
0xbd: {  	s0 =	sor.u32 s1, s0  }
0xbe: {  	s0 =	sadd.s32 $0x8F2B, s0  }
0xbf: {  	[sflag:s0] =	ssyncadd.remote.s32 $0x1  }
0xc0: {  	_ =	sfence.sel $0xFFFF  }
0xc1: {  	[dreg:$0x0] =	wrdreg $0xFFFFFFFF;
	(pc) =	sbr.abs _section_cstart, $3  }
0xc2: {  	[dreg:$0x1] =	wrdreg $0xFFFFFFFF  }
0xc3: {  	_ =	task.clear_ibuf [dreg:s7], $0x2FFFF;
	_ =	strace $0x9FFFFFFF  }
0xc4: {  	(tm) =	ssettm $0x7FFFFFFF  }
0xc5: {  	_ =	shalt  }
tec
execute0_lowered:
.L_overlay_start_1:
0x0: {  	(tag) =	ssettag $0x1  }
0x1: {  	s0 =	rddreg [dreg:$0x0]  }
0x2: {  	s17 =	rddreg [dreg:$0x1]  }
0x3: {  	s2 =	rddreg [dreg:$0x2]  }
0x4: {  	s3 =	rddreg [dreg:$0x3];
	s4 =	simm.s32 $0x0;
	s1 =	stileid.u32  }
0x5: {  	s23 =	srdreg.scid;
	s28 =	simm.s32 $0x9C40;
	s29 =	simm.s32 $0x1  }
0x6: {  	s30 =	simm.s32 $0x0;
	[smem:$0x7FF] =	sst s4;
	s7 =	smul.u32 $0x9C4, s1  }
0x7: {  	s5 =	sadd.s32 $0x2BE00, s0;
	s16 =	smul.u32 $0x9E00, s1;
	s6 =	sadd.s32 $0x3F800, s0  }
0x8: {  	s12 =	smul.u32 $0x2780, s1;
	s25 =	sand.u32 $0x1, s23;
	s24 =	sadd.s32 $0x7A800, s0  }
0x9: {  	s19 =	sadd.s32 $0x7AA00, s0;
	s14 =	sadd.s32 $0x94200, s2;
	s15 =	sadd.s32 $0x79640, s0  }
0xa: {  	p0 =	seq.s32 s1, $0xF;
	p2 =	sne.s32 s1, $0xF;
	_ =	strace $0x80000047  }
0xb: {  	[dreg:$0x5] =	wrdreg s24;
	s26 =	ssub.s32 $0x2, s25;
	s18 =	smul.u32 $0x9C400, s25  }
0xc: {  	p1 =	sne.s32 s25, $0x0;
	p3 =	sne.s32 @p2 s25, $0x0;
	p4 =	seq.s32 @!p2 s25, $0x0  }
0xd: {  	s25 =	simm.s32 $0xCE40;
	s9 =	sadd.s32 s7, s0;
	s8 =	sshrl.u32 s16, $0x3  }
0xe: {  	s13 =	sshrl.u32 s12, $0x3;
	s10 =	sshrl.u32 s26, $0x1;
	s12 =	sadd.s32 s12, s3  }
0xf: {  	p3 =	por p3, !p2;
	p4 =	por !p4, p2;
	s11 =	sadd.s32 s8, s0  }
0x10: {  	s20 =	sadd.s32 s13, s0;
	s22 =	ssub.s32 s26, s10;
	s8 =	sadd.s32 $0x5D000, s9  }
0x11: {  	s9 =	sadd.s32 $0x53200, s9;
	s10 =	sadd.s32 s16, s2;
	s13 =	sadd.s32 s17, s13  }
.Ltmp0:
0x12: {  	s21 =	sadd.s32 s16, s18;
	s16 =	sadd.s32 $0x25080, s3;
	(pc) =	sbr.rel .LBB2_1-.Ltmp0, $4  }
0x13: {  	s23 =	sshrl.u32 s18, $0x3;
	s17 =	sadd.s32 $0x4A10, s17;
	s26 =	simm.s32 $0xC8  }
0x14: {  	s11 =	sadd.s32 $0x66E00, s11;
	s21 =	sshrl.u32 s21, $0x3;
	s31 =	sadd.s32 s19, s23  }
0x15: {  	s22 =	smax.u32 s22, $0x1;
	s23 =	simm.s32 $0x2;
	s18 =	sadd.s32 s19, s21  }
0x16: {  	s19 =	sadd.s32 $0xA1C00, s20;
	s20 =	sadd.s32 $0x12840, s31;
	s21 =	sadd.s32 $0xA6610, s0  }
.LBB2_7:
0x17: {  	s0 =	sshra.s32 s31, $0x2;
	[sflag:s23] =	ssyncadd.s32 $0xFFFFCE00  }
0x18: {  	[tilespmem:s28], [sflag:$0x1] =	stream.indirect.gather [hbm4b:s6+s26], $0x40, s0, s26, $0xb8;
	[tilespmem:$0x19E10] =	vst v63  }
0x19: {  	_ =	swait.ge [sflag:s29], $0x3200  }
0x1a: {  	[sflag:s29] =	ssyncset.done $0x0  }
0x1b: {  	s0 =	sadd.s32 $0x4E20, s0;
	[sflag:s29] =	ssyncadd.s32 $0xFFFFCE00  }
0x1c: {  	[spmem:s2] =	stream.indirect.scatter.add.f32 [tilespmem:s28], [sflag:$0x2], $0x40, s0, s26, $0xb8;
	[tilespmem:$0x19E10] =	vst v63  }
0x1d: {  	_ =	swait.ge [sflag:s23], $0x3200  }
0x1e: {  	[sflag:s23] =	ssyncset.done $0x0  }
0x1f: {  	[sflag:s23] =	ssyncadd.s32 $0xFFFFCE00  }
.LBB2_8:
0x20: {  	s0 =	sshll.u32 @p2 s1, $0x6  }
0x21: {  	[bflag:$0x0] =	sbarrier.arrive $0xFFFF;
	s7 =	sshrl.u32 @p2 s10, $0x3;
	s0 =	sor.u32 @p2 $0x1C02, s0  }
0x22: {  	[hbm:s18], [sflag:s0] =	dma.local @p2 [spmem:s7], $0x13C0  }
0x23: {  	s7 =	simm.s32 @p2 $0x2  }
0x24: {  	_ =	swait.ge @p2 [sflag:s7], $0x13C0  }
0x25: {  	[sflag:s7] =	ssyncset.done @p2 $0x0  }
0x26: {  	[sflag:s7] =	ssyncadd.s32 @p2 $0xFFFFEC40;
	s7 =	sshrl.u32 @!p3 s12, $0x3  }
0x27: {  	[hbm:s19], [sflag:s0] =	dma.local @!p3 [spmem:s7], $0x4F0  }
0x28: {  	s0 =	simm.s32 @!p3 $0x2  }
0x29: {  	_ =	swait.ge @!p3 [sflag:s0], $0x4F0  }
0x2a: {  	[sflag:s0] =	ssyncset.done @!p3 $0x0  }
0x2b: {  	s7 =	sshrl.u32 @!p2 s14, $0x3;
	[sflag:s0] =	ssyncadd.s32 @!p3 $0xFFFFFB10;
	s0 =	simm.s32 @!p2 $0x1FC2  }
0x2c: {  	[hbm:s20], [sflag:s0] =	dma.local @!p2 [spmem:s7], $0x1040  }
0x2d: {  	s7 =	simm.s32 @!p2 $0x2  }
0x2e: {  	_ =	swait.ge @!p2 [sflag:s7], $0x1040  }
0x2f: {  	s30 =	sadd.s32 $0x1, s30;
	[sflag:s7] =	ssyncset.done @!p2 $0x0  }
0x30: {  	p5 =	sne.s32 s30, s22;
	[sflag:s7] =	ssyncadd.s32 @!p2 $0xFFFFEFC0;
	s7 =	sshrl.u32 @!p4 s16, $0x3  }
0x31: {  	[hbm:s21], [sflag:s0] =	dma.local @!p4 [spmem:s7], $0x410  }
.Ltmp1:
0x32: {  	_ = 	snop;
	(pc) =	sbr.rel @!p5 .LBB2_9-.Ltmp1, $4  }
0x33: {  	s0 =	simm.s32 @!p4 $0x2  }
0x34: {  	_ =	swait.ge @!p4 [sflag:s0], $0x410  }
0x35: {  	[sflag:s0] =	ssyncset.done @!p4 $0x0  }
0x36: {  	[sflag:s0] =	ssyncadd.s32 @!p4 $0xFFFFFBF0  }
.LBB2_1:
0x37: {  	[tilespmem:s4], [sflag:$0x2] =	stream.linear.gather [hbm4b:s8+s4], $0x4E20, $0x38;
	[tilespmem:$0x19E10] =	vst v63  }
0x38: {  	_ =	swait.ge [sflag:s23], $0x4E20  }
0x39: {  	[sflag:s23] =	ssyncset.done $0x0  }
0x3a: {  	s0 =	simm.s32 $0x4E20;
	[sflag:s23] =	ssyncadd.s32 $0xFFFFB1E0  }
0x3b: {  	[tilespmem:s0], [sflag:$0x2] =	stream.linear.gather [hbm4b:s9+s4], $0x4E20, $0x38;
	[tilespmem:$0x19E10] =	vst v63  }
0x3c: {  	_ =	swait.ge [sflag:s23], $0x4E20  }
0x3d: {  	[sflag:s23] =	ssyncset.done $0x0  }
0x3e: {  	s31 =	rddreg [dreg:$0x5];
	[sflag:s23] =	ssyncadd.s32 $0xFFFFB1E0  }
0x3f: {  	[tilespmem:s25], [sflag:$0x2] =	stream.linear.gather [hbm4b:s31+s4], $0xC80, $0x38;
	[tilespmem:$0x19E10] =	vst v63  }
0x40: {  	_ =	swait.ge [sflag:s23], $0xC80  }
0x41: {  	[sflag:s23] =	ssyncset.done $0x0  }
0x42: {  	s0 =	sshrl.u32 @p0 s14, $0x3;
	s31 =	simm.s32 @p0 $0x1FC2;
	[sflag:s23] =	ssyncadd.s32 $0xFFFFF380  }
0x43: {  	[spmem:s0], [sflag:s31] =	dma.local @p0 [hbm:s15], $0x1040  }
0x44: {  	s0 =	simm.s32 @p0 $0x2  }
0x45: {  	_ =	swait.ge @p0 [sflag:s0], $0x1040  }
0x46: {  	[sflag:s0] =	ssyncset.done @p0 $0x0  }
0x47: {  	s24 =	sshrl.u32 @p0 s16, $0x3;
	[sflag:s0] =	ssyncadd.s32 @p0 $0xFFFFEFC0  }
0x48: {  	[spmem:s24], [sflag:s31] =	dma.local @p0 [hbm:s17], $0x410  }
0x49: {  	_ =	swait.ge @p0 [sflag:s0], $0x410  }
0x4a: {  	s24 =	sshll.u32 @!p0 s1, $0x6;
	[sflag:s0] =	ssyncset.done @p0 $0x0  }
0x4b: {  	[sflag:s0] =	ssyncadd.s32 @p0 $0xFFFFFBF0;
	s0 =	sor.u32 @!p0 $0x1C02, s24;
	s24 =	sshrl.u32 @!p0 s10, $0x3  }
0x4c: {  	[spmem:s24], [sflag:s0] =	dma.local @!p0 [hbm:s11], $0x13C0  }
0x4d: {  	s24 =	simm.s32 @!p0 $0x2  }
0x4e: {  	_ =	swait.ge @!p0 [sflag:s24], $0x13C0  }
0x4f: {  	[sflag:s24] =	ssyncset.done @!p0 $0x0  }
0x50: {  	s31 =	sshrl.u32 @!p0 s12, $0x3;
	[sflag:s24] =	ssyncadd.s32 @!p0 $0xFFFFEC40  }
0x51: {  	[spmem:s31], [sflag:s0] =	dma.local @!p0 [hbm:s13], $0x4F0  }
.Ltmp2:
0x52: {  	_ =	swait.ge @!p0 [sflag:s24], $0x4F0;
	(pc) =	sbr.rel @p1 .LBB2_5-.Ltmp2, $4  }
0x53: {  	[sflag:s24] =	ssyncset.done @!p0 $0x0  }
0x54: {  	[sflag:s24] =	ssyncadd.s32 @!p0 $0xFFFFFB10  }
0x55: {  	[bflag:$0x0] =	sbarrier.arrive $0xFFFF  }
0x56: {  	s0 =	simm.s32 $0x0  }
0x57: {  	[tilespmem:s28], [sflag:$0x1] =	stream.indirect.gather [hbm4b:s5+s26], $0x40, s0, s26, $0xb8;
	[tilespmem:$0x19E10] =	vst v63  }
0x58: {  	_ =	swait.ge [sflag:s29], $0x3200  }
0x59: {  	[sflag:s29] =	ssyncset.done $0x0  }
0x5a: {  	s24 =	simm.s32 $0x4E20;
	[sflag:s29] =	ssyncadd.s32 $0xFFFFCE00  }
0x5b: {  	[spmem:s2] =	stream.indirect.scatter.add.f32 [tilespmem:s28], [sflag:$0x2], $0x40, s24, s26, $0xb8;
	[tilespmem:$0x19E10] =	vst v63  }
0x5c: {  	_ =	swait.ge [sflag:s23], $0x3200  }
0x5d: {  	[sflag:s23] =	ssyncset.done $0x0  }
0x5e: {  	[sflag:s23] =	ssyncadd.s32 $0xFFFFCE00  }
0x5f: {  	[spmem:s3] =	stream.indirect.scatter.add.f32 [tilespmem:s25], [sflag:$0x2], $0x10, s24, s26, $0xb8;
	[tilespmem:$0x19E10] =	vst v63  }
0x60: {  	_ =	swait.ge [sflag:s23], $0xC80  }
0x61: {  	s31 =	simm.s32 $0x320;
	s0 =	simm.s32 $0x640;
	[sflag:s23] =	ssyncset.done $0x0  }
.LBB2_3:
0x62: {  	s24 =	sshra.s32 s31, $0x2  }
0x63: {  	[sflag:s23] =	ssyncadd.s32 $0xFFFFF380;
	s31 =	smov.u32 s0;
	s7 =	sadd.s32 $0x320, s0  }
0x64: {  	[tilespmem:s28], [sflag:$0x1] =	stream.indirect.gather [hbm4b:s5+s26], $0x40, s24, s26, $0xb8;
	[tilespmem:$0x19E10] =	vst v63  }
0x65: {  	p5 =	seq.s32 s0, $0x13560;
	_ =	swait.ge [sflag:s29], $0x3200  }
0x66: {  	[sflag:s29] =	ssyncset.done $0x0  }
0x67: {  	s0 =	sadd.s32 $0x4E20, s24;
	[sflag:s29] =	ssyncadd.s32 $0xFFFFCE00  }
0x68: {  	[spmem:s2] =	stream.indirect.scatter.add.f32 [tilespmem:s28], [sflag:$0x2], $0x40, s0, s26, $0xb8;
	[tilespmem:$0x19E10] =	vst v63  }
0x69: {  	_ =	swait.ge [sflag:s23], $0x3200  }
.Ltmp3:
0x6a: {  	[sflag:s23] =	ssyncset.done $0x0;
	(pc) =	sbr.rel @!p5 .LBB2_3-.Ltmp3, $4  }
0x6b: {  	[sflag:s23] =	ssyncadd.s32 $0xFFFFCE00  }
0x6c: {  	[spmem:s3] =	stream.indirect.scatter.add.f32 [tilespmem:s25], [sflag:$0x2], $0x10, s0, s26, $0xb8;
	[tilespmem:$0x19E10] =	vst v63  }
0x6d: {  	_ =	swait.ge [sflag:s23], $0xC80  }
0x6e: {  	s0 =	smov.u32 s7;
	[sflag:s23] =	ssyncset.done $0x0  }
0x6f: {  	s0 =	sshra.s32 s31, $0x2;
	[sflag:s23] =	ssyncadd.s32 $0xFFFFF380  }
0x70: {  	[tilespmem:s28], [sflag:$0x1] =	stream.indirect.gather [hbm4b:s5+s26], $0x40, s0, s26, $0xb8;
	[tilespmem:$0x19E10] =	vst v63  }
0x71: {  	_ =	swait.ge [sflag:s29], $0x3200  }
0x72: {  	[sflag:s29] =	ssyncset.done $0x0  }
0x73: {  	s0 =	sadd.s32 $0x4E20, s0;
	[sflag:s29] =	ssyncadd.s32 $0xFFFFCE00  }
0x74: {  	[spmem:s2] =	stream.indirect.scatter.add.f32 [tilespmem:s28], [sflag:$0x2], $0x40, s0, s26, $0xb8;
	[tilespmem:$0x19E10] =	vst v63  }
0x75: {  	_ =	swait.ge [sflag:s23], $0x3200  }
0x76: {  	[sflag:s23] =	ssyncset.done $0x0  }
.Ltmp4:
0x77: {  	[sflag:s23] =	ssyncadd.s32 $0xFFFFCE00;
	(pc) =	sbr.rel .LBB2_8-.Ltmp4, $4  }
0x78: {  	[spmem:s3] =	stream.indirect.scatter.add.f32 [tilespmem:s25], [sflag:$0x2], $0x10, s0, s26, $0xb8;
	[tilespmem:$0x19E10] =	vst v63  }
0x79: {  	_ =	swait.ge [sflag:s23], $0xC80  }
0x7a: {  	[sflag:s23] =	ssyncset.done $0x0  }
0x7b: {  	[sflag:s23] =	ssyncadd.s32 $0xFFFFF380  }
.LBB2_5:
0x7c: {  	[tilespmem:s28], [sflag:$0x1] =	stream.indirect.gather [hbm4b:s6+s26], $0x40, s0, s26, $0xb8;
	[tilespmem:$0x19E10] =	vst v63  }
0x7d: {  	_ =	swait.ge [sflag:s29], $0x3200  }
0x7e: {  	[sflag:s29] =	ssyncset.done $0x0  }
0x7f: {  	s24 =	simm.s32 $0x4E20;
	[sflag:s29] =	ssyncadd.s32 $0xFFFFCE00  }
0x80: {  	[spmem:s2] =	stream.indirect.scatter.add.f32 [tilespmem:s28], [sflag:$0x2], $0x40, s24, s26, $0xb8;
	[tilespmem:$0x19E10] =	vst v63  }
0x81: {  	_ =	swait.ge [sflag:s23], $0x3200  }
0x82: {  	s31 =	simm.s32 $0x320;
	s0 =	simm.s32 $0x640;
	[sflag:s23] =	ssyncset.done $0x0  }
.LBB2_6:
0x83: {  	s7 =	sshra.s32 s31, $0x2  }
0x84: {  	[sflag:s23] =	ssyncadd.s32 $0xFFFFCE00;
	s31 =	smov.u32 s0;
	s24 =	sadd.s32 $0x320, s0  }
0x85: {  	[tilespmem:s28], [sflag:$0x1] =	stream.indirect.gather [hbm4b:s6+s26], $0x40, s7, s26, $0xb8;
	[tilespmem:$0x19E10] =	vst v63  }
0x86: {  	p5 =	sne.s32 s0, $0x13560;
	_ =	swait.ge [sflag:s29], $0x3200  }
.Ltmp5:
0x87: {  	[sflag:s29] =	ssyncset.done $0x0;
	(pc) =	sbr.rel @p5 .LBB2_6-.Ltmp5, $4  }
0x88: {  	s0 =	sadd.s32 $0x4E20, s7;
	[sflag:s29] =	ssyncadd.s32 $0xFFFFCE00  }
0x89: {  	[spmem:s2] =	stream.indirect.scatter.add.f32 [tilespmem:s28], [sflag:$0x2], $0x40, s0, s26, $0xb8;
	[tilespmem:$0x19E10] =	vst v63  }
0x8a: {  	_ =	swait.ge [sflag:s23], $0x3200  }
0x8b: {  	s0 =	smov.u32 s24;
	[sflag:s23] =	ssyncset.done $0x0  }
.Ltmp6:
0x8c: {  	_ = 	snop;
	(pc) =	sbr.rel .LBB2_7-.Ltmp6, $1  }
0x8d: {  	_ =	sdelay $0x3  }
.LBB2_9:
0x8e: {  	_ =	sfence.sel $0x180000  }
0x8f: {  	[bflag:$0x0] =	sbarrier.arrive $0xFFFF  }
0x90: {  	_ =	strace $0x90000047  }
0x91: {  	[bflag:$0x2] =	sbarrier.arrive $0xFFFF  }
0x92: {  	p0 =	sne.s32 s1, $0x0;
	s0 =	rddreg [dreg:$0x4]  }
0x93: {  	s0 =	sadd.s32 @!p0 $0x100000, s0  }
0x94: {  	[sflag:s0] =	ssyncadd.tile.s32 @!p0 $0x1;
	_ =	shalt  }
.Lfunc_end2:
_tile_overlayer_lowered:
.L_overlay_start_2:
0x95: {  	(tag) =	ssettag $0x2  }
0x96: {  	s0 =	rddreg [dreg:$0x0];
	s2 =	stileid.u32  }
0x97: {  	s1 =	rddreg [dreg:$0x1];
	p0 =	sne.s32 s2, $0x0  }
0x98: {  	s3 =	rddreg [dreg:$0x2];
	[bflag:$0x3] =	sbarrier.arrive $0xFFFF;
	s2 =	simm.s32 @!p0 $0x1C02  }
0x99: {  	[timem:s3], [sflag:s2] =	dma.local @!p0 [hbm:s0], s1  }
0x9a: {  	s0 =	simm.s32 @!p0 $0x2  }
0x9b: {  	_ =	swait.ge @!p0 [sflag:s0], s1  }
0x9c: {  	s1 =	ssub.s32 @!p0 $0x0, s1;
	[sflag:s0] =	ssyncset.done @!p0 $0x0  }
0x9d: {  	[sflag:s0] =	ssyncadd.s32 @!p0 s1  }
0x9e: {  	[bflag:$0x3] =	sbarrier.arrive $0xFFFF  }
0x9f: {  	_ =	shalt  }

// kernel: kernel.16.cloned.1.call-start
scs
__scs_entry_jumppad:
0x0: {  	(pc) =	sbr.rel $0x88, $3  }
0x1: {  	(tag) =	ssettag $0x0;
	lr =	simm.s32 $0x1  }
0x2: {  	[smem:$0x3F8F] =	sst lr;
	_ =	strace $0xD0000000  }
0x3: {  	_ = 	snop  }
0x4: {  	_ = 	snop  }
0x5: {  	_ = 	snop  }
0x6: {  	_ = 	snop  }
0x7: {  	_ = 	snop  }
__scs_overlays_trampoline_lowered:
0x8: {  	[smem:$0x3F9E] =	sst s0  }
0x9: {  	[smem:$0x3F9F] =	sst s1  }
0xa: {  	[smem:$0x3FA0] =	sst s2  }
0xb: {  	[smem:$0x3FA1] =	sst s3  }
0xc: {  	[smem:$0x3FA2] =	sst s4  }
0xd: {  	[smem:$0x3FA3] =	sst s5  }
0xe: {  	[smem:$0x3FA4] =	sst s6  }
0xf: {  	[smem:$0x3FA5] =	sst s7  }
0x10: {  	[smem:$0x3FA6] =	sst s8  }
0x11: {  	[smem:$0x3FA7] =	sst s9;
	s0 =	simm.s32 @!p0 $0x0  }
0x12: {  	s1 =	sld [smem:$0x3F8D];
	s0 =	simm.s32 @p0 $0x1  }
0x13: {  	[smem:$0x3FA8] =	sst s0;
	s0 =	simm.s32 @!p1 $0x0  }
0x14: {  	s2 =	sld [smem:$0x3F8C];
	s0 =	simm.s32 @p1 $0x1  }
0x15: {  	[smem:$0x3FA9] =	sst s0;
	s0 =	simm.s32 @!p2 $0x0  }
0x16: {  	s3 =	sld [smem:$0x3FDB];
	s0 =	simm.s32 @p2 $0x1  }
0x17: {  	s4 =	simm.s32 $0x1BF5;
	[smem:$0x3FAB] =	sst s0  }
0x18: {  	s0 =	sld [smem:$0x3F8E];
	_ =	swait.ge [sflag:s4], $0x0  }
0x19: {  	s7 =	sld [smem:$0x3F8F]  }
0x1a: {  	s8 =	sadd.s32 $0xFFFFE003, lr  }
0x1b: {  	s9 =	sadd.s32 $0xFFFFFEF7, lr;
	s5 =	simm.s32 $0xFFFFFFFF;
	p2 =	slt.u32 s8, $0xFFFFF086  }
0x1c: {  	p1 =	slt.u32 s9, $0xF7A;
	s5 =	simm.s32 @!p2 $0x0  }
0x1d: {  	s5 =	simm.s32 @p1 $0x1;
	p0 =	seq.s32 s7, s2  }
0x1e: {  	s7 =	smul.u32 @!p0 $0xF7A, s2;
	p2 =	seq.s32 @!p0 s5, $0x0  }
0x1f: {  	s9 =	smul.u32 $0xF7A, s1;
	s8 =	simm.s32 @!p0 $0x1BF5;
	p2 =	por !p2, p0  }
0x20: {  	[sflag:s8] =	ssyncset.s32 @!p0 $0xFFFFF086;
	s6 =	sadd.s32 @!p0 s3, s7;
	s7 =	simm.s32 @!p0 $0x108  }
0x21: {  	s3 =	sadd.s32 s3, s9;
	s6 =	sadd.s32 @!p0 $0x88, s6;
	s7 =	simm.s32 @p2 $0x1082  }
0x22: {  	[simem:s7], [sflag:s8] =	dma.local @!p0 [hbm:s6], $0xF7A  }
0x23: {  	s9 =	sor.u32 $0xD0000000, s2;
	s6 =	simm.s32 $0x108;
	_ =	swait.ge @!p0 [sflag:s8], $0x0  }
0x24: {  	s3 =	sadd.s32 $0x88, s3;
	s6 =	simm.s32 @!p1 $0x1082;
	[sflag:s4] =	ssyncset.s32 $0xFFFFF086  }
0x25: {  	[simem:s6], [sflag:s4] =	dma.local [hbm:s3], $0xF7A  }
0x26: {  	[smem:$0x3F8F] =	sst s1;
	(tag) =	ssettag s2;
	_ =	strace s9  }
0x27: {  	s1 =	sld [smem:$0x3F9F]  }
0x28: {  	s2 =	sld [smem:$0x3FA0]  }
0x29: {  	s4 =	sld [smem:$0x3FA2]  }
0x2a: {  	p0 =	seq.s32 s5, $0x0;
	s5 =	sld [smem:$0x3FA3]  }
0x2b: {  	s6 =	sld [smem:$0x3FA4]  }
0x2c: {  	s7 =	sld [smem:$0x3FA5]  }
0x2d: {  	s3 =	simm.s32 $0x108;
	s8 =	sld [smem:$0x3FA6]  }
0x2e: {  	s3 =	simm.s32 @!p0 $0x1082;
	s9 =	sld [smem:$0x3FA7]  }
0x2f: {  	lr =	sadd.s32 s0, s3;
	s0 =	sld [smem:$0x3F9E]  }
0x30: {  	s3 =	sld [smem:$0x3FA1]  }
0x31: {  	[smem:$0x3FAA] =	sst s10  }
0x32: {  	s10 =	sld [smem:$0x3FA8];
	_ =	sdelay $0x3  }
0x33: {  	p0 =	seq.s32 s10, $0x1;
	s10 =	sld [smem:$0x3FAA];
	_ =	sdelay $0x3  }
0x34: {  	[smem:$0x3FAA] =	sst s10  }
0x35: {  	s10 =	sld [smem:$0x3FA9];
	_ =	sdelay $0x3  }
0x36: {  	p1 =	seq.s32 s10, $0x1;
	s10 =	sld [smem:$0x3FAA];
	_ =	sdelay $0x3  }
0x37: {  	[smem:$0x3FAA] =	sst s10  }
0x38: {  	s10 =	sld [smem:$0x3FAB]  }
0x39: {  	_ = 	snop;
	(pc) =	sbr.ind lr, $3  }
0x3a: {  	_ = 	snop  }
0x3b: {  	_ = 	snop  }
0x3c: {  	p2 =	seq.s32 s10, $0x1;
	s10 =	sld [smem:$0x3FAA]  }
0x3d: {  	_ =	shalt  }
0x3e: {  	_ =	shalt  }
0x3f: {  	_ =	shalt  }
0x40: {  	_ =	shalt  }
0x41: {  	_ =	shalt  }
0x42: {  	_ =	shalt  }
0x43: {  	_ =	shalt  }
0x44: {  	_ =	shalt  }
0x45: {  	_ =	shalt  }
0x46: {  	_ =	shalt  }
0x47: {  	_ =	shalt  }
0x48: {  	_ =	shalt  }
0x49: {  	_ =	shalt  }
0x4a: {  	_ =	shalt  }
0x4b: {  	_ =	shalt  }
0x4c: {  	_ =	shalt  }
0x4d: {  	_ =	shalt  }
0x4e: {  	_ =	shalt  }
0x4f: {  	_ =	shalt  }
0x50: {  	_ =	shalt  }
0x51: {  	_ =	shalt  }
0x52: {  	_ =	shalt  }
0x53: {  	_ =	shalt  }
0x54: {  	_ =	shalt  }
0x55: {  	_ =	shalt  }
0x56: {  	_ =	shalt  }
0x57: {  	_ =	shalt  }
0x58: {  	_ =	shalt  }
0x59: {  	_ =	shalt  }
0x5a: {  	_ =	shalt  }
0x5b: {  	_ =	shalt  }
0x5c: {  	_ =	shalt  }
0x5d: {  	_ =	shalt  }
0x5e: {  	_ =	shalt  }
0x5f: {  	_ =	shalt  }
0x60: {  	_ =	shalt  }
0x61: {  	_ =	shalt  }
0x62: {  	_ =	shalt  }
0x63: {  	_ =	shalt  }
0x64: {  	_ =	shalt  }
0x65: {  	_ =	shalt  }
0x66: {  	_ =	shalt  }
0x67: {  	_ =	shalt  }
0x68: {  	_ =	shalt  }
0x69: {  	_ =	shalt  }
0x6a: {  	_ =	shalt  }
0x6b: {  	_ =	shalt  }
0x6c: {  	_ =	shalt  }
0x6d: {  	_ =	shalt  }
0x6e: {  	_ =	shalt  }
0x6f: {  	_ =	shalt  }
0x70: {  	_ =	shalt  }
0x71: {  	_ =	shalt  }
0x72: {  	_ =	shalt  }
0x73: {  	_ =	shalt  }
0x74: {  	_ =	shalt  }
0x75: {  	_ =	shalt  }
0x76: {  	_ =	shalt  }
0x77: {  	_ =	shalt  }
0x78: {  	_ =	shalt  }
0x79: {  	_ =	shalt  }
0x7a: {  	_ =	shalt  }
0x7b: {  	_ =	shalt  }
0x7c: {  	_ =	shalt  }
0x7d: {  	_ =	shalt  }
0x7e: {  	_ =	shalt  }
0x7f: {  	_ =	shalt  }
0x80: {  	_ =	shalt  }
0x81: {  	_ =	shalt  }
0x82: {  	_ =	shalt  }
0x83: {  	_ =	shalt  }
0x84: {  	_ =	shalt  }
0x85: {  	_ =	shalt  }
0x86: {  	_ =	shalt  }
0x87: {  	_ =	shalt  }
.Lfunc_end0:
.L_simem_size_0:
called_computation.1_lowered:
.L_overlay_start_0:
0x88: {  	s2 =	sld [smem:$0x3FD9]  }
0x89: {  	s3 =	sld [smem:$0x3FFE];
	_ =	sdelay $0x1  }
0x8a: {  	s1 =	srdreg.scid  }
0x8b: {  	s0 =	sand.u32 $0x1, s1  }
0x8c: {  	s16 =	sshll.u32 s0, $0xA;
	s2 =	sadd.s32 s3, s2  }
0x8d: {  	s2 =	sadd.s32 s2, s16  }
0x8e: {  	[smem:$0x3FB6] =	sst s2  }
0x8f: {  	_ = 	snop  }
0x90: {  	(tm) =	ssettm $0x1  }
0x91: {  	s17 =	sld [smem:$0x3FFB];
	_ =	sdelay $0x3  }
0x92: {  	_ =	strace s17  }
0x93: {  	s2 =	sld [smem:$0x3FFC];
	_ =	sdelay $0x3  }
0x94: {  	_ =	strace s2  }
0x95: {  	s2 =	sld [smem:$0x3FFD];
	_ =	sdelay $0x3  }
0x96: {  	_ =	strace s2  }
0x97: {  	_ =	strace $0x8FFFFFFF  }
0x98: {  	s18 =	sld [smem:$0x3FDB];
	_ =	sdelay $0x1  }
0x99: {  	s19 =	simm.s32 $_scs_section_size  }
0x9a: {  	s4 =	simm.s32 $_size__tile_overlayer_lowered;
	s5 =	simm.s32 $_tile_overlayer_lowered  }
0x9b: {  	s22 =	simm.s32 $0x1BFF;
	s21 =	sshll.u32 s5, $0x1;
	s2 =	sadd.s32 s19, s18  }
0x9c: {  	s6 =	simm.s32 $0x0;
	s20 =	sshll.u32 s4, $0x1;
	s4 =	sadd.s32 s21, s2  }
0x9d: {  	[timem:s6], [sflag:s22] =	dma.local [hbm:s4], s20  }
0x9e: {  	_ =	swait.ge [sflag:s22], s20  }
0x9f: {  	s3 =	ssub.s32 $0x0, s20;
	[sflag:s22] =	ssyncset.done $0x0  }
0xa0: {  	[sflag:s22] =	ssyncadd.s32 s3;
	_ =	sdelay $0x1  }
0xa1: {  	s23 =	simm.s32 $0x1B8B  }
0xa2: {  	_ =	swait.ge [sflag:s23], $0x1  }
0xa3: {  	[sflag:s23] =	ssyncset.done $0x0  }
0xa4: {  	s25 =	simm.s32 $0x1B8E;
	s24 =	sld [smem:$0x3FFE];
	[sflag:s23] =	ssyncadd.s32 $0xFFFFFFFF  }
0xa5: {  	s26 =	simm.s32 $execute0_lowered;
	[smem:$0x3FD2] =	sst s25  }
0xa6: {  	s4 =	sshll.u32 s26, $0x1;
	_ =	strace $0x80000049;
	[dreg:$0x1] =	wrdreg $0xFFFFFFFF  }
0xa7: {  	s28 =	simm.s32 $_size_execute0_lowered;
	s2 =	sadd.s32 s2, s4;
	[dreg:$0x0] =	wrdreg $0x0  }
0xa8: {  	s4 =	sshll.u32 s28, $0x1;
	[dreg:$0x2] =	wrdreg s2  }
0xa9: {  	[dreg:$0x3] =	wrdreg s4  }
0xaa: {  	[dreg:$0x4] =	wrdreg $0xC0  }
0xab: {  	_ =	task [dreg:s6], $0x5FFFF  }
0xac: {  	[dreg:$0x1] =	wrdreg $0xFFFFFFFF  }
0xad: {  	[dreg:$0x0] =	wrdreg $0x60  }
0xae: {  	[dreg:$0x2] =	wrdreg s24  }
0xaf: {  	[dreg:$0x3] =	wrdreg $0x116200  }
0xb0: {  	[dreg:$0x4] =	wrdreg $0x9  }
0xb1: {  	_ =	task.clear_ibuf [dreg:s6], $0x5FFFF;
	_ =	strace $0x90000049  }
0xb2: {  	s29 =	simm.s32 $0x9;
	_ =	strace $0x8000004B  }
0xb3: {  	_ =	swait.ge [sflag:s29], $0x1  }
0xb4: {  	[sflag:s29] =	ssyncadd.s32 $0xFFFFFFFF  }
0xb5: {  	_ =	strace $0x9000004B  }
0xb6: {  	_ =	sfence  }
0xb7: {  	s30 =	sld [smem:$0x0];
	_ =	sdelay $0x2  }
0xb8: {  	s31 =	sshll.u32 s1, $0xD;
	s1 =	sshrl.u32 s1, $0x2  }
0xb9: {  	s3 =	sand.u32 $0x4000, s31;
	s1 =	sadd.s32 s1, s30  }
0xba: {  	s0 =	sor.u32 s3, s0;
	s1 =	sshll.u32 s1, $0x11  }
0xbb: {  	s0 =	sor.u32 s1, s0  }
0xbc: {  	s0 =	sadd.s32 $0x8F2B, s0  }
0xbd: {  	[sflag:s0] =	ssyncadd.remote.s32 $0x1  }
0xbe: {  	_ =	sfence.sel $0xFFFF  }
0xbf: {  	[dreg:$0x0] =	wrdreg $0xFFFFFFFF;
	(pc) =	sbr.abs _section_cstart, $3  }
0xc0: {  	[dreg:$0x1] =	wrdreg $0xFFFFFFFF  }
0xc1: {  	_ =	task.clear_ibuf [dreg:s6], $0x2FFFF;
	_ =	strace $0x9FFFFFFF  }
0xc2: {  	(tm) =	ssettm $0x7FFFFFFF  }
0xc3: {  	_ =	shalt  }
tec
execute0_lowered:
.L_overlay_start_1:
0x0: {  	(tag) =	ssettag $0x1  }
0x1: {  	s9 =	rddreg [dreg:$0x0];
	s1 =	srdreg.scid  }
0x2: {  	s0 =	stileid.u32;
	s2 =	rddreg [dreg:$0x1]  }
0x3: {  	s3 =	simm.s32 $0x0;
	s20 =	simm.s32 $0x190;
	s21 =	simm.s32 $0x4E20  }
0x4: {  	s22 =	simm.s32 $0x1;
	s23 =	simm.s32 $0xB220;
	s24 =	simm.s32 $0x0  }
0x5: {  	s10 =	sand.u32 $0x1, s1;
	s4 =	sshll.u32 s0, $0x1;
	s1 =	rddreg [dreg:$0x2]  }
0x6: {  	[smem:$0x7FF] =	sst s3;
	s11 =	smul.u32 $0x9E00, s0;
	s5 =	sadd.s32 $0x3F800, s9  }
0x7: {  	s8 =	smul.u32 $0x27100, s0;
	s16 =	sadd.s32 $0x7A800, s9;
	s17 =	sadd.s32 $0x94200, s2  }
0x8: {  	p0 =	seq.s32 s0, $0xF;
	s4 =	sor.u32 s10, s4;
	s28 =	smul.u32 $0x9C400, s10  }
0x9: {  	_ =	strace $0x8000004A;
	s12 =	ssub.s32 $0x2, s10;
	s29 =	smul.u32 $0x13880, s10  }
0xa: {  	s18 =	sshll.u32 @!p0 s0, $0x6;
	s17 =	sshrl.u32 @p0 s17, $0x3;
	s6 =	smul.u32 $0x2710, s4  }
0xb: {  	s4 =	sadd.s32 $0x2BE00, s9;
	s7 =	sshrl.u32 s11, $0x3;
	s26 =	sshrl.u32 s12, $0x1  }
0xc: {  	s15 =	sadd.s32 s8, s9;
	s19 =	sadd.s32 s11, s2;
	s18 =	sor.u32 @!p0 $0x1C02, s18  }
0xd: {  	s14 =	sadd.s32 s7, s9;
	s12 =	ssub.s32 s12, s26;
	s11 =	sadd.s32 s11, s28  }
0xe: {  	s19 =	sshrl.u32 @!p0 s19, $0x3;
	s6 =	sshrl.u32 s6, $0x3;
	s8 =	sadd.s32 $0x66E00, s14  }
0xf: {  	s30 =	sshrl.u32 s11, $0x3;
	s14 =	sadd.s32 s29, s15;
	s12 =	smax.u32 s12, $0x1  }
0x10: {  	s15 =	simm.s32 $0x2;
	s13 =	sadd.s32 s6, s9;
	s9 =	sadd.s32 $0x79640, s9  }
0x11: {  	s6 =	sadd.s32 $0x5D000, s13;
	s7 =	sadd.s32 $0x53200, s13;
	s13 =	sshrl.u32 s28, $0x3  }
0x12: {  	s10 =	sadd.s32 s16, s30;
	s31 =	sadd.s32 s16, s13;
	s13 =	sadd.s32 $0x312A00, s14  }
0x13: {  	s14 =	sadd.s32 $0xA1A00, s14;
	s16 =	simm.s32 $0x2710;
	s11 =	sadd.s32 $0x12840, s31  }
.LBB2_1:
0x14: {  	[tilespmem:s3], [sflag:$0x2] =	stream.linear.gather [hbm4b:s6+s3], $0x2710, $0x38;
	[tilespmem:$0x1B260] =	vst v63  }
0x15: {  	_ =	swait.ge [sflag:s15], $0x2710  }
0x16: {  	[sflag:s15] =	ssyncset.done $0x0  }
0x17: {  	[sflag:s15] =	ssyncadd.s32 $0xFFFFD8F0  }
0x18: {  	[tilespmem:s16], [sflag:$0x2] =	stream.linear.gather [hbm4b:s7+s3], $0x2710, $0x38;
	[tilespmem:$0x1B260] =	vst v63  }
0x19: {  	_ =	swait.ge [sflag:s15], $0x2710  }
0x1a: {  	[sflag:s15] =	ssyncset.done $0x0  }
0x1b: {  	s25 =	simm.s32 @p0 $0x1FC2;
	[sflag:s15] =	ssyncadd.s32 $0xFFFFD8F0  }
0x1c: {  	[spmem:s17], [sflag:s25] =	dma.local @p0 [hbm:s9], $0x1040  }
0x1d: {  	s25 =	simm.s32 @p0 $0x2  }
0x1e: {  	_ =	swait.ge @p0 [sflag:s25], $0x1040  }
0x1f: {  	[sflag:s25] =	ssyncset.done @p0 $0x0  }
0x20: {  	[sflag:s25] =	ssyncadd.s32 @p0 $0xFFFFEFC0;
	s25 =	simm.s32 @!p0 $0x2  }
0x21: {  	[spmem:s19], [sflag:s18] =	dma.local @!p0 [hbm:s8], $0x13C0  }
0x22: {  	_ =	swait.ge @!p0 [sflag:s25], $0x13C0  }
0x23: {  	[sflag:s25] =	ssyncset.done @!p0 $0x0  }
0x24: {  	[sflag:s25] =	ssyncadd.s32 @!p0 $0xFFFFEC40  }
0x25: {  	s31 =	simm.s32 $0x0;
	[bflag:$0x0] =	sbarrier.arrive $0xFFFF  }
0x26: {  	[tilespmem:s21], [sflag:$0x1] =	stream.indirect.gather [hbm4b:s4+s20], $0x40, s31, s20, $0xb8;
	[tilespmem:$0x1B260] =	vst v63  }
0x27: {  	_ =	swait.ge [sflag:s22], $0x6400  }
0x28: {  	[sflag:s22] =	ssyncset.done $0x0  }
0x29: {  	[sflag:s22] =	ssyncadd.s32 $0xFFFF9C00  }
0x2a: {  	[hbm4b:s14+s3] =	stream.linear.scatter [tilespmem:s21], [sflag:$0x2], $0x6400, $0x38;
	[tilespmem:$0x1B260] =	vst v63  }
0x2b: {  	_ =	swait.ge [sflag:s15], $0x6400  }
0x2c: {  	[sflag:s15] =	ssyncset.done $0x0  }
0x2d: {  	s26 =	simm.s32 $0x2710;
	[sflag:s15] =	ssyncadd.s32 $0xFFFF9C00  }
0x2e: {  	[tilespmem:s21], [sflag:$0x1] =	stream.indirect.gather [hbm4b:s4+s20], $0x40, s26, s20, $0xb8;
	[tilespmem:$0x1B260] =	vst v63  }
0x2f: {  	_ =	swait.ge [sflag:s22], $0x6400  }
0x30: {  	[sflag:s22] =	ssyncset.done $0x0  }
0x31: {  	[sflag:s22] =	ssyncadd.s32 $0xFFFF9C00  }
0x32: {  	[hbm4b:s13+s3] =	stream.linear.scatter [tilespmem:s21], [sflag:$0x2], $0x6400, $0x38;
	[tilespmem:$0x1B260] =	vst v63  }
0x33: {  	_ =	swait.ge [sflag:s15], $0x6400  }
0x34: {  	[sflag:s15] =	ssyncset.done $0x0  }
0x35: {  	[sflag:s15] =	ssyncadd.s32 $0xFFFF9C00  }
0x36: {  	[tilespmem:s23], [sflag:$0x1] =	stream.indirect.gather [hbm4b:s5+s20], $0x40, s31, s20, $0xb8;
	[tilespmem:$0x1B260] =	vst v63  }
0x37: {  	_ =	swait.ge [sflag:s22], $0x6400  }
0x38: {  	[sflag:s22] =	ssyncset.done $0x0  }
0x39: {  	[sflag:s22] =	ssyncadd.s32 $0xFFFF9C00  }
0x3a: {  	[spmem:s2] =	stream.indirect.scatter.add.f32 [tilespmem:s23], [sflag:$0x2], $0x40, s26, s20, $0xb8;
	[tilespmem:$0x1B260] =	vst v63  }
0x3b: {  	s28 =	simm.s32 $0x640;
	s29 =	simm.s32 $0xC80;
	_ =	swait.ge [sflag:s15], $0x6400  }
0x3c: {  	s25 =	sadd.s32 $0xC80, s13;
	s26 =	sadd.s32 $0xC80, s14;
	[sflag:s15] =	ssyncset.done $0x0  }
.LBB2_2:
0x3d: {  	s30 =	sshra.s32 s28, $0x2  }
0x3e: {  	[sflag:s15] =	ssyncadd.s32 $0xFFFF9C00;
	s28 =	smov.u32 s29;
	s31 =	sadd.s32 $0x640, s29  }
0x3f: {  	[tilespmem:s21], [sflag:$0x1] =	stream.indirect.gather [hbm4b:s4+s20], $0x40, s30, s20, $0xb8;
	[tilespmem:$0x1B260] =	vst v63  }
0x40: {  	p1 =	sne.s32 s29, $0x9600;
	_ =	swait.ge [sflag:s22], $0x6400  }
0x41: {  	[sflag:s22] =	ssyncset.done $0x0  }
0x42: {  	[sflag:s22] =	ssyncadd.s32 $0xFFFF9C00  }
0x43: {  	[hbm4b:s26+s3] =	stream.linear.scatter [tilespmem:s21], [sflag:$0x2], $0x6400, $0x38;
	[tilespmem:$0x1B260] =	vst v63  }
0x44: {  	_ =	swait.ge [sflag:s15], $0x6400  }
0x45: {  	[sflag:s15] =	ssyncset.done $0x0  }
0x46: {  	s29 =	sadd.s32 $0x2710, s30;
	[sflag:s15] =	ssyncadd.s32 $0xFFFF9C00  }
0x47: {  	[tilespmem:s21], [sflag:$0x1] =	stream.indirect.gather [hbm4b:s4+s20], $0x40, s29, s20, $0xb8;
	[tilespmem:$0x1B260] =	vst v63  }
0x48: {  	_ =	swait.ge [sflag:s22], $0x6400  }
0x49: {  	[sflag:s22] =	ssyncset.done $0x0  }
0x4a: {  	[sflag:s22] =	ssyncadd.s32 $0xFFFF9C00  }
0x4b: {  	[hbm4b:s25+s3] =	stream.linear.scatter [tilespmem:s21], [sflag:$0x2], $0x6400, $0x38;
	[tilespmem:$0x1B260] =	vst v63  }
0x4c: {  	_ =	swait.ge [sflag:s15], $0x6400  }
0x4d: {  	[sflag:s15] =	ssyncset.done $0x0  }
0x4e: {  	[sflag:s15] =	ssyncadd.s32 $0xFFFF9C00  }
0x4f: {  	[tilespmem:s23], [sflag:$0x1] =	stream.indirect.gather [hbm4b:s5+s20], $0x40, s30, s20, $0xb8;
	[tilespmem:$0x1B260] =	vst v63  }
0x50: {  	_ =	swait.ge [sflag:s22], $0x6400  }
.Ltmp0:
0x51: {  	[sflag:s22] =	ssyncset.done $0x0;
	(pc) =	sbr.rel @p1 .LBB2_2-.Ltmp0, $4  }
0x52: {  	[sflag:s22] =	ssyncadd.s32 $0xFFFF9C00  }
0x53: {  	[spmem:s2] =	stream.indirect.scatter.add.f32 [tilespmem:s23], [sflag:$0x2], $0x40, s29, s20, $0xb8;
	[tilespmem:$0x1B260] =	vst v63  }
0x54: {  	s26 =	sadd.s32 $0xC80, s26;
	_ =	swait.ge [sflag:s15], $0x6400  }
0x55: {  	s25 =	sadd.s32 $0xC80, s25;
	s29 =	smov.u32 s31;
	[sflag:s15] =	ssyncset.done $0x0  }
0x56: {  	s28 =	sshra.s32 s28, $0x2;
	[sflag:s15] =	ssyncadd.s32 $0xFFFF9C00  }
0x57: {  	[tilespmem:s21], [sflag:$0x1] =	stream.indirect.gather [hbm4b:s4+s20], $0x40, s28, s20, $0xb8;
	[tilespmem:$0x1B260] =	vst v63  }
0x58: {  	_ =	swait.ge [sflag:s22], $0x6400  }
0x59: {  	[sflag:s22] =	ssyncset.done $0x0  }
0x5a: {  	[sflag:s22] =	ssyncadd.s32 $0xFFFF9C00  }
0x5b: {  	[hbm4b:s26+s3] =	stream.linear.scatter [tilespmem:s21], [sflag:$0x2], $0x6400, $0x38;
	[tilespmem:$0x1B260] =	vst v63  }
0x5c: {  	_ =	swait.ge [sflag:s15], $0x6400  }
0x5d: {  	[sflag:s15] =	ssyncset.done $0x0  }
0x5e: {  	s31 =	sadd.s32 $0x2710, s28;
	[sflag:s15] =	ssyncadd.s32 $0xFFFF9C00  }
0x5f: {  	[tilespmem:s21], [sflag:$0x1] =	stream.indirect.gather [hbm4b:s4+s20], $0x40, s31, s20, $0xb8;
	[tilespmem:$0x1B260] =	vst v63  }
0x60: {  	_ =	swait.ge [sflag:s22], $0x6400  }
0x61: {  	[sflag:s22] =	ssyncset.done $0x0  }
0x62: {  	[sflag:s22] =	ssyncadd.s32 $0xFFFF9C00  }
0x63: {  	[hbm4b:s25+s3] =	stream.linear.scatter [tilespmem:s21], [sflag:$0x2], $0x6400, $0x38;
	[tilespmem:$0x1B260] =	vst v63  }
0x64: {  	_ =	swait.ge [sflag:s15], $0x6400  }
0x65: {  	[sflag:s15] =	ssyncset.done $0x0  }
0x66: {  	[sflag:s15] =	ssyncadd.s32 $0xFFFF9C00  }
0x67: {  	[tilespmem:s23], [sflag:$0x1] =	stream.indirect.gather [hbm4b:s5+s20], $0x40, s28, s20, $0xb8;
	[tilespmem:$0x1B260] =	vst v63  }
0x68: {  	_ =	swait.ge [sflag:s22], $0x6400  }
0x69: {  	[sflag:s22] =	ssyncset.done $0x0  }
0x6a: {  	[sflag:s22] =	ssyncadd.s32 $0xFFFF9C00  }
0x6b: {  	[spmem:s2] =	stream.indirect.scatter.add.f32 [tilespmem:s23], [sflag:$0x2], $0x40, s31, s20, $0xb8;
	[tilespmem:$0x1B260] =	vst v63  }
0x6c: {  	_ =	swait.ge [sflag:s15], $0x6400  }
0x6d: {  	[sflag:s15] =	ssyncset.done $0x0  }
0x6e: {  	[sflag:s15] =	ssyncadd.s32 $0xFFFF9C00  }
0x6f: {  	s25 =	simm.s32 @p0 $0x1FC2;
	[bflag:$0x0] =	sbarrier.arrive $0xFFFF  }
0x70: {  	[hbm:s11], [sflag:s25] =	dma.local @p0 [spmem:s17], $0x1040  }
0x71: {  	s25 =	simm.s32 @p0 $0x2  }
0x72: {  	s24 =	sadd.s32 $0x1, s24;
	_ =	swait.ge @p0 [sflag:s25], $0x1040  }
0x73: {  	p1 =	sne.s32 s24, s12;
	[sflag:s25] =	ssyncset.done @p0 $0x0  }
.Ltmp1:
0x74: {  	[sflag:s25] =	ssyncadd.s32 @p0 $0xFFFFEFC0;
	s25 =	simm.s32 @!p0 $0x2;
	(pc) =	sbr.rel @p1 .LBB2_1-.Ltmp1, $4  }
0x75: {  	[hbm:s10], [sflag:s18] =	dma.local @!p0 [spmem:s19], $0x13C0  }
0x76: {  	_ =	swait.ge @!p0 [sflag:s25], $0x13C0  }
0x77: {  	[sflag:s25] =	ssyncset.done @!p0 $0x0  }
0x78: {  	[sflag:s25] =	ssyncadd.s32 @!p0 $0xFFFFEC40  }
0x79: {  	_ =	sfence.sel $0x180000  }
0x7a: {  	[bflag:$0x0] =	sbarrier.arrive $0xFFFF  }
0x7b: {  	p0 =	sne.s32 s0, $0x0;
	_ =	strace $0x9000004A  }
0x7c: {  	s0 =	sadd.s32 @!p0 $0x100000, s1;
	[bflag:$0x2] =	sbarrier.arrive $0xFFFF  }
0x7d: {  	[sflag:s0] =	ssyncadd.tile.s32 @!p0 $0x1;
	_ =	shalt  }
.Lfunc_end2:
_tile_overlayer_lowered:
.L_overlay_start_2:
0x7e: {  	(tag) =	ssettag $0x2  }
0x7f: {  	s0 =	rddreg [dreg:$0x0];
	s2 =	stileid.u32  }
0x80: {  	s1 =	rddreg [dreg:$0x1];
	p0 =	sne.s32 s2, $0x0  }
0x81: {  	s3 =	rddreg [dreg:$0x2];
	[bflag:$0x3] =	sbarrier.arrive $0xFFFF;
	s2 =	simm.s32 @!p0 $0x1C02  }
0x82: {  	[timem:s3], [sflag:s2] =	dma.local @!p0 [hbm:s0], s1  }
0x83: {  	s0 =	simm.s32 @!p0 $0x2  }
0x84: {  	_ =	swait.ge @!p0 [sflag:s0], s1  }
0x85: {  	s1 =	ssub.s32 @!p0 $0x0, s1;
	[sflag:s0] =	ssyncset.done @!p0 $0x0  }
0x86: {  	[sflag:s0] =	ssyncadd.s32 @!p0 s1  }
0x87: {  	[bflag:$0x3] =	sbarrier.arrive $0xFFFF  }
0x88: {  	_ =	shalt  }

// kernel: kernel.19.cloned.1.call-start
scs
__scs_entry_jumppad:
0x0: {  	(pc) =	sbr.rel $0x88, $3  }
0x1: {  	(tag) =	ssettag $0x0;
	lr =	simm.s32 $0x1  }
0x2: {  	[smem:$0x3F8F] =	sst lr;
	_ =	strace $0xD0000000  }
0x3: {  	_ = 	snop  }
0x4: {  	_ = 	snop  }
0x5: {  	_ = 	snop  }
0x6: {  	_ = 	snop  }
0x7: {  	_ = 	snop  }
__scs_overlays_trampoline_lowered:
0x8: {  	[smem:$0x3F9E] =	sst s0  }
0x9: {  	[smem:$0x3F9F] =	sst s1  }
0xa: {  	[smem:$0x3FA0] =	sst s2  }
0xb: {  	[smem:$0x3FA1] =	sst s3  }
0xc: {  	[smem:$0x3FA2] =	sst s4  }
0xd: {  	[smem:$0x3FA3] =	sst s5  }
0xe: {  	[smem:$0x3FA4] =	sst s6  }
0xf: {  	[smem:$0x3FA5] =	sst s7  }
0x10: {  	[smem:$0x3FA6] =	sst s8  }
0x11: {  	[smem:$0x3FA7] =	sst s9;
	s0 =	simm.s32 @!p0 $0x0  }
0x12: {  	s1 =	sld [smem:$0x3F8D];
	s0 =	simm.s32 @p0 $0x1  }
0x13: {  	[smem:$0x3FA8] =	sst s0;
	s0 =	simm.s32 @!p1 $0x0  }
0x14: {  	s2 =	sld [smem:$0x3F8C];
	s0 =	simm.s32 @p1 $0x1  }
0x15: {  	[smem:$0x3FA9] =	sst s0;
	s0 =	simm.s32 @!p2 $0x0  }
0x16: {  	s3 =	sld [smem:$0x3FDB];
	s0 =	simm.s32 @p2 $0x1  }
0x17: {  	s4 =	simm.s32 $0x1BF5;
	[smem:$0x3FAB] =	sst s0  }
0x18: {  	s0 =	sld [smem:$0x3F8E];
	_ =	swait.ge [sflag:s4], $0x0  }
0x19: {  	s7 =	sld [smem:$0x3F8F]  }
0x1a: {  	s8 =	sadd.s32 $0xFFFFE003, lr  }
0x1b: {  	s9 =	sadd.s32 $0xFFFFFEF7, lr;
	s5 =	simm.s32 $0xFFFFFFFF;
	p2 =	slt.u32 s8, $0xFFFFF086  }
0x1c: {  	p1 =	slt.u32 s9, $0xF7A;
	s5 =	simm.s32 @!p2 $0x0  }
0x1d: {  	s5 =	simm.s32 @p1 $0x1;
	p0 =	seq.s32 s7, s2  }
0x1e: {  	s7 =	smul.u32 @!p0 $0xF7A, s2;
	p2 =	seq.s32 @!p0 s5, $0x0  }
0x1f: {  	s9 =	smul.u32 $0xF7A, s1;
	s8 =	simm.s32 @!p0 $0x1BF5;
	p2 =	por !p2, p0  }
0x20: {  	[sflag:s8] =	ssyncset.s32 @!p0 $0xFFFFF086;
	s6 =	sadd.s32 @!p0 s3, s7;
	s7 =	simm.s32 @!p0 $0x108  }
0x21: {  	s3 =	sadd.s32 s3, s9;
	s6 =	sadd.s32 @!p0 $0x88, s6;
	s7 =	simm.s32 @p2 $0x1082  }
0x22: {  	[simem:s7], [sflag:s8] =	dma.local @!p0 [hbm:s6], $0xF7A  }
0x23: {  	s9 =	sor.u32 $0xD0000000, s2;
	s6 =	simm.s32 $0x108;
	_ =	swait.ge @!p0 [sflag:s8], $0x0  }
0x24: {  	s3 =	sadd.s32 $0x88, s3;
	s6 =	simm.s32 @!p1 $0x1082;
	[sflag:s4] =	ssyncset.s32 $0xFFFFF086  }
0x25: {  	[simem:s6], [sflag:s4] =	dma.local [hbm:s3], $0xF7A  }
0x26: {  	[smem:$0x3F8F] =	sst s1;
	(tag) =	ssettag s2;
	_ =	strace s9  }
0x27: {  	s1 =	sld [smem:$0x3F9F]  }
0x28: {  	s2 =	sld [smem:$0x3FA0]  }
0x29: {  	s4 =	sld [smem:$0x3FA2]  }
0x2a: {  	p0 =	seq.s32 s5, $0x0;
	s5 =	sld [smem:$0x3FA3]  }
0x2b: {  	s6 =	sld [smem:$0x3FA4]  }
0x2c: {  	s7 =	sld [smem:$0x3FA5]  }
0x2d: {  	s3 =	simm.s32 $0x108;
	s8 =	sld [smem:$0x3FA6]  }
0x2e: {  	s3 =	simm.s32 @!p0 $0x1082;
	s9 =	sld [smem:$0x3FA7]  }
0x2f: {  	lr =	sadd.s32 s0, s3;
	s0 =	sld [smem:$0x3F9E]  }
0x30: {  	s3 =	sld [smem:$0x3FA1]  }
0x31: {  	[smem:$0x3FAA] =	sst s10  }
0x32: {  	s10 =	sld [smem:$0x3FA8];
	_ =	sdelay $0x3  }
0x33: {  	p0 =	seq.s32 s10, $0x1;
	s10 =	sld [smem:$0x3FAA];
	_ =	sdelay $0x3  }
0x34: {  	[smem:$0x3FAA] =	sst s10  }
0x35: {  	s10 =	sld [smem:$0x3FA9];
	_ =	sdelay $0x3  }
0x36: {  	p1 =	seq.s32 s10, $0x1;
	s10 =	sld [smem:$0x3FAA];
	_ =	sdelay $0x3  }
0x37: {  	[smem:$0x3FAA] =	sst s10  }
0x38: {  	s10 =	sld [smem:$0x3FAB]  }
0x39: {  	_ = 	snop;
	(pc) =	sbr.ind lr, $3  }
0x3a: {  	_ = 	snop  }
0x3b: {  	_ = 	snop  }
0x3c: {  	p2 =	seq.s32 s10, $0x1;
	s10 =	sld [smem:$0x3FAA]  }
0x3d: {  	_ =	shalt  }
0x3e: {  	_ =	shalt  }
0x3f: {  	_ =	shalt  }
0x40: {  	_ =	shalt  }
0x41: {  	_ =	shalt  }
0x42: {  	_ =	shalt  }
0x43: {  	_ =	shalt  }
0x44: {  	_ =	shalt  }
0x45: {  	_ =	shalt  }
0x46: {  	_ =	shalt  }
0x47: {  	_ =	shalt  }
0x48: {  	_ =	shalt  }
0x49: {  	_ =	shalt  }
0x4a: {  	_ =	shalt  }
0x4b: {  	_ =	shalt  }
0x4c: {  	_ =	shalt  }
0x4d: {  	_ =	shalt  }
0x4e: {  	_ =	shalt  }
0x4f: {  	_ =	shalt  }
0x50: {  	_ =	shalt  }
0x51: {  	_ =	shalt  }
0x52: {  	_ =	shalt  }
0x53: {  	_ =	shalt  }
0x54: {  	_ =	shalt  }
0x55: {  	_ =	shalt  }
0x56: {  	_ =	shalt  }
0x57: {  	_ =	shalt  }
0x58: {  	_ =	shalt  }
0x59: {  	_ =	shalt  }
0x5a: {  	_ =	shalt  }
0x5b: {  	_ =	shalt  }
0x5c: {  	_ =	shalt  }
0x5d: {  	_ =	shalt  }
0x5e: {  	_ =	shalt  }
0x5f: {  	_ =	shalt  }
0x60: {  	_ =	shalt  }
0x61: {  	_ =	shalt  }
0x62: {  	_ =	shalt  }
0x63: {  	_ =	shalt  }
0x64: {  	_ =	shalt  }
0x65: {  	_ =	shalt  }
0x66: {  	_ =	shalt  }
0x67: {  	_ =	shalt  }
0x68: {  	_ =	shalt  }
0x69: {  	_ =	shalt  }
0x6a: {  	_ =	shalt  }
0x6b: {  	_ =	shalt  }
0x6c: {  	_ =	shalt  }
0x6d: {  	_ =	shalt  }
0x6e: {  	_ =	shalt  }
0x6f: {  	_ =	shalt  }
0x70: {  	_ =	shalt  }
0x71: {  	_ =	shalt  }
0x72: {  	_ =	shalt  }
0x73: {  	_ =	shalt  }
0x74: {  	_ =	shalt  }
0x75: {  	_ =	shalt  }
0x76: {  	_ =	shalt  }
0x77: {  	_ =	shalt  }
0x78: {  	_ =	shalt  }
0x79: {  	_ =	shalt  }
0x7a: {  	_ =	shalt  }
0x7b: {  	_ =	shalt  }
0x7c: {  	_ =	shalt  }
0x7d: {  	_ =	shalt  }
0x7e: {  	_ =	shalt  }
0x7f: {  	_ =	shalt  }
0x80: {  	_ =	shalt  }
0x81: {  	_ =	shalt  }
0x82: {  	_ =	shalt  }
0x83: {  	_ =	shalt  }
0x84: {  	_ =	shalt  }
0x85: {  	_ =	shalt  }
0x86: {  	_ =	shalt  }
0x87: {  	_ =	shalt  }
.Lfunc_end0:
.L_simem_size_0:
called_computation.2_lowered:
.L_overlay_start_0:
0x88: {  	s2 =	sld [smem:$0x3FD9]  }
0x89: {  	s3 =	sld [smem:$0x3FFE];
	_ =	sdelay $0x1  }
0x8a: {  	s1 =	srdreg.scid  }
0x8b: {  	s0 =	sand.u32 $0x1, s1  }
0x8c: {  	s16 =	sshll.u32 s0, $0xA;
	s2 =	sadd.s32 s3, s2  }
0x8d: {  	s2 =	sadd.s32 s2, s16  }
0x8e: {  	[smem:$0x3FB6] =	sst s2  }
0x8f: {  	_ = 	snop  }
0x90: {  	(tm) =	ssettm $0x1  }
0x91: {  	s17 =	sld [smem:$0x3FFB];
	_ =	sdelay $0x3  }
0x92: {  	_ =	strace s17  }
0x93: {  	s2 =	sld [smem:$0x3FFC];
	_ =	sdelay $0x3  }
0x94: {  	_ =	strace s2  }
0x95: {  	s2 =	sld [smem:$0x3FFD];
	_ =	sdelay $0x3  }
0x96: {  	_ =	strace s2  }
0x97: {  	_ =	strace $0x8FFFFFFF  }
0x98: {  	s18 =	sld [smem:$0x3FDB];
	_ =	sdelay $0x1  }
0x99: {  	s19 =	simm.s32 $_scs_section_size  }
0x9a: {  	s4 =	simm.s32 $_size__tile_overlayer_lowered;
	s5 =	simm.s32 $_tile_overlayer_lowered  }
0x9b: {  	s22 =	simm.s32 $0x1BFF;
	s21 =	sshll.u32 s5, $0x1;
	s2 =	sadd.s32 s19, s18  }
0x9c: {  	s6 =	simm.s32 $0x0;
	s20 =	sshll.u32 s4, $0x1;
	s4 =	sadd.s32 s21, s2  }
0x9d: {  	[timem:s6], [sflag:s22] =	dma.local [hbm:s4], s20  }
0x9e: {  	_ =	swait.ge [sflag:s22], s20  }
0x9f: {  	s3 =	ssub.s32 $0x0, s20;
	[sflag:s22] =	ssyncset.done $0x0  }
0xa0: {  	[sflag:s22] =	ssyncadd.s32 s3;
	_ =	sdelay $0x1  }
0xa1: {  	s23 =	simm.s32 $0x1B8B  }
0xa2: {  	_ =	swait.ge [sflag:s23], $0x1  }
0xa3: {  	[sflag:s23] =	ssyncset.done $0x0  }
0xa4: {  	s25 =	simm.s32 $0x1B8E;
	s24 =	sld [smem:$0x3FFE];
	[sflag:s23] =	ssyncadd.s32 $0xFFFFFFFF  }
0xa5: {  	s26 =	simm.s32 $execute0_lowered;
	[smem:$0x3FD2] =	sst s25  }
0xa6: {  	s4 =	sshll.u32 s26, $0x1;
	_ =	strace $0x8000004C;
	[dreg:$0x1] =	wrdreg $0xFFFFFFFF  }
0xa7: {  	s28 =	simm.s32 $_size_execute0_lowered;
	s2 =	sadd.s32 s2, s4;
	[dreg:$0x0] =	wrdreg $0x0  }
0xa8: {  	s4 =	sshll.u32 s28, $0x1;
	[dreg:$0x2] =	wrdreg s2  }
0xa9: {  	[dreg:$0x3] =	wrdreg s4  }
0xaa: {  	[dreg:$0x4] =	wrdreg $0xC0  }
0xab: {  	_ =	task [dreg:s6], $0x5FFFF  }
0xac: {  	[dreg:$0x1] =	wrdreg $0xFFFFFFFF  }
0xad: {  	[dreg:$0x0] =	wrdreg $0x60  }
0xae: {  	[dreg:$0x2] =	wrdreg s24  }
0xaf: {  	[dreg:$0x3] =	wrdreg $0xB2200  }
0xb0: {  	[dreg:$0x4] =	wrdreg $0x9  }
0xb1: {  	_ =	task.clear_ibuf [dreg:s6], $0x5FFFF;
	_ =	strace $0x9000004C  }
0xb2: {  	s29 =	simm.s32 $0x9;
	_ =	strace $0x8000004E  }
0xb3: {  	_ =	swait.ge [sflag:s29], $0x1  }
0xb4: {  	[sflag:s29] =	ssyncadd.s32 $0xFFFFFFFF  }
0xb5: {  	_ =	strace $0x9000004E  }
0xb6: {  	_ =	sfence  }
0xb7: {  	s30 =	sld [smem:$0x0];
	_ =	sdelay $0x2  }
0xb8: {  	s31 =	sshll.u32 s1, $0xD;
	s1 =	sshrl.u32 s1, $0x2  }
0xb9: {  	s3 =	sand.u32 $0x4000, s31;
	s1 =	sadd.s32 s1, s30  }
0xba: {  	s0 =	sor.u32 s3, s0;
	s1 =	sshll.u32 s1, $0x11  }
0xbb: {  	s0 =	sor.u32 s1, s0  }
0xbc: {  	s0 =	sadd.s32 $0x8F2B, s0  }
0xbd: {  	[sflag:s0] =	ssyncadd.remote.s32 $0x1  }
0xbe: {  	_ =	sfence.sel $0xFFFF  }
0xbf: {  	[dreg:$0x0] =	wrdreg $0xFFFFFFFF;
	(pc) =	sbr.abs _section_cstart, $3  }
0xc0: {  	[dreg:$0x1] =	wrdreg $0xFFFFFFFF  }
0xc1: {  	_ =	task.clear_ibuf [dreg:s6], $0x2FFFF;
	_ =	strace $0x9FFFFFFF  }
0xc2: {  	(tm) =	ssettm $0x7FFFFFFF  }
0xc3: {  	_ =	shalt  }
tec
execute0_lowered:
.L_overlay_start_1:
0x0: {  	(tag) =	ssettag $0x1  }
0x1: {  	s9 =	rddreg [dreg:$0x0];
	s1 =	srdreg.scid  }
0x2: {  	s0 =	stileid.u32;
	s2 =	rddreg [dreg:$0x1]  }
0x3: {  	s3 =	simm.s32 $0x0;
	s20 =	simm.s32 $0x190;
	s21 =	simm.s32 $0x4E20  }
0x4: {  	s22 =	simm.s32 $0x1;
	s23 =	simm.s32 $0x8020;
	s24 =	simm.s32 $0x0  }
0x5: {  	s10 =	sand.u32 $0x1, s1;
	s4 =	sshll.u32 s0, $0x1;
	s1 =	rddreg [dreg:$0x2]  }
0x6: {  	[smem:$0x7FF] =	sst s3;
	s11 =	smul.u32 $0x4F00, s0;
	s5 =	sadd.s32 $0x70C00, s9  }
0x7: {  	s8 =	smul.u32 $0x13880, s0;
	s16 =	sadd.s32 $0x84800, s9;
	s17 =	sadd.s32 $0x4A100, s2  }
0x8: {  	p0 =	seq.s32 s0, $0xF;
	s4 =	sor.u32 s10, s4;
	s28 =	smul.u32 $0x4E200, s10  }
0x9: {  	_ =	strace $0x8000004D;
	s12 =	ssub.s32 $0x2, s10;
	s29 =	smul.u32 $0x9C40, s10  }
0xa: {  	s18 =	sshll.u32 @!p0 s0, $0x6;
	s17 =	sshrl.u32 @p0 s17, $0x3;
	s6 =	smul.u32 $0x2710, s4  }
0xb: {  	s4 =	sadd.s32 $0x66E00, s9;
	s7 =	sshrl.u32 s11, $0x3;
	s26 =	sshrl.u32 s12, $0x1  }
0xc: {  	s15 =	sadd.s32 s8, s9;
	s19 =	sadd.s32 s11, s2;
	s18 =	sor.u32 @!p0 $0x1C02, s18  }
0xd: {  	s14 =	sadd.s32 s7, s9;
	s12 =	ssub.s32 s12, s26;
	s11 =	sadd.s32 s11, s28  }
0xe: {  	s19 =	sshrl.u32 @!p0 s19, $0x3;
	s6 =	sshrl.u32 s6, $0x3;
	s8 =	sadd.s32 $0x7AA00, s14  }
0xf: {  	s30 =	sshrl.u32 s11, $0x3;
	s14 =	sadd.s32 s29, s15;
	s12 =	smax.u32 s12, $0x1  }
0x10: {  	s15 =	simm.s32 $0x2;
	s13 =	sadd.s32 s6, s9;
	s9 =	sadd.s32 $0x83E20, s9  }
0x11: {  	s6 =	sadd.s32 $0x5D000, s13;
	s7 =	sadd.s32 $0x53200, s13;
	s13 =	sshrl.u32 s28, $0x3  }
0x12: {  	s10 =	sadd.s32 s16, s30;
	s31 =	sadd.s32 s16, s13;
	s13 =	sadd.s32 $0x6BC200, s14  }
0x13: {  	s14 =	sadd.s32 $0x583A00, s14;
	s16 =	simm.s32 $0x2710;
	s11 =	sadd.s32 $0x9420, s31  }
.LBB2_1:
0x14: {  	[tilespmem:s3], [sflag:$0x2] =	stream.linear.gather [hbm4b:s6+s3], $0x2710, $0x38;
	[tilespmem:$0x10040] =	vst v63  }
0x15: {  	_ =	swait.ge [sflag:s15], $0x2710  }
0x16: {  	[sflag:s15] =	ssyncset.done $0x0  }
0x17: {  	[sflag:s15] =	ssyncadd.s32 $0xFFFFD8F0  }
0x18: {  	[tilespmem:s16], [sflag:$0x2] =	stream.linear.gather [hbm4b:s7+s3], $0x2710, $0x38;
	[tilespmem:$0x10040] =	vst v63  }
0x19: {  	_ =	swait.ge [sflag:s15], $0x2710  }
0x1a: {  	[sflag:s15] =	ssyncset.done $0x0  }
0x1b: {  	s25 =	simm.s32 @p0 $0x1FC2;
	[sflag:s15] =	ssyncadd.s32 $0xFFFFD8F0  }
0x1c: {  	[spmem:s17], [sflag:s25] =	dma.local @p0 [hbm:s9], $0x820  }
0x1d: {  	s25 =	simm.s32 @p0 $0x2  }
0x1e: {  	_ =	swait.ge @p0 [sflag:s25], $0x820  }
0x1f: {  	[sflag:s25] =	ssyncset.done @p0 $0x0  }
0x20: {  	[sflag:s25] =	ssyncadd.s32 @p0 $0xFFFFF7E0;
	s25 =	simm.s32 @!p0 $0x2  }
0x21: {  	[spmem:s19], [sflag:s18] =	dma.local @!p0 [hbm:s8], $0x9E0  }
0x22: {  	_ =	swait.ge @!p0 [sflag:s25], $0x9E0  }
0x23: {  	[sflag:s25] =	ssyncset.done @!p0 $0x0  }
0x24: {  	[sflag:s25] =	ssyncadd.s32 @!p0 $0xFFFFF620  }
0x25: {  	s30 =	simm.s32 $0x0;
	[bflag:$0x0] =	sbarrier.arrive $0xFFFF  }
0x26: {  	[tilespmem:s21], [sflag:$0x1] =	stream.indirect.gather [hbm4b:s4+s20], $0x20, s30, s20, $0xb8;
	[tilespmem:$0x10040] =	vst v63  }
0x27: {  	_ =	swait.ge [sflag:s22], $0x3200  }
0x28: {  	[sflag:s22] =	ssyncset.done $0x0  }
0x29: {  	s26 =	sadd.s32 $0x0, s14;
	[sflag:s22] =	ssyncadd.s32 $0xFFFFCE00  }
0x2a: {  	[hbm4b:s26+s3] =	stream.linear.scatter [tilespmem:s21], [sflag:$0x2], $0x3200, $0x38;
	[tilespmem:$0x10040] =	vst v63  }
0x2b: {  	_ =	swait.ge [sflag:s15], $0x3200  }
0x2c: {  	[sflag:s15] =	ssyncset.done $0x0  }
0x2d: {  	s31 =	simm.s32 $0x2710;
	[sflag:s15] =	ssyncadd.s32 $0xFFFFCE00  }
0x2e: {  	[tilespmem:s21], [sflag:$0x1] =	stream.indirect.gather [hbm4b:s4+s20], $0x20, s31, s20, $0xb8;
	[tilespmem:$0x10040] =	vst v63  }
0x2f: {  	_ =	swait.ge [sflag:s22], $0x3200  }
0x30: {  	[sflag:s22] =	ssyncset.done $0x0  }
0x31: {  	s28 =	sadd.s32 $0x0, s13;
	[sflag:s22] =	ssyncadd.s32 $0xFFFFCE00  }
0x32: {  	[hbm4b:s28+s3] =	stream.linear.scatter [tilespmem:s21], [sflag:$0x2], $0x3200, $0x38;
	[tilespmem:$0x10040] =	vst v63  }
0x33: {  	_ =	swait.ge [sflag:s15], $0x3200  }
0x34: {  	[sflag:s15] =	ssyncset.done $0x0  }
0x35: {  	[sflag:s15] =	ssyncadd.s32 $0xFFFFCE00  }
0x36: {  	[tilespmem:s23], [sflag:$0x1] =	stream.indirect.gather [hbm4b:s5+s20], $0x20, s30, s20, $0xb8;
	[tilespmem:$0x10040] =	vst v63  }
0x37: {  	_ =	swait.ge [sflag:s22], $0x3200  }
0x38: {  	[sflag:s22] =	ssyncset.done $0x0  }
0x39: {  	[sflag:s22] =	ssyncadd.s32 $0xFFFFCE00  }
0x3a: {  	[spmem:s2] =	stream.indirect.scatter.add.f32 [tilespmem:s23], [sflag:$0x2], $0x20, s31, s20, $0xb8;
	[tilespmem:$0x10040] =	vst v63  }
0x3b: {  	_ =	swait.ge [sflag:s15], $0x3200  }
0x3c: {  	s25 =	simm.s32 $0x640;
	s26 =	simm.s32 $0xC80;
	[sflag:s15] =	ssyncset.done $0x0  }
.LBB2_2:
0x3d: {  	s28 =	sshra.s32 s25, $0x2  }
0x3e: {  	[sflag:s15] =	ssyncadd.s32 $0xFFFFCE00;
	s29 =	smov.u32 s26;
	s30 =	sadd.s32 $0x640, s26  }
0x3f: {  	[tilespmem:s21], [sflag:$0x1] =	stream.indirect.gather [hbm4b:s4+s20], $0x20, s28, s20, $0xb8;
	[tilespmem:$0x10040] =	vst v63  }
0x40: {  	p1 =	sne.s32 s26, $0x9600;
	_ =	swait.ge [sflag:s22], $0x3200  }
0x41: {  	[sflag:s22] =	ssyncset.done $0x0  }
0x42: {  	s26 =	sadd.s32 s25, s14;
	[sflag:s22] =	ssyncadd.s32 $0xFFFFCE00  }
0x43: {  	[hbm4b:s26+s3] =	stream.linear.scatter [tilespmem:s21], [sflag:$0x2], $0x3200, $0x38;
	[tilespmem:$0x10040] =	vst v63  }
0x44: {  	_ =	swait.ge [sflag:s15], $0x3200  }
0x45: {  	[sflag:s15] =	ssyncset.done $0x0  }
0x46: {  	s26 =	sadd.s32 $0x2710, s28;
	[sflag:s15] =	ssyncadd.s32 $0xFFFFCE00  }
0x47: {  	[tilespmem:s21], [sflag:$0x1] =	stream.indirect.gather [hbm4b:s4+s20], $0x20, s26, s20, $0xb8;
	[tilespmem:$0x10040] =	vst v63  }
0x48: {  	_ =	swait.ge [sflag:s22], $0x3200  }
0x49: {  	[sflag:s22] =	ssyncset.done $0x0  }
0x4a: {  	s31 =	sadd.s32 s25, s13;
	s25 =	smov.u32 s29;
	[sflag:s22] =	ssyncadd.s32 $0xFFFFCE00  }
0x4b: {  	[hbm4b:s31+s3] =	stream.linear.scatter [tilespmem:s21], [sflag:$0x2], $0x3200, $0x38;
	[tilespmem:$0x10040] =	vst v63  }
0x4c: {  	_ =	swait.ge [sflag:s15], $0x3200  }
0x4d: {  	[sflag:s15] =	ssyncset.done $0x0  }
0x4e: {  	[sflag:s15] =	ssyncadd.s32 $0xFFFFCE00  }
0x4f: {  	[tilespmem:s23], [sflag:$0x1] =	stream.indirect.gather [hbm4b:s5+s20], $0x20, s28, s20, $0xb8;
	[tilespmem:$0x10040] =	vst v63  }
0x50: {  	_ =	swait.ge [sflag:s22], $0x3200  }
.Ltmp0:
0x51: {  	[sflag:s22] =	ssyncset.done $0x0;
	(pc) =	sbr.rel @p1 .LBB2_2-.Ltmp0, $4  }
0x52: {  	[sflag:s22] =	ssyncadd.s32 $0xFFFFCE00  }
0x53: {  	[spmem:s2] =	stream.indirect.scatter.add.f32 [tilespmem:s23], [sflag:$0x2], $0x20, s26, s20, $0xb8;
	[tilespmem:$0x10040] =	vst v63  }
0x54: {  	_ =	swait.ge [sflag:s15], $0x3200  }
0x55: {  	s26 =	smov.u32 s30;
	[sflag:s15] =	ssyncset.done $0x0  }
0x56: {  	s26 =	sshra.s32 s25, $0x2;
	[sflag:s15] =	ssyncadd.s32 $0xFFFFCE00  }
0x57: {  	[tilespmem:s21], [sflag:$0x1] =	stream.indirect.gather [hbm4b:s4+s20], $0x20, s26, s20, $0xb8;
	[tilespmem:$0x10040] =	vst v63  }
0x58: {  	_ =	swait.ge [sflag:s22], $0x3200  }
0x59: {  	[sflag:s22] =	ssyncset.done $0x0  }
0x5a: {  	s28 =	sadd.s32 s25, s14;
	[sflag:s22] =	ssyncadd.s32 $0xFFFFCE00  }
0x5b: {  	[hbm4b:s28+s3] =	stream.linear.scatter [tilespmem:s21], [sflag:$0x2], $0x3200, $0x38;
	[tilespmem:$0x10040] =	vst v63  }
0x5c: {  	_ =	swait.ge [sflag:s15], $0x3200  }
0x5d: {  	[sflag:s15] =	ssyncset.done $0x0  }
0x5e: {  	s30 =	sadd.s32 $0x2710, s26;
	[sflag:s15] =	ssyncadd.s32 $0xFFFFCE00  }
0x5f: {  	[tilespmem:s21], [sflag:$0x1] =	stream.indirect.gather [hbm4b:s4+s20], $0x20, s30, s20, $0xb8;
	[tilespmem:$0x10040] =	vst v63  }
0x60: {  	_ =	swait.ge [sflag:s22], $0x3200  }
0x61: {  	[sflag:s22] =	ssyncset.done $0x0  }
0x62: {  	s31 =	sadd.s32 s25, s13;
	[sflag:s22] =	ssyncadd.s32 $0xFFFFCE00  }
0x63: {  	[hbm4b:s31+s3] =	stream.linear.scatter [tilespmem:s21], [sflag:$0x2], $0x3200, $0x38;
	[tilespmem:$0x10040] =	vst v63  }
0x64: {  	_ =	swait.ge [sflag:s15], $0x3200  }
0x65: {  	[sflag:s15] =	ssyncset.done $0x0  }
0x66: {  	[sflag:s15] =	ssyncadd.s32 $0xFFFFCE00  }
0x67: {  	[tilespmem:s23], [sflag:$0x1] =	stream.indirect.gather [hbm4b:s5+s20], $0x20, s26, s20, $0xb8;
	[tilespmem:$0x10040] =	vst v63  }
0x68: {  	_ =	swait.ge [sflag:s22], $0x3200  }
0x69: {  	[sflag:s22] =	ssyncset.done $0x0  }
0x6a: {  	[sflag:s22] =	ssyncadd.s32 $0xFFFFCE00  }
0x6b: {  	[spmem:s2] =	stream.indirect.scatter.add.f32 [tilespmem:s23], [sflag:$0x2], $0x20, s30, s20, $0xb8;
	[tilespmem:$0x10040] =	vst v63  }
0x6c: {  	_ =	swait.ge [sflag:s15], $0x3200  }
0x6d: {  	[sflag:s15] =	ssyncset.done $0x0  }
0x6e: {  	[sflag:s15] =	ssyncadd.s32 $0xFFFFCE00  }
0x6f: {  	s25 =	simm.s32 @p0 $0x1FC2;
	[bflag:$0x0] =	sbarrier.arrive $0xFFFF  }
0x70: {  	[hbm:s11], [sflag:s25] =	dma.local @p0 [spmem:s17], $0x820  }
0x71: {  	s25 =	simm.s32 @p0 $0x2  }
0x72: {  	s24 =	sadd.s32 $0x1, s24;
	_ =	swait.ge @p0 [sflag:s25], $0x820  }
0x73: {  	p1 =	sne.s32 s24, s12;
	[sflag:s25] =	ssyncset.done @p0 $0x0  }
.Ltmp1:
0x74: {  	[sflag:s25] =	ssyncadd.s32 @p0 $0xFFFFF7E0;
	s25 =	simm.s32 @!p0 $0x2;
	(pc) =	sbr.rel @p1 .LBB2_1-.Ltmp1, $4  }
0x75: {  	[hbm:s10], [sflag:s18] =	dma.local @!p0 [spmem:s19], $0x9E0  }
0x76: {  	_ =	swait.ge @!p0 [sflag:s25], $0x9E0  }
0x77: {  	[sflag:s25] =	ssyncset.done @!p0 $0x0  }
0x78: {  	[sflag:s25] =	ssyncadd.s32 @!p0 $0xFFFFF620  }
0x79: {  	_ =	sfence.sel $0x180000  }
0x7a: {  	[bflag:$0x0] =	sbarrier.arrive $0xFFFF  }
0x7b: {  	p0 =	sne.s32 s0, $0x0;
	_ =	strace $0x9000004D  }
0x7c: {  	s0 =	sadd.s32 @!p0 $0x100000, s1;
	[bflag:$0x2] =	sbarrier.arrive $0xFFFF  }
0x7d: {  	[sflag:s0] =	ssyncadd.tile.s32 @!p0 $0x1;
	_ =	shalt  }
.Lfunc_end2:
_tile_overlayer_lowered:
.L_overlay_start_2:
0x7e: {  	(tag) =	ssettag $0x2  }
0x7f: {  	s0 =	rddreg [dreg:$0x0];
	s2 =	stileid.u32  }
0x80: {  	s1 =	rddreg [dreg:$0x1];
	p0 =	sne.s32 s2, $0x0  }
0x81: {  	s3 =	rddreg [dreg:$0x2];
	[bflag:$0x3] =	sbarrier.arrive $0xFFFF;
	s2 =	simm.s32 @!p0 $0x1C02  }
0x82: {  	[timem:s3], [sflag:s2] =	dma.local @!p0 [hbm:s0], s1  }
0x83: {  	s0 =	simm.s32 @!p0 $0x2  }
0x84: {  	_ =	swait.ge @!p0 [sflag:s0], s1  }
0x85: {  	s1 =	ssub.s32 @!p0 $0x0, s1;
	[sflag:s0] =	ssyncset.done @!p0 $0x0  }
0x86: {  	[sflag:s0] =	ssyncadd.s32 @!p0 s1  }
0x87: {  	[bflag:$0x3] =	sbarrier.arrive $0xFFFF  }
0x88: {  	_ =	shalt  }

// kernel: kernel.22.cloned.1.call-start
scs
__scs_entry_jumppad:
0x0: {  	(pc) =	sbr.rel $0x88, $3  }
0x1: {  	(tag) =	ssettag $0x0;
	lr =	simm.s32 $0x1  }
0x2: {  	[smem:$0x3F8F] =	sst lr;
	_ =	strace $0xD0000000  }
0x3: {  	_ = 	snop  }
0x4: {  	_ = 	snop  }
0x5: {  	_ = 	snop  }
0x6: {  	_ = 	snop  }
0x7: {  	_ = 	snop  }
__scs_overlays_trampoline_lowered:
0x8: {  	[smem:$0x3F9E] =	sst s0  }
0x9: {  	[smem:$0x3F9F] =	sst s1  }
0xa: {  	[smem:$0x3FA0] =	sst s2  }
0xb: {  	[smem:$0x3FA1] =	sst s3  }
0xc: {  	[smem:$0x3FA2] =	sst s4  }
0xd: {  	[smem:$0x3FA3] =	sst s5  }
0xe: {  	[smem:$0x3FA4] =	sst s6  }
0xf: {  	[smem:$0x3FA5] =	sst s7  }
0x10: {  	[smem:$0x3FA6] =	sst s8  }
0x11: {  	[smem:$0x3FA7] =	sst s9;
	s0 =	simm.s32 @!p0 $0x0  }
0x12: {  	s1 =	sld [smem:$0x3F8D];
	s0 =	simm.s32 @p0 $0x1  }
0x13: {  	[smem:$0x3FA8] =	sst s0;
	s0 =	simm.s32 @!p1 $0x0  }
0x14: {  	s2 =	sld [smem:$0x3F8C];
	s0 =	simm.s32 @p1 $0x1  }
0x15: {  	[smem:$0x3FA9] =	sst s0;
	s0 =	simm.s32 @!p2 $0x0  }
0x16: {  	s3 =	sld [smem:$0x3FDB];
	s0 =	simm.s32 @p2 $0x1  }
0x17: {  	s4 =	simm.s32 $0x1BF5;
	[smem:$0x3FAB] =	sst s0  }
0x18: {  	s0 =	sld [smem:$0x3F8E];
	_ =	swait.ge [sflag:s4], $0x0  }
0x19: {  	s7 =	sld [smem:$0x3F8F]  }
0x1a: {  	s8 =	sadd.s32 $0xFFFFE003, lr  }
0x1b: {  	s9 =	sadd.s32 $0xFFFFFEF7, lr;
	s5 =	simm.s32 $0xFFFFFFFF;
	p2 =	slt.u32 s8, $0xFFFFF086  }
0x1c: {  	p1 =	slt.u32 s9, $0xF7A;
	s5 =	simm.s32 @!p2 $0x0  }
0x1d: {  	s5 =	simm.s32 @p1 $0x1;
	p0 =	seq.s32 s7, s2  }
0x1e: {  	s7 =	smul.u32 @!p0 $0xF7A, s2;
	p2 =	seq.s32 @!p0 s5, $0x0  }
0x1f: {  	s9 =	smul.u32 $0xF7A, s1;
	s8 =	simm.s32 @!p0 $0x1BF5;
	p2 =	por !p2, p0  }
0x20: {  	[sflag:s8] =	ssyncset.s32 @!p0 $0xFFFFF086;
	s6 =	sadd.s32 @!p0 s3, s7;
	s7 =	simm.s32 @!p0 $0x108  }
0x21: {  	s3 =	sadd.s32 s3, s9;
	s6 =	sadd.s32 @!p0 $0x88, s6;
	s7 =	simm.s32 @p2 $0x1082  }
0x22: {  	[simem:s7], [sflag:s8] =	dma.local @!p0 [hbm:s6], $0xF7A  }
0x23: {  	s9 =	sor.u32 $0xD0000000, s2;
	s6 =	simm.s32 $0x108;
	_ =	swait.ge @!p0 [sflag:s8], $0x0  }
0x24: {  	s3 =	sadd.s32 $0x88, s3;
	s6 =	simm.s32 @!p1 $0x1082;
	[sflag:s4] =	ssyncset.s32 $0xFFFFF086  }
0x25: {  	[simem:s6], [sflag:s4] =	dma.local [hbm:s3], $0xF7A  }
0x26: {  	[smem:$0x3F8F] =	sst s1;
	(tag) =	ssettag s2;
	_ =	strace s9  }
0x27: {  	s1 =	sld [smem:$0x3F9F]  }
0x28: {  	s2 =	sld [smem:$0x3FA0]  }
0x29: {  	s4 =	sld [smem:$0x3FA2]  }
0x2a: {  	p0 =	seq.s32 s5, $0x0;
	s5 =	sld [smem:$0x3FA3]  }
0x2b: {  	s6 =	sld [smem:$0x3FA4]  }
0x2c: {  	s7 =	sld [smem:$0x3FA5]  }
0x2d: {  	s3 =	simm.s32 $0x108;
	s8 =	sld [smem:$0x3FA6]  }
0x2e: {  	s3 =	simm.s32 @!p0 $0x1082;
	s9 =	sld [smem:$0x3FA7]  }
0x2f: {  	lr =	sadd.s32 s0, s3;
	s0 =	sld [smem:$0x3F9E]  }
0x30: {  	s3 =	sld [smem:$0x3FA1]  }
0x31: {  	[smem:$0x3FAA] =	sst s10  }
0x32: {  	s10 =	sld [smem:$0x3FA8];
	_ =	sdelay $0x3  }
0x33: {  	p0 =	seq.s32 s10, $0x1;
	s10 =	sld [smem:$0x3FAA];
	_ =	sdelay $0x3  }
0x34: {  	[smem:$0x3FAA] =	sst s10  }
0x35: {  	s10 =	sld [smem:$0x3FA9];
	_ =	sdelay $0x3  }
0x36: {  	p1 =	seq.s32 s10, $0x1;
	s10 =	sld [smem:$0x3FAA];
	_ =	sdelay $0x3  }
0x37: {  	[smem:$0x3FAA] =	sst s10  }
0x38: {  	s10 =	sld [smem:$0x3FAB]  }
0x39: {  	_ = 	snop;
	(pc) =	sbr.ind lr, $3  }
0x3a: {  	_ = 	snop  }
0x3b: {  	_ = 	snop  }
0x3c: {  	p2 =	seq.s32 s10, $0x1;
	s10 =	sld [smem:$0x3FAA]  }
0x3d: {  	_ =	shalt  }
0x3e: {  	_ =	shalt  }
0x3f: {  	_ =	shalt  }
0x40: {  	_ =	shalt  }
0x41: {  	_ =	shalt  }
0x42: {  	_ =	shalt  }
0x43: {  	_ =	shalt  }
0x44: {  	_ =	shalt  }
0x45: {  	_ =	shalt  }
0x46: {  	_ =	shalt  }
0x47: {  	_ =	shalt  }
0x48: {  	_ =	shalt  }
0x49: {  	_ =	shalt  }
0x4a: {  	_ =	shalt  }
0x4b: {  	_ =	shalt  }
0x4c: {  	_ =	shalt  }
0x4d: {  	_ =	shalt  }
0x4e: {  	_ =	shalt  }
0x4f: {  	_ =	shalt  }
0x50: {  	_ =	shalt  }
0x51: {  	_ =	shalt  }
0x52: {  	_ =	shalt  }
0x53: {  	_ =	shalt  }
0x54: {  	_ =	shalt  }
0x55: {  	_ =	shalt  }
0x56: {  	_ =	shalt  }
0x57: {  	_ =	shalt  }
0x58: {  	_ =	shalt  }
0x59: {  	_ =	shalt  }
0x5a: {  	_ =	shalt  }
0x5b: {  	_ =	shalt  }
0x5c: {  	_ =	shalt  }
0x5d: {  	_ =	shalt  }
0x5e: {  	_ =	shalt  }
0x5f: {  	_ =	shalt  }
0x60: {  	_ =	shalt  }
0x61: {  	_ =	shalt  }
0x62: {  	_ =	shalt  }
0x63: {  	_ =	shalt  }
0x64: {  	_ =	shalt  }
0x65: {  	_ =	shalt  }
0x66: {  	_ =	shalt  }
0x67: {  	_ =	shalt  }
0x68: {  	_ =	shalt  }
0x69: {  	_ =	shalt  }
0x6a: {  	_ =	shalt  }
0x6b: {  	_ =	shalt  }
0x6c: {  	_ =	shalt  }
0x6d: {  	_ =	shalt  }
0x6e: {  	_ =	shalt  }
0x6f: {  	_ =	shalt  }
0x70: {  	_ =	shalt  }
0x71: {  	_ =	shalt  }
0x72: {  	_ =	shalt  }
0x73: {  	_ =	shalt  }
0x74: {  	_ =	shalt  }
0x75: {  	_ =	shalt  }
0x76: {  	_ =	shalt  }
0x77: {  	_ =	shalt  }
0x78: {  	_ =	shalt  }
0x79: {  	_ =	shalt  }
0x7a: {  	_ =	shalt  }
0x7b: {  	_ =	shalt  }
0x7c: {  	_ =	shalt  }
0x7d: {  	_ =	shalt  }
0x7e: {  	_ =	shalt  }
0x7f: {  	_ =	shalt  }
0x80: {  	_ =	shalt  }
0x81: {  	_ =	shalt  }
0x82: {  	_ =	shalt  }
0x83: {  	_ =	shalt  }
0x84: {  	_ =	shalt  }
0x85: {  	_ =	shalt  }
0x86: {  	_ =	shalt  }
0x87: {  	_ =	shalt  }
.Lfunc_end0:
.L_simem_size_0:
called_computation.3_lowered:
.L_overlay_start_0:
0x88: {  	s2 =	sld [smem:$0x3FD9]  }
0x89: {  	s3 =	sld [smem:$0x3FFE];
	_ =	sdelay $0x1  }
0x8a: {  	s1 =	srdreg.scid  }
0x8b: {  	s0 =	sand.u32 $0x1, s1  }
0x8c: {  	s17 =	sshll.u32 s0, $0xA;
	s2 =	sadd.s32 s3, s2  }
0x8d: {  	s2 =	sadd.s32 s2, s17  }
0x8e: {  	[smem:$0x3FB6] =	sst s2  }
0x8f: {  	_ = 	snop  }
0x90: {  	s2 =	sld [smem:$0x3FD0];
	(tm) =	ssettm $0x1  }
0x91: {  	s18 =	sld [smem:$0x3FFB];
	_ =	sdelay $0x3  }
0x92: {  	_ =	strace s18  }
0x93: {  	s3 =	sld [smem:$0x3FFC];
	_ =	sdelay $0x3  }
0x94: {  	_ =	strace s3  }
0x95: {  	s3 =	sld [smem:$0x3FFD];
	_ =	sdelay $0x3  }
0x96: {  	_ =	strace s3  }
0x97: {  	_ =	strace $0x8FFFFFFF  }
0x98: {  	s19 =	sld [smem:$0x3FDB];
	_ =	sdelay $0x1  }
0x99: {  	s4 =	simm.s32 $_scs_section_size  }
0x9a: {  	s5 =	simm.s32 $_size__tile_overlayer_lowered;
	s6 =	simm.s32 $_tile_overlayer_lowered  }
0x9b: {  	s22 =	simm.s32 $0x1BFF;
	s21 =	sshll.u32 s6, $0x1;
	s3 =	sadd.s32 s4, s19  }
0x9c: {  	s7 =	simm.s32 $0x0;
	s20 =	sshll.u32 s5, $0x1;
	s5 =	sadd.s32 s21, s3  }
0x9d: {  	[timem:s7], [sflag:s22] =	dma.local [hbm:s5], s20  }
0x9e: {  	_ =	swait.ge [sflag:s22], s20  }
0x9f: {  	s4 =	ssub.s32 $0x0, s20;
	[sflag:s22] =	ssyncset.done $0x0  }
0xa0: {  	[sflag:s22] =	ssyncadd.s32 s4;
	_ =	sdelay $0x1  }
0xa1: {  	s23 =	simm.s32 $0x1B8B  }
0xa2: {  	_ =	swait.ge [sflag:s23], $0x1  }
0xa3: {  	[sflag:s23] =	ssyncset.done $0x0  }
0xa4: {  	s25 =	simm.s32 $0x1B8E;
	s24 =	sld [smem:$0x3FFE];
	[sflag:s23] =	ssyncadd.s32 $0xFFFFFFFF  }
0xa5: {  	s26 =	simm.s32 $execute0_lowered;
	[smem:$0x3FD2] =	sst s25  }
0xa6: {  	s5 =	sshll.u32 s26, $0x1;
	_ =	strace $0x8000004F;
	[dreg:$0x1] =	wrdreg $0xFFFFFFFF  }
0xa7: {  	s28 =	simm.s32 $_size_execute0_lowered;
	s3 =	sadd.s32 s3, s5;
	[dreg:$0x0] =	wrdreg $0x0  }
0xa8: {  	s5 =	sshll.u32 s28, $0x1;
	[dreg:$0x2] =	wrdreg s3  }
0xa9: {  	[dreg:$0x3] =	wrdreg s5  }
0xaa: {  	[dreg:$0x4] =	wrdreg $0xC0  }
0xab: {  	_ =	task [dreg:s7], $0x5FFFF  }
0xac: {  	[dreg:$0x1] =	wrdreg $0xFFFFFFFF  }
0xad: {  	[dreg:$0x0] =	wrdreg $0x60  }
0xae: {  	[dreg:$0x2] =	wrdreg s2  }
0xaf: {  	[dreg:$0x3] =	wrdreg s24  }
0xb0: {  	[dreg:$0x4] =	wrdreg $0x9  }
0xb1: {  	_ =	task.clear_ibuf [dreg:s7], $0x5FFFF;
	_ =	strace $0x9000004F  }
0xb2: {  	s29 =	simm.s32 $0x9;
	_ =	strace $0x80000051  }
0xb3: {  	_ =	swait.ge [sflag:s29], $0x1  }
0xb4: {  	[sflag:s29] =	ssyncadd.s32 $0xFFFFFFFF  }
0xb5: {  	_ =	strace $0x90000051  }
0xb6: {  	_ =	sfence  }
0xb7: {  	s30 =	sld [smem:$0x0];
	_ =	sdelay $0x2  }
0xb8: {  	s31 =	sshll.u32 s1, $0xD;
	s1 =	sshrl.u32 s1, $0x2  }
0xb9: {  	s3 =	sand.u32 $0x4000, s31;
	s1 =	sadd.s32 s1, s30  }
0xba: {  	s0 =	sor.u32 s3, s0;
	s1 =	sshll.u32 s1, $0x11  }
0xbb: {  	s0 =	sor.u32 s1, s0  }
0xbc: {  	s0 =	sadd.s32 $0x8F2B, s0  }
0xbd: {  	[sflag:s0] =	ssyncadd.remote.s32 $0x1  }
0xbe: {  	_ =	sfence.sel $0xFFFF  }
0xbf: {  	[dreg:$0x0] =	wrdreg $0xFFFFFFFF;
	(pc) =	sbr.abs _section_cstart, $3  }
0xc0: {  	[dreg:$0x1] =	wrdreg $0xFFFFFFFF  }
0xc1: {  	_ =	task.clear_ibuf [dreg:s7], $0x2FFFF;
	_ =	strace $0x9FFFFFFF  }
0xc2: {  	(tm) =	ssettm $0x7FFFFFFF  }
0xc3: {  	_ =	shalt  }
tec
execute0_lowered:
.L_overlay_start_1:
0x0: {  	(tag) =	ssettag $0x1  }
0x1: {  	s1 =	srdreg.scid  }
0x2: {  	s0 =	stileid.u32;
	s2 =	rddreg [dreg:$0x0]  }
0x3: {  	s5 =	rddreg [dreg:$0x1];
	s3 =	simm.s32 $0x0;
	s9 =	simm.s32 $0x1  }
0x4: {  	s10 =	simm.s32 $0x2710;
	s4 =	sand.u32 $0x1, s1;
	s30 =	sshll.u32 s0, $0x1  }
0x5: {  	s11 =	simm.s32 $0x4E20;
	s12 =	simm.s32 $0x7530;
	s6 =	sor.u32 s4, s30  }
0x6: {  	s13 =	simm.s32 $0x9C40;
	s4 =	ssub.s32 $0x2, s4;
	s6 =	smul.u32 $0x4E2, s6  }
0x7: {  	s14 =	simm.s32 $0x0;
	s1 =	rddreg [dreg:$0x2];
	s31 =	sshrl.u32 s4, $0x1  }
0x8: {  	[smem:$0x7FF] =	sst s3;
	s8 =	ssub.s32 s4, s31;
	s7 =	sadd.s32 s6, s5  }
0x9: {  	_ =	strace $0x80000050;
	s8 =	smax.u32 s8, $0x1;
	s4 =	sadd.s32 $0x4C00, s7  }
0xa: {  	s5 =	sadd.s32 $0x5D000, s7;
	s6 =	sadd.s32 $0x53200, s7;
	s7 =	sadd.s32 $0xEA00, s7  }
.LBB2_1:
0xb: {  	[tilespmem:s3], [sflag:$0x1] =	stream.linear.gather [hbm4b:s2+s3], $0x2710, $0x38;
	[tilespmem:$0xC350] =	vst v63  }
0xc: {  	_ =	swait.ge [sflag:s9], $0x2710  }
0xd: {  	[sflag:s9] =	ssyncset.done $0x0  }
0xe: {  	[sflag:s9] =	ssyncadd.s32 $0xFFFFD8F0  }
0xf: {  	[tilespmem:s10], [sflag:$0x1] =	stream.linear.gather [hbm4b:s4+s3], $0x2710, $0x38;
	[tilespmem:$0xC350] =	vst v63  }
0x10: {  	_ =	swait.ge [sflag:s9], $0x2710  }
0x11: {  	[sflag:s9] =	ssyncset.done $0x0  }
0x12: {  	[sflag:s9] =	ssyncadd.s32 $0xFFFFD8F0  }
0x13: {  	[tilespmem:s11], [sflag:$0x1] =	stream.linear.gather [hbm4b:s5+s3], $0x2710, $0x38;
	[tilespmem:$0xC350] =	vst v63  }
0x14: {  	_ =	swait.ge [sflag:s9], $0x2710  }
0x15: {  	[sflag:s9] =	ssyncset.done $0x0  }
0x16: {  	[sflag:s9] =	ssyncadd.s32 $0xFFFFD8F0  }
0x17: {  	[tilespmem:s12], [sflag:$0x1] =	stream.linear.gather [hbm4b:s6+s3], $0x2710, $0x38;
	[tilespmem:$0xC350] =	vst v63  }
0x18: {  	_ =	swait.ge [sflag:s9], $0x2710  }
0x19: {  	[sflag:s9] =	ssyncset.done $0x0  }
0x1a: {  	s15 =	simm.s32 $0x0;
	[sflag:s9] =	ssyncadd.s32 $0xFFFFD8F0  }
0x1b: {  	v0 =	vld [tilespmem:s15+$0x7530]  }
0x1c: {  	v1 =	vld [tilespmem:s15+$0x4E20];
	_ =	sdelay $0x6  }
0x1d: {  	v0 =	vld.idx.msk [tilespmem:v0+s3+$0x0], $0xffff  }
0x1e: {  	v1 =	vld.idx.msk [tilespmem:v1+s3+$0x0], $0xffff;
	_ =	sdelay $0x2  }
0x1f: {  	v2 =	vld [tilespmem:s15+$0x2710];
	_ =	sdelay $0x1  }
0x20: {  	v0 =	vadd.f32 v0, v1;
	_ =	sdelay $0x1  }
0x21: {  	v0 =	vmax.f32 v0, $0.0e+00  }
0x22: {  	v0 =	vadd.f32 v0, v2;
	_ =	sdelay $0x1  }
0x23: {  	v0 =	vsub.f32 $0.0e+00, v0;
	_ =	sdelay $0x1  }
0x24: {  	v0 =	vmul.f32 $1.442695020e+00, v0;
	_ =	sdelay $0x1  }
0x25: {  	(erf) = vpow2.f32 v0;
	_ =	sdelay $0x8  }
0x26: {  	v0 =	vpop (erf)  }
0x27: {  	v0 =	vadd.f32 $1.000000000e+00, v0;
	_ =	sdelay $0x1  }
0x28: {  	(erf) = vrcp.f32 v0;
	_ =	sdelay $0x1  }
0x29: {  	s17 =	simm.s32 $0x10  }
0x2a: {  	s16 =	simm.s32 $0x80;
	v0 =	vld [tilespmem:s17+$0x7530]  }
.LBB2_2:
0x2b: {  	p0 =	sne.s32 s16, $0x9C00;
	v1 =	vld [tilespmem:s17+$0x4E20];
	_ =	sdelay $0x4  }
0x2c: {  	v2 =	vpop (erf)  }
0x2d: {  	[tilespmem:s15+$0x9C40] =	vst v2;
	s15 =	smov.u32 s17  }
0x2e: {  	v0 =	vld.idx.msk [tilespmem:v0+s3+$0x0], $0xffff  }
0x2f: {  	v1 =	vld.idx.msk [tilespmem:v1+s3+$0x0], $0xffff;
	_ =	sdelay $0x3  }
0x30: {  	v2 =	vld [tilespmem:s15+$0x2710];
	_ =	sdelay $0x1  }
0x31: {  	v0 =	vadd.f32 v0, v1;
	_ =	sdelay $0x1  }
0x32: {  	v0 =	vmax.f32 v0, $0.0e+00  }
0x33: {  	v0 =	vadd.f32 v0, v2;
	_ =	sdelay $0x1  }
0x34: {  	v0 =	vsub.f32 $0.0e+00, v0;
	_ =	sdelay $0x1  }
0x35: {  	v0 =	vmul.f32 $1.442695020e+00, v0;
	_ =	sdelay $0x1  }
0x36: {  	(erf) = vpow2.f32 v0;
	_ =	sdelay $0x8  }
0x37: {  	v0 =	vpop (erf)  }
0x38: {  	v0 =	vadd.f32 $1.000000000e+00, v0  }
.Ltmp0:
0x39: {  	(pc) =	sbr.rel @p0 .LBB2_2-.Ltmp0, $3  }
0x3a: {  	(erf) = vrcp.f32 v0;
	_ =	sdelay $0x1  }
0x3b: {  	s17 =	sshra.s32 s16, $0x2  }
0x3c: {  	s16 =	sadd.s32 $0x40, s16;
	v0 =	vld [tilespmem:s17+$0x7530]  }
0x3d: {  	_ = 	snop  }
0x3e: {  	v1 =	vld [tilespmem:s17+$0x4E20];
	_ =	sdelay $0x4  }
0x3f: {  	v2 =	vpop (erf)  }
0x40: {  	[tilespmem:s15+$0x9C40] =	vst v2  }
0x41: {  	v0 =	vld.idx.msk [tilespmem:v0+s3+$0x0], $0xffff  }
0x42: {  	v1 =	vld.idx.msk [tilespmem:v1+s3+$0x0], $0xffff;
	_ =	sdelay $0x2  }
0x43: {  	v2 =	vld [tilespmem:s17+$0x2710];
	_ =	sdelay $0x1  }
0x44: {  	v0 =	vadd.f32 v0, v1;
	_ =	sdelay $0x1  }
0x45: {  	v0 =	vmax.f32 v0, $0.0e+00  }
0x46: {  	v0 =	vadd.f32 v0, v2;
	_ =	sdelay $0x1  }
0x47: {  	v0 =	vsub.f32 $0.0e+00, v0;
	_ =	sdelay $0x1  }
0x48: {  	v0 =	vmul.f32 $1.442695020e+00, v0;
	_ =	sdelay $0x1  }
0x49: {  	(erf) = vpow2.f32 v0;
	_ =	sdelay $0x8  }
0x4a: {  	v0 =	vpop (erf)  }
0x4b: {  	v0 =	vadd.f32 $1.000000000e+00, v0;
	_ =	sdelay $0x1  }
0x4c: {  	(erf) = vrcp.f32 v0;
	_ =	sdelay $0x7  }
0x4d: {  	s14 =	sadd.s32 $0x1, s14  }
0x4e: {  	p0 =	sne.s32 s14, s8;
	v0 =	vpop (erf)  }
.Ltmp1:
0x4f: {  	[tilespmem:s17+$0x9C40] =	vst v0;
	(pc) =	sbr.rel @p0 .LBB2_1-.Ltmp1, $4  }
0x50: {  	[hbm4b:s7+s3] =	stream.linear.scatter [tilespmem:s13], [sflag:$0x1], $0x2710, $0x38;
	[tilespmem:$0xC350] =	vst v63  }
0x51: {  	_ =	swait.ge [sflag:s9], $0x2710  }
0x52: {  	[sflag:s9] =	ssyncset.done $0x0  }
0x53: {  	[sflag:s9] =	ssyncadd.s32 $0xFFFFD8F0  }
0x54: {  	_ =	sfence.sel $0x180000  }
0x55: {  	[bflag:$0x0] =	sbarrier.arrive $0xFFFF  }
0x56: {  	p0 =	sne.s32 s0, $0x0;
	_ =	strace $0x90000050  }
0x57: {  	s0 =	sadd.s32 @!p0 $0x100000, s1;
	[bflag:$0x2] =	sbarrier.arrive $0xFFFF  }
0x58: {  	[sflag:s0] =	ssyncadd.tile.s32 @!p0 $0x1;
	_ =	shalt  }
.Lfunc_end2:
_tile_overlayer_lowered:
.L_overlay_start_2:
0x59: {  	(tag) =	ssettag $0x2  }
0x5a: {  	s0 =	rddreg [dreg:$0x0];
	s2 =	stileid.u32  }
0x5b: {  	s1 =	rddreg [dreg:$0x1];
	p0 =	sne.s32 s2, $0x0  }
0x5c: {  	s3 =	rddreg [dreg:$0x2];
	[bflag:$0x3] =	sbarrier.arrive $0xFFFF;
	s2 =	simm.s32 @!p0 $0x1C01  }
0x5d: {  	[timem:s3], [sflag:s2] =	dma.local @!p0 [hbm:s0], s1  }
0x5e: {  	s0 =	simm.s32 @!p0 $0x1  }
0x5f: {  	_ =	swait.ge @!p0 [sflag:s0], s1  }
0x60: {  	s1 =	ssub.s32 @!p0 $0x0, s1;
	[sflag:s0] =	ssyncset.done @!p0 $0x0  }
0x61: {  	[sflag:s0] =	ssyncadd.s32 @!p0 s1  }
0x62: {  	[bflag:$0x3] =	sbarrier.arrive $0xFFFF  }
0x63: {  	_ =	shalt  }

</sc_bundles>
